<compile_context>
chip_gen: v7x
topology: tpu7x:2x2x1
jax: 0.10.2.dev20260603
libtpu: 0.0.44.dev20260713+nightly
codegen_flags: <defaults>
</compile_context>

<pallas_src>
import functools
import jax
import jax.numpy as jnp
from jax import lax
from jax.experimental import pallas as pl
from jax.experimental.pallas import tpu as pltpu
from jax.experimental.pallas import tpu_sc as plsc

N = 100000
E = 1600000
F = 32

NC = 2
NS = 16
HALF = N // NC
ROWS_PER_TILE = 3136
PAD_ROWS = ROWS_PER_TILE * NS
TRASH = HALF
K = 128
CHUNKS = E // K
ITERS = (CHUNKS + NS - 1) // NS


ZCH = ROWS_PER_TILE // 8
EPAD = ITERS * NS * K
LAST = ITERS - 1


def _sc_edge_kernel(h_hbm, asrc_hbm, adst_hbm, ei_hbm,
                    acc_out, den_out,
                    ei0, ei1, sidx0, sidx1, asv0, asv1, adv0, adv1,
                    wv0, wv1, rows0, rows1, stg2, stg1,
                    acc_sh, den_sh,
                    ix0, ix1, ga0, ga1, gb0, gb1, gc0, gc1,
                    sw0, sw1, sr0, sr1):
    c = lax.axis_index("c")
    s = lax.axis_index("s")
    cbase = c * HALF
    eiv = (ei0, ei1)
    sidx = (sidx0, sidx1)
    asv = (asv0, asv1)
    adv = (adv0, adv1)
    wv = (wv0, wv1)
    rows = (rows0, rows1)
    ixs = (ix0, ix1)
    gas = (ga0, ga1)
    gbs = (gb0, gb1)
    gcs = (gc0, gc1)
    sws = (sw0, sw1)
    srs = (sr0, sr1)
    lane = jax.lax.iota(jnp.int32, 16)

    z16 = jnp.zeros((16,), jnp.float32)

    def zloop(j, _):
        stg2[j, pl.ds(0, 16)] = z16
        stg2[j, pl.ds(16, 16)] = z16
        return 0

    lax.fori_loop(0, ZCH, zloop, 0)

    def zloop1(j, _):
        stg1[pl.ds(j * 16, 16)] = z16
        return 0

    lax.fori_loop(0, ROWS_PER_TILE // 16, zloop1, 0)
    r0 = s * ROWS_PER_TILE
    for t in range(8):
        pltpu.sync_copy(stg2, acc_sh.at[pl.ds(r0 + t * ZCH, ZCH)])
    pltpu.sync_copy(stg1, den_sh.at[pl.ds(r0, ROWS_PER_TILE)])
    plsc.subcore_barrier()

    def idx_load(slot, it):
        chunk = it * NS + s
        pltpu.async_copy(ei_hbm.at[:, pl.ds(chunk * K, K)], eiv[slot], ixs[slot])

    def issue_gathers(slot):
        pass

    def wait_gathers(slot):
        pass

    def wait_scatters(slot):
        pltpu.make_async_copy(wv[slot], den_sh.at[sidx[slot]], sws[slot]).wait()

    def compute(slot, it):
        chunk = it * NS + s
        ebase = chunk * K
        for j in range(K // 16):
            sl = pl.ds(j * 16, 16)
            e = jnp.zeros((16,), jnp.float32)
            w16 = jnp.exp(jnp.maximum(e, e * 0.2))
            wv[slot][sl] = w16
            rel = eiv[slot][1, sl] - cbase
            eids = (ebase + j * 16) + lane
            ok = (rel >= 0) & (rel < HALF) & (eids < E)
            sidx[slot][sl] = jnp.where(ok, rel, TRASH)
            rbuf = rows[slot]

    idx_load(0, 0)
    idx_load(1, 1)
    pltpu.make_async_copy(ei_hbm.at[:, pl.ds(0, K)], eiv[0], ixs[0]).wait()
    issue_gathers(0)

    def body(i2, _):
        for slot in range(2):
            i = i2 * 2 + slot
            nxt = 1 - slot
            compute(slot, i)
        return 0

    lax.fori_loop(0, ITERS // 2, body, 0)
    pltpu.make_async_copy(ei_hbm.at[:, pl.ds(0, K)], eiv[1], ixs[1]).wait()
    plsc.subcore_barrier()

    o0 = c * PAD_ROWS + r0
    for t in range(8):
        pltpu.sync_copy(acc_sh.at[pl.ds(r0 + t * ZCH, ZCH)], stg2)
        pltpu.sync_copy(stg2, acc_out.at[pl.ds(o0 + t * ZCH, ZCH)])
    pltpu.sync_copy(den_sh.at[pl.ds(r0, ROWS_PER_TILE)], stg1)
    pltpu.sync_copy(stg1, den_out.at[pl.ds(o0, ROWS_PER_TILE)])


def _sc_edge_call(h, asrc, adst, ei_pad):
    mesh = plsc.VectorSubcoreMesh(core_axis_name="c", subcore_axis_name="s",
                                  num_cores=NC, num_subcores=NS)
    acc, den = pl.kernel(
        _sc_edge_kernel,
        out_type=[
            jax.ShapeDtypeStruct((NC * PAD_ROWS, F), jnp.float32),
            jax.ShapeDtypeStruct((NC * PAD_ROWS,), jnp.float32),
        ],
        mesh=mesh,
        compiler_params=pltpu.CompilerParams(use_tc_tiling_on_sc=False),
        scratch_types=(
            [pltpu.VMEM((2, K), jnp.int32)] * 2
            + [pltpu.VMEM((K,), jnp.int32)] * 2
            + [pltpu.VMEM((K,), jnp.float32)] * 4
            + [pltpu.VMEM((K,), jnp.float32)] * 2
            + [pltpu.VMEM((K, F), jnp.float32)] * 2
            + [pltpu.VMEM((ZCH, F), jnp.float32),
               pltpu.VMEM((ROWS_PER_TILE,), jnp.float32),
               pltpu.VMEM_SHARED((PAD_ROWS, F), jnp.float32),
               pltpu.VMEM_SHARED((PAD_ROWS,), jnp.float32)]
            + [pltpu.SemaphoreType.DMA] * 12
        ),
    )(h, asrc, adst, ei_pad)
    return acc, den


def _sc_halves(acc, den):
    acc_full = jnp.concatenate([acc[:HALF], acc[PAD_ROWS:PAD_ROWS + HALF]], axis=0)
    den_full = jnp.concatenate([den[:HALF], den[PAD_ROWS:PAD_ROWS + HALF]], axis=0)
    return acc_full, den_full


BLK = 2000
GRID = N // BLK


def _pre1_body(x_ref, w_ref, asr_ref, adr_ref, h_ref, as_ref, ad_ref):
    h = jnp.dot(x_ref[...], w_ref[...], preferred_element_type=jnp.float32)
    h_ref[...] = h
    as_ref[...] = jnp.sum(h * asr_ref[...], axis=1, keepdims=True)
    ad_ref[...] = jnp.sum(h * adr_ref[...], axis=1, keepdims=True)


def _pre1_call(x, W1, a_src, a_dst):
    return pl.pallas_call(
        _pre1_body,
        grid=(GRID,),
        in_specs=[
            pl.BlockSpec((BLK, 10), lambda i: (i, 0)),
            pl.BlockSpec((10, F), lambda i: (0, 0)),
            pl.BlockSpec((1, F), lambda i: (0, 0)),
            pl.BlockSpec((1, F), lambda i: (0, 0)),
        ],
        out_specs=[
            pl.BlockSpec((BLK, F), lambda i: (i, 0)),
            pl.BlockSpec((BLK, 1), lambda i: (i, 0)),
            pl.BlockSpec((BLK, 1), lambda i: (i, 0)),
        ],
        out_shape=[
            jax.ShapeDtypeStruct((N, F), jnp.float32),
            jax.ShapeDtypeStruct((N, 1), jnp.float32),
            jax.ShapeDtypeStruct((N, 1), jnp.float32),
        ],
    )(x, W1, a_src.reshape(1, F), a_dst.reshape(1, F))


def _post_body(acc_ref, den_ref, h_ref, as_ref, ad_ref, b_ref,
               y_ref, sum_ref, ssq_ref):
    i = pl.program_id(0)
    e = as_ref[...] + ad_ref[...]
    w = jnp.exp(jnp.maximum(e, e * 0.2))
    out = (acc_ref[...] + w * h_ref[...]) / (den_ref[...] + w + 1e-16) + b_ref[...]
    y = jnp.maximum(out, 0.0)
    y_ref[...] = y

    @pl.when(i == 0)
    def _():
        sum_ref[...] = jnp.zeros_like(sum_ref)
        ssq_ref[...] = jnp.zeros_like(ssq_ref)

    sum_ref[...] += jnp.sum(y, axis=0, keepdims=True)
    ssq_ref[...] += jnp.sum(y * y, axis=0, keepdims=True)


def _post_call(acc, den, h, as_, ad_, b):
    return pl.pallas_call(
        _post_body,
        grid=(GRID,),
        in_specs=[
            pl.BlockSpec((BLK, F), lambda i: (i, 0)),
            pl.BlockSpec((BLK, 1), lambda i: (i, 0)),
            pl.BlockSpec((BLK, F), lambda i: (i, 0)),
            pl.BlockSpec((BLK, 1), lambda i: (i, 0)),
            pl.BlockSpec((BLK, 1), lambda i: (i, 0)),
            pl.BlockSpec((1, F), lambda i: (0, 0)),
        ],
        out_specs=[
            pl.BlockSpec((BLK, F), lambda i: (i, 0)),
            pl.BlockSpec((1, F), lambda i: (0, 0)),
            pl.BlockSpec((1, F), lambda i: (0, 0)),
        ],
        out_shape=[
            jax.ShapeDtypeStruct((N, F), jnp.float32),
            jax.ShapeDtypeStruct((1, F), jnp.float32),
            jax.ShapeDtypeStruct((1, F), jnp.float32),
        ],
    )(acc, den.reshape(N, 1), h, as_, ad_, b.reshape(1, F))


def _pre2_body(y_ref, w2_ref, s_ref, t_ref, asr_ref, adr_ref,
               h_ref, as_ref, ad_ref):
    ybn = y_ref[...] * s_ref[...] + t_ref[...]
    h = jnp.dot(ybn, w2_ref[...], preferred_element_type=jnp.float32)
    h_ref[...] = h
    as_ref[...] = jnp.sum(h * asr_ref[...], axis=1, keepdims=True)
    ad_ref[...] = jnp.sum(h * adr_ref[...], axis=1, keepdims=True)


def _pre2_call(y, W2, s_row, t_row, a_src, a_dst):
    return pl.pallas_call(
        _pre2_body,
        grid=(GRID,),
        in_specs=[
            pl.BlockSpec((BLK, F), lambda i: (i, 0)),
            pl.BlockSpec((F, F), lambda i: (0, 0)),
            pl.BlockSpec((1, F), lambda i: (0, 0)),
            pl.BlockSpec((1, F), lambda i: (0, 0)),
            pl.BlockSpec((1, F), lambda i: (0, 0)),
            pl.BlockSpec((1, F), lambda i: (0, 0)),
        ],
        out_specs=[
            pl.BlockSpec((BLK, F), lambda i: (i, 0)),
            pl.BlockSpec((BLK, 1), lambda i: (i, 0)),
            pl.BlockSpec((BLK, 1), lambda i: (i, 0)),
        ],
        out_shape=[
            jax.ShapeDtypeStruct((N, F), jnp.float32),
            jax.ShapeDtypeStruct((N, 1), jnp.float32),
            jax.ShapeDtypeStruct((N, 1), jnp.float32),
        ],
    )(y, W2, s_row, t_row, a_src.reshape(1, F), a_dst.reshape(1, F))


def _apply_body(y_ref, s_ref, t_ref, o_ref):
    o_ref[...] = y_ref[...] * s_ref[...] + t_ref[...]


def _apply_call(y, s_row, t_row):
    return pl.pallas_call(
        _apply_body,
        grid=(GRID,),
        in_specs=[
            pl.BlockSpec((BLK, F), lambda i: (i, 0)),
            pl.BlockSpec((1, F), lambda i: (0, 0)),
            pl.BlockSpec((1, F), lambda i: (0, 0)),
        ],
        out_specs=pl.BlockSpec((BLK, F), lambda i: (i, 0)),
        out_shape=jax.ShapeDtypeStruct((N, F), jnp.float32),
    )(y, s_row, t_row)


def _bn_affine(sum_, ssq, g, be, eps=1e-5):
    mu = sum_ / N
    var = ssq / N - mu * mu
    s = g.reshape(1, F) / jnp.sqrt(var + eps)
    t = be.reshape(1, F) - mu * s
    return s, t


@jax.jit
def kernel(x, edge_index, edge_attr, W1, a_src1, a_dst1, b1, g1, be1,
           W2, a_src2, a_dst2, b2, g2, be2):
    ei_pad = jnp.concatenate(
        [edge_index.astype(jnp.int32),
         jnp.zeros((2, EPAD - E), jnp.int32)], axis=1)

    h1, as1, ad1 = _pre1_call(x, W1, a_src1, a_dst1)
    acc1, den1 = _sc_edge_call(h1, as1.reshape(N), ad1.reshape(N), ei_pad)
    acc1, den1 = _sc_halves(acc1, den1)
    y1, sm1, sq1 = _post_call(acc1, den1, h1, as1, ad1, b1)
    s1, t1 = _bn_affine(sm1, sq1, g1, be1)

    h2, as2, ad2 = _pre2_call(y1, W2, s1, t1, a_src2, a_dst2)
    acc2, den2 = _sc_edge_call(h2, as2.reshape(N), ad2.reshape(N), ei_pad)
    acc2, den2 = _sc_halves(acc2, den2)
    y2, sm2, sq2 = _post_call(acc2, den2, h2, as2, ad2, b2)
    s2, t2 = _bn_affine(sm2, sq2, g2, be2)

    return _apply_call(y2, s2, t2)

# --- scband reference (transcript-rebuilt; emitter-appended) ---
"""Pipeline reference for scband-graph-encoder-49761491091473 (READ-ONLY COPY).

The authoritative reference and input builder live on the scoring server;
editing this copy changes nothing except your own understanding.
"""

import jax, jax.numpy as jnp
import numpy as np

N_NODES = 100000
N_EDGES = 1600000


def _gat_layer(x, src, dst, n, W, a_src, a_dst, b):
    # GATConv (PyG defaults: heads=1, add_self_loops=True, negative_slope=0.2)
    h = x @ W
    loop = jnp.arange(n, dtype=src.dtype)
    src2 = jnp.concatenate([src, loop])
    dst2 = jnp.concatenate([dst, loop])
    alpha_s = (h * a_src).sum(-1)
    alpha_d = (h * a_dst).sum(-1)
    e = alpha_s[src2] + alpha_d[dst2]
    e = jax.nn.leaky_relu(e, negative_slope=0.2)
    # segment softmax over destination nodes
    emax = jax.ops.segment_max(e, dst2, num_segments=n)
    ex = jnp.exp(e - emax[dst2])
    denom = jax.ops.segment_sum(ex, dst2, num_segments=n)
    alpha = ex / (denom[dst2] + 1e-16)
    out = jax.ops.segment_sum(alpha[:, None] * h[src2], dst2, num_segments=n)
    return out + b


def _batchnorm(x, gamma, beta, eps=1e-5):
    mu = x.mean(axis=0)
    var = x.var(axis=0)
    return (x - mu) / jnp.sqrt(var + eps) * gamma + beta


def setup_inputs(seed: int = 0) -> dict:
    key = jax.random.key(seed)
    ks = jax.random.split(key, 16)
    x = jax.random.normal(ks[0], (N_NODES, 10), dtype=jnp.float32)
    edge_index = jax.random.randint(ks[1], (2, N_EDGES), 0, N_NODES, dtype=jnp.int64) if jax.config.jax_enable_x64 else jax.random.randint(ks[1], (2, N_EDGES), 0, N_NODES).astype(jnp.int32)
    edge_attr = jax.random.normal(ks[2], (N_EDGES, 4), dtype=jnp.float32)
    # layer 1: 10 -> 32
    W1 = jax.random.normal(ks[3], (10, 32), dtype=jnp.float32) * 0.3
    a_src1 = jax.random.normal(ks[4], (32,), dtype=jnp.float32) * 0.3
    a_dst1 = jax.random.normal(ks[5], (32,), dtype=jnp.float32) * 0.3
    b1 = jnp.zeros((32,), dtype=jnp.float32)
    g1 = jnp.ones((32,), dtype=jnp.float32)
    be1 = jnp.zeros((32,), dtype=jnp.float32)
    # layer 2: 32 -> 32
    W2 = jax.random.normal(ks[6], (32, 32), dtype=jnp.float32) * 0.2
    a_src2 = jax.random.normal(ks[7], (32,), dtype=jnp.float32) * 0.3
    a_dst2 = jax.random.normal(ks[8], (32,), dtype=jnp.float32) * 0.3
    b2 = jnp.zeros((32,), dtype=jnp.float32)
    g2 = jnp.ones((32,), dtype=jnp.float32)
    be2 = jnp.zeros((32,), dtype=jnp.float32)
    return {"x": x, "edge_index": edge_index, "edge_attr": edge_attr,
            "W1": W1, "a_src1": a_src1, "a_dst1": a_dst1, "b1": b1, "g1": g1, "be1": be1,
            "W2": W2, "a_src2": a_src2, "a_dst2": a_dst2, "b2": b2, "g2": g2, "be2": be2}


def reference(x, edge_index, edge_attr, W1, a_src1, a_dst1, b1, g1, be1,
              W2, a_src2, a_dst2, b2, g2, be2):
    # NOTE: GATConv here has edge_dim=None, so edge_attr does not enter the
    # attention computation (kept as an arg for signature fidelity).
    n = x.shape[0]
    src, dst = edge_index[0], edge_index[1]
    h = _gat_layer(x, src, dst, n, W1, a_src1, a_dst1, b1)
    h = jax.nn.relu(h)
    h = _batchnorm(h, g1, be1)
    # dropout is identity in deterministic/eval reference
    h = _gat_layer(h, src, dst, n, W2, a_src2, a_dst2, b2)
    h = jax.nn.relu(h)
    h = _batchnorm(h, g2, be2)
    return h

if __name__ == "__main__":
    import jax
    _d = setup_inputs()
    print(jax.jit(kernel)(*tuple(_d.values())))

</pallas_src>

<mosaic_0001>
#map = affine_map<(d0, d1) -> (0, 0)>
#map1 = affine_map<(d0, d1) -> (0)>
module attributes {stable_mosaic.version = 14 : i64} {
  func.func @_sc_edge_kernel(%arg0: i32, %arg1: i32, %arg2: memref<100000x32xf32, #tpu.memory_space<hbm>>, %arg3: memref<100000xf32, #tpu.memory_space<hbm>>, %arg4: memref<100000xf32, #tpu.memory_space<hbm>>, %arg5: memref<2x1601536xi32, #tpu.memory_space<hbm>>, %arg6: memref<100352x32xf32, #tpu.memory_space<hbm>>, %arg7: memref<100352xf32, #tpu.memory_space<hbm>>, %arg8: memref<2x128xi32, #tpu.memory_space<vmem>>, %arg9: memref<2x128xi32, #tpu.memory_space<vmem>>, %arg10: memref<128xi32, #tpu.memory_space<vmem>>, %arg11: memref<128xi32, #tpu.memory_space<vmem>>, %arg12: memref<128xf32, #tpu.memory_space<vmem>>, %arg13: memref<128xf32, #tpu.memory_space<vmem>>, %arg14: memref<128xf32, #tpu.memory_space<vmem>>, %arg15: memref<128xf32, #tpu.memory_space<vmem>>, %arg16: memref<128xf32, #tpu.memory_space<vmem>>, %arg17: memref<128xf32, #tpu.memory_space<vmem>>, %arg18: memref<128x32xf32, #tpu.memory_space<vmem>>, %arg19: memref<128x32xf32, #tpu.memory_space<vmem>>, %arg20: memref<392x32xf32, #tpu.memory_space<vmem>>, %arg21: memref<3136xf32, #tpu.memory_space<vmem>>, %arg22: memref<50176x32xf32, #tpu.memory_space<vmem_shared>>, %arg23: memref<50176xf32, #tpu.memory_space<vmem_shared>>, %arg24: memref<!tpu.dma_semaphore, #tpu.memory_space<semaphore_mem>>, %arg25: memref<!tpu.dma_semaphore, #tpu.memory_space<semaphore_mem>>, %arg26: memref<!tpu.dma_semaphore, #tpu.memory_space<semaphore_mem>>, %arg27: memref<!tpu.dma_semaphore, #tpu.memory_space<semaphore_mem>>, %arg28: memref<!tpu.dma_semaphore, #tpu.memory_space<semaphore_mem>>, %arg29: memref<!tpu.dma_semaphore, #tpu.memory_space<semaphore_mem>>, %arg30: memref<!tpu.dma_semaphore, #tpu.memory_space<semaphore_mem>>, %arg31: memref<!tpu.dma_semaphore, #tpu.memory_space<semaphore_mem>>, %arg32: memref<!tpu.dma_semaphore, #tpu.memory_space<semaphore_mem>>, %arg33: memref<!tpu.dma_semaphore, #tpu.memory_space<semaphore_mem>>, %arg34: memref<!tpu.dma_semaphore, #tpu.memory_space<semaphore_mem>>, %arg35: memref<!tpu.dma_semaphore, #tpu.memory_space<semaphore_mem>>) attributes {dimension_semantics = [#tpu.dimension_semantics<core_parallel>, #tpu.dimension_semantics<subcore_parallel>], iteration_bounds = array<i64: 2, 16>, scalar_prefetch = 0 : i64, scratch_operands = 28 : i64, tpu.core_type = #tpu.core_type<sc_vector_subcore>, window_params = [{transform_indices = #map}, {transform_indices = #map1}, {transform_indices = #map1}, {transform_indices = #map}, {transform_indices = #map}, {transform_indices = #map1}]} {
    %mul3A = arith.constant 50000 : i32
    %mul3A_0 = arith.muli %arg0, %mul3A : i32
    %iota3A = tpu.iota {dimensions = array<i32: 0>} : vector<16xi32>
    %broadcast_in_dim3A = arith.constant 0.000000e+00 : f32
    %broadcast_in_dim3A_1 = vector.broadcast %broadcast_in_dim3A : f32 to vector<16xf32>
    %scan3A = arith.constant 0 : i32
    %scan3A_2 = arith.constant 0 : i32
    %scan3A_3 = arith.constant 392 : i32
    %scan3A_4 = arith.addi %scan3A_2, %scan3A_3 : i32
    %scan3A_5 = arith.constant 1 : i32
    %scan3A_6 = scf.for %scan3A_101 = %scan3A_2 to %scan3A_4 step %scan3A_5 iter_args(%scan3A_102 = %scan3A) -> (i32)  : i32 {
      %swap3A = arith.index_cast %scan3A_101 : i32 to index
      %swap3A_103 = arith.constant 0 : index
      %swap3A_104 = tpu.vector_load %arg20[%swap3A, %swap3A_103] {strides = array<i32>} : memref<392x32xf32, #tpu.memory_space<vmem>>, vector<1x16xf32>,
      %swap3A_105 = vector.shape_cast %swap3A_104 : vector<1x16xf32> to vector<16xf32>
      %swap3A_106 = vector.shape_cast %broadcast_in_dim3A_1 : vector<16xf32> to vector<1x16xf32>
      tpu.vector_store %arg20[%swap3A, %swap3A_103], %swap3A_106 {strides = array<i32>} : memref<392x32xf32, #tpu.memory_space<vmem>>, vector<1x16xf32>,
      %swap3A_107 = arith.index_cast %scan3A_101 : i32 to index
      %swap3A_108 = arith.constant 16 : index
      %swap3A_109 = tpu.vector_load %arg20[%swap3A_107, %swap3A_108] {strides = array<i32>} : memref<392x32xf32, #tpu.memory_space<vmem>>, vector<1x16xf32>,
      %swap3A_110 = vector.shape_cast %swap3A_109 : vector<1x16xf32> to vector<16xf32>
      %swap3A_111 = vector.shape_cast %broadcast_in_dim3A_1 : vector<16xf32> to vector<1x16xf32>
      tpu.vector_store %arg20[%swap3A_107, %swap3A_108], %swap3A_111 {strides = array<i32>} : memref<392x32xf32, #tpu.memory_space<vmem>>, vector<1x16xf32>,
      %scan3A_112 = arith.constant 0 : i32
      scf.yield %scan3A_112 : i32
    }
    %scan3A_7 = arith.constant 392 : i32
    %scan3A_8 = arith.constant 0 : i32
    %scan3A_9 = arith.constant 0 : i32
    %scan3A_10 = arith.constant 196 : i32
    %scan3A_11 = arith.addi %scan3A_9, %scan3A_10 : i32
    %scan3A_12 = arith.constant 1 : i32
    %scan3A_13 = scf.for %scan3A_101 = %scan3A_9 to %scan3A_11 step %scan3A_12 iter_args(%scan3A_102 = %scan3A_8) -> (i32)  : i32 {
      %mul3A_103 = arith.constant 16 : i32
      %mul3A_104 = arith.muli %scan3A_101, %mul3A_103 : i32
      %swap3A = arith.index_cast %mul3A_104 : i32 to index
      %swap3A_105 = tpu.vector_load %arg21[%swap3A] {strides = array<i32>} : memref<3136xf32, #tpu.memory_space<vmem>>, vector<16xf32>,
      %swap3A_106 = vector.shape_cast %swap3A_105 : vector<16xf32> to vector<16xf32>
      %swap3A_107 = vector.shape_cast %broadcast_in_dim3A_1 : vector<16xf32> to vector<16xf32>
      tpu.vector_store %arg21[%swap3A], %swap3A_107 {strides = array<i32>} : memref<3136xf32, #tpu.memory_space<vmem>>, vector<16xf32>,
      %scan3A_108 = arith.constant 0 : i32
      scf.yield %scan3A_108 : i32
    }
    %scan3A_14 = arith.constant 196 : i32
    %mul3A_15 = arith.constant 3136 : i32
    %mul3A_16 = arith.muli %arg1, %mul3A_15 : i32
    %add3A = arith.constant 0 : i32
    %add3A_17 = arith.addi %mul3A_16, %add3A : i32
    "tpu.region"() ({
      %run_scoped3A = tpu.sem_alloc : memref<!tpu.dma_semaphore, #tpu.memory_space<semaphore_mem>>
      %dma_start3A_101 = arith.constant 0 : i32
      %dma_start3A_102 = tpu.memref_slice %arg22[%add3A_17, %dma_start3A_101] : memref<50176x32xf32, #tpu.memory_space<vmem_shared>> -> memref<392x32xf32, #tpu.memory_space<vmem_shared>>
      %dma_start3A_103 = arith.constant 0 : i32
      %dma_start3A_104 = tpu.memref_slice %arg22[%add3A_17, %dma_start3A_103] : memref<50176x32xf32, #tpu.memory_space<vmem_shared>> -> memref<392x32xf32, #tpu.memory_space<vmem_shared>>
      tpu.enqueue_dma source(%arg20 : memref<392x32xf32, #tpu.memory_space<vmem>>) target(%dma_start3A_104 : memref<392x32xf32, #tpu.memory_space<vmem_shared>>) target_semaphore(%run_scoped3A : memref<!tpu.dma_semaphore, #tpu.memory_space<semaphore_mem>>)
      %dma_wait3A_105 = arith.constant 0 : i32
      %dma_wait3A_106 = tpu.memref_slice %arg22[%add3A_17, %dma_wait3A_105] : memref<50176x32xf32, #tpu.memory_space<vmem_shared>> -> memref<392x32xf32, #tpu.memory_space<vmem_shared>>
      %dma_wait3A_107 = arith.constant 0 : i32
      %dma_wait3A_108 = tpu.memref_slice %arg22[%add3A_17, %dma_wait3A_107] : memref<50176x32xf32, #tpu.memory_space<vmem_shared>> -> memref<392x32xf32, #tpu.memory_space<vmem_shared>>
      tpu.wait_dma2 semaphore(%run_scoped3A : memref<!tpu.dma_semaphore, #tpu.memory_space<semaphore_mem>>) src(%arg20 : memref<392x32xf32, #tpu.memory_space<vmem>>) dst(%dma_wait3A_108 : memref<392x32xf32, #tpu.memory_space<vmem_shared>>)
      tpu.yield
    }) : () -> ()
    %add3A_18 = arith.constant 392 : i32
    %add3A_19 = arith.addi %mul3A_16, %add3A_18 : i32
    "tpu.region"() ({
      %run_scoped3A = tpu.sem_alloc : memref<!tpu.dma_semaphore, #tpu.memory_space<semaphore_mem>>
      %dma_start3A_101 = arith.constant 0 : i32
      %dma_start3A_102 = tpu.memref_slice %arg22[%add3A_19, %dma_start3A_101] : memref<50176x32xf32, #tpu.memory_space<vmem_shared>> -> memref<392x32xf32, #tpu.memory_space<vmem_shared>>
      %dma_start3A_103 = arith.constant 0 : i32
      %dma_start3A_104 = tpu.memref_slice %arg22[%add3A_19, %dma_start3A_103] : memref<50176x32xf32, #tpu.memory_space<vmem_shared>> -> memref<392x32xf32, #tpu.memory_space<vmem_shared>>
      tpu.enqueue_dma source(%arg20 : memref<392x32xf32, #tpu.memory_space<vmem>>) target(%dma_start3A_104 : memref<392x32xf32, #tpu.memory_space<vmem_shared>>) target_semaphore(%run_scoped3A : memref<!tpu.dma_semaphore, #tpu.memory_space<semaphore_mem>>)
      %dma_wait3A_105 = arith.constant 0 : i32
      %dma_wait3A_106 = tpu.memref_slice %arg22[%add3A_19, %dma_wait3A_105] : memref<50176x32xf32, #tpu.memory_space<vmem_shared>> -> memref<392x32xf32, #tpu.memory_space<vmem_shared>>
      %dma_wait3A_107 = arith.constant 0 : i32
      %dma_wait3A_108 = tpu.memref_slice %arg22[%add3A_19, %dma_wait3A_107] : memref<50176x32xf32, #tpu.memory_space<vmem_shared>> -> memref<392x32xf32, #tpu.memory_space<vmem_shared>>
      tpu.wait_dma2 semaphore(%run_scoped3A : memref<!tpu.dma_semaphore, #tpu.memory_space<semaphore_mem>>) src(%arg20 : memref<392x32xf32, #tpu.memory_space<vmem>>) dst(%dma_wait3A_108 : memref<392x32xf32, #tpu.memory_space<vmem_shared>>)
      tpu.yield
    }) : () -> ()
    %add3A_20 = arith.constant 784 : i32
    %add3A_21 = arith.addi %mul3A_16, %add3A_20 : i32
    "tpu.region"() ({
      %run_scoped3A = tpu.sem_alloc : memref<!tpu.dma_semaphore, #tpu.memory_space<semaphore_mem>>
      %dma_start3A_101 = arith.constant 0 : i32
      %dma_start3A_102 = tpu.memref_slice %arg22[%add3A_21, %dma_start3A_101] : memref<50176x32xf32, #tpu.memory_space<vmem_shared>> -> memref<392x32xf32, #tpu.memory_space<vmem_shared>>
      %dma_start3A_103 = arith.constant 0 : i32
      %dma_start3A_104 = tpu.memref_slice %arg22[%add3A_21, %dma_start3A_103] : memref<50176x32xf32, #tpu.memory_space<vmem_shared>> -> memref<392x32xf32, #tpu.memory_space<vmem_shared>>
      tpu.enqueue_dma source(%arg20 : memref<392x32xf32, #tpu.memory_space<vmem>>) target(%dma_start3A_104 : memref<392x32xf32, #tpu.memory_space<vmem_shared>>) target_semaphore(%run_scoped3A : memref<!tpu.dma_semaphore, #tpu.memory_space<semaphore_mem>>)
      %dma_wait3A_105 = arith.constant 0 : i32
      %dma_wait3A_106 = tpu.memref_slice %arg22[%add3A_21, %dma_wait3A_105] : memref<50176x32xf32, #tpu.memory_space<vmem_shared>> -> memref<392x32xf32, #tpu.memory_space<vmem_shared>>
      %dma_wait3A_107 = arith.constant 0 : i32
      %dma_wait3A_108 = tpu.memref_slice %arg22[%add3A_21, %dma_wait3A_107] : memref<50176x32xf32, #tpu.memory_space<vmem_shared>> -> memref<392x32xf32, #tpu.memory_space<vmem_shared>>
      tpu.wait_dma2 semaphore(%run_scoped3A : memref<!tpu.dma_semaphore, #tpu.memory_space<semaphore_mem>>) src(%arg20 : memref<392x32xf32, #tpu.memory_space<vmem>>) dst(%dma_wait3A_108 : memref<392x32xf32, #tpu.memory_space<vmem_shared>>)
      tpu.yield
    }) : () -> ()
    %add3A_22 = arith.constant 1176 : i32
    %add3A_23 = arith.addi %mul3A_16, %add3A_22 : i32
    "tpu.region"() ({
      %run_scoped3A = tpu.sem_alloc : memref<!tpu.dma_semaphore, #tpu.memory_space<semaphore_mem>>
      %dma_start3A_101 = arith.constant 0 : i32
      %dma_start3A_102 = tpu.memref_slice %arg22[%add3A_23, %dma_start3A_101] : memref<50176x32xf32, #tpu.memory_space<vmem_shared>> -> memref<392x32xf32, #tpu.memory_space<vmem_shared>>
      %dma_start3A_103 = arith.constant 0 : i32
      %dma_start3A_104 = tpu.memref_slice %arg22[%add3A_23, %dma_start3A_103] : memref<50176x32xf32, #tpu.memory_space<vmem_shared>> -> memref<392x32xf32, #tpu.memory_space<vmem_shared>>
      tpu.enqueue_dma source(%arg20 : memref<392x32xf32, #tpu.memory_space<vmem>>) target(%dma_start3A_104 : memref<392x32xf32, #tpu.memory_space<vmem_shared>>) target_semaphore(%run_scoped3A : memref<!tpu.dma_semaphore, #tpu.memory_space<semaphore_mem>>)
      %dma_wait3A_105 = arith.constant 0 : i32
      %dma_wait3A_106 = tpu.memref_slice %arg22[%add3A_23, %dma_wait3A_105] : memref<50176x32xf32, #tpu.memory_space<vmem_shared>> -> memref<392x32xf32, #tpu.memory_space<vmem_shared>>
      %dma_wait3A_107 = arith.constant 0 : i32
      %dma_wait3A_108 = tpu.memref_slice %arg22[%add3A_23, %dma_wait3A_107] : memref<50176x32xf32, #tpu.memory_space<vmem_shared>> -> memref<392x32xf32, #tpu.memory_space<vmem_shared>>
      tpu.wait_dma2 semaphore(%run_scoped3A : memref<!tpu.dma_semaphore, #tpu.memory_space<semaphore_mem>>) src(%arg20 : memref<392x32xf32, #tpu.memory_space<vmem>>) dst(%dma_wait3A_108 : memref<392x32xf32, #tpu.memory_space<vmem_shared>>)
      tpu.yield
    }) : () -> ()
    %add3A_24 = arith.constant 1568 : i32
    %add3A_25 = arith.addi %mul3A_16, %add3A_24 : i32
    "tpu.region"() ({
      %run_scoped3A = tpu.sem_alloc : memref<!tpu.dma_semaphore, #tpu.memory_space<semaphore_mem>>
      %dma_start3A_101 = arith.constant 0 : i32
      %dma_start3A_102 = tpu.memref_slice %arg22[%add3A_25, %dma_start3A_101] : memref<50176x32xf32, #tpu.memory_space<vmem_shared>> -> memref<392x32xf32, #tpu.memory_space<vmem_shared>>
      %dma_start3A_103 = arith.constant 0 : i32
      %dma_start3A_104 = tpu.memref_slice %arg22[%add3A_25, %dma_start3A_103] : memref<50176x32xf32, #tpu.memory_space<vmem_shared>> -> memref<392x32xf32, #tpu.memory_space<vmem_shared>>
      tpu.enqueue_dma source(%arg20 : memref<392x32xf32, #tpu.memory_space<vmem>>) target(%dma_start3A_104 : memref<392x32xf32, #tpu.memory_space<vmem_shared>>) target_semaphore(%run_scoped3A : memref<!tpu.dma_semaphore, #tpu.memory_space<semaphore_mem>>)
      %dma_wait3A_105 = arith.constant 0 : i32
      %dma_wait3A_106 = tpu.memref_slice %arg22[%add3A_25, %dma_wait3A_105] : memref<50176x32xf32, #tpu.memory_space<vmem_shared>> -> memref<392x32xf32, #tpu.memory_space<vmem_shared>>
      %dma_wait3A_107 = arith.constant 0 : i32
      %dma_wait3A_108 = tpu.memref_slice %arg22[%add3A_25, %dma_wait3A_107] : memref<50176x32xf32, #tpu.memory_space<vmem_shared>> -> memref<392x32xf32, #tpu.memory_space<vmem_shared>>
      tpu.wait_dma2 semaphore(%run_scoped3A : memref<!tpu.dma_semaphore, #tpu.memory_space<semaphore_mem>>) src(%arg20 : memref<392x32xf32, #tpu.memory_space<vmem>>) dst(%dma_wait3A_108 : memref<392x32xf32, #tpu.memory_space<vmem_shared>>)
      tpu.yield
    }) : () -> ()
    %add3A_26 = arith.constant 1960 : i32
    %add3A_27 = arith.addi %mul3A_16, %add3A_26 : i32
    "tpu.region"() ({
      %run_scoped3A = tpu.sem_alloc : memref<!tpu.dma_semaphore, #tpu.memory_space<semaphore_mem>>
      %dma_start3A_101 = arith.constant 0 : i32
      %dma_start3A_102 = tpu.memref_slice %arg22[%add3A_27, %dma_start3A_101] : memref<50176x32xf32, #tpu.memory_space<vmem_shared>> -> memref<392x32xf32, #tpu.memory_space<vmem_shared>>
      %dma_start3A_103 = arith.constant 0 : i32
      %dma_start3A_104 = tpu.memref_slice %arg22[%add3A_27, %dma_start3A_103] : memref<50176x32xf32, #tpu.memory_space<vmem_shared>> -> memref<392x32xf32, #tpu.memory_space<vmem_shared>>
      tpu.enqueue_dma source(%arg20 : memref<392x32xf32, #tpu.memory_space<vmem>>) target(%dma_start3A_104 : memref<392x32xf32, #tpu.memory_space<vmem_shared>>) target_semaphore(%run_scoped3A : memref<!tpu.dma_semaphore, #tpu.memory_space<semaphore_mem>>)
      %dma_wait3A_105 = arith.constant 0 : i32
      %dma_wait3A_106 = tpu.memref_slice %arg22[%add3A_27, %dma_wait3A_105] : memref<50176x32xf32, #tpu.memory_space<vmem_shared>> -> memref<392x32xf32, #tpu.memory_space<vmem_shared>>
      %dma_wait3A_107 = arith.constant 0 : i32
      %dma_wait3A_108 = tpu.memref_slice %arg22[%add3A_27, %dma_wait3A_107] : memref<50176x32xf32, #tpu.memory_space<vmem_shared>> -> memref<392x32xf32, #tpu.memory_space<vmem_shared>>
      tpu.wait_dma2 semaphore(%run_scoped3A : memref<!tpu.dma_semaphore, #tpu.memory_space<semaphore_mem>>) src(%arg20 : memref<392x32xf32, #tpu.memory_space<vmem>>) dst(%dma_wait3A_108 : memref<392x32xf32, #tpu.memory_space<vmem_shared>>)
      tpu.yield
    }) : () -> ()
    %add3A_28 = arith.constant 2352 : i32
    %add3A_29 = arith.addi %mul3A_16, %add3A_28 : i32
    "tpu.region"() ({
      %run_scoped3A = tpu.sem_alloc : memref<!tpu.dma_semaphore, #tpu.memory_space<semaphore_mem>>
      %dma_start3A_101 = arith.constant 0 : i32
      %dma_start3A_102 = tpu.memref_slice %arg22[%add3A_29, %dma_start3A_101] : memref<50176x32xf32, #tpu.memory_space<vmem_shared>> -> memref<392x32xf32, #tpu.memory_space<vmem_shared>>
      %dma_start3A_103 = arith.constant 0 : i32
      %dma_start3A_104 = tpu.memref_slice %arg22[%add3A_29, %dma_start3A_103] : memref<50176x32xf32, #tpu.memory_space<vmem_shared>> -> memref<392x32xf32, #tpu.memory_space<vmem_shared>>
      tpu.enqueue_dma source(%arg20 : memref<392x32xf32, #tpu.memory_space<vmem>>) target(%dma_start3A_104 : memref<392x32xf32, #tpu.memory_space<vmem_shared>>) target_semaphore(%run_scoped3A : memref<!tpu.dma_semaphore, #tpu.memory_space<semaphore_mem>>)
      %dma_wait3A_105 = arith.constant 0 : i32
      %dma_wait3A_106 = tpu.memref_slice %arg22[%add3A_29, %dma_wait3A_105] : memref<50176x32xf32, #tpu.memory_space<vmem_shared>> -> memref<392x32xf32, #tpu.memory_space<vmem_shared>>
      %dma_wait3A_107 = arith.constant 0 : i32
      %dma_wait3A_108 = tpu.memref_slice %arg22[%add3A_29, %dma_wait3A_107] : memref<50176x32xf32, #tpu.memory_space<vmem_shared>> -> memref<392x32xf32, #tpu.memory_space<vmem_shared>>
      tpu.wait_dma2 semaphore(%run_scoped3A : memref<!tpu.dma_semaphore, #tpu.memory_space<semaphore_mem>>) src(%arg20 : memref<392x32xf32, #tpu.memory_space<vmem>>) dst(%dma_wait3A_108 : memref<392x32xf32, #tpu.memory_space<vmem_shared>>)
      tpu.yield
    }) : () -> ()
    %add3A_30 = arith.constant 2744 : i32
    %add3A_31 = arith.addi %mul3A_16, %add3A_30 : i32
    "tpu.region"() ({
      %run_scoped3A = tpu.sem_alloc : memref<!tpu.dma_semaphore, #tpu.memory_space<semaphore_mem>>
      %dma_start3A_101 = arith.constant 0 : i32
      %dma_start3A_102 = tpu.memref_slice %arg22[%add3A_31, %dma_start3A_101] : memref<50176x32xf32, #tpu.memory_space<vmem_shared>> -> memref<392x32xf32, #tpu.memory_space<vmem_shared>>
      %dma_start3A_103 = arith.constant 0 : i32
      %dma_start3A_104 = tpu.memref_slice %arg22[%add3A_31, %dma_start3A_103] : memref<50176x32xf32, #tpu.memory_space<vmem_shared>> -> memref<392x32xf32, #tpu.memory_space<vmem_shared>>
      tpu.enqueue_dma source(%arg20 : memref<392x32xf32, #tpu.memory_space<vmem>>) target(%dma_start3A_104 : memref<392x32xf32, #tpu.memory_space<vmem_shared>>) target_semaphore(%run_scoped3A : memref<!tpu.dma_semaphore, #tpu.memory_space<semaphore_mem>>)
      %dma_wait3A_105 = arith.constant 0 : i32
      %dma_wait3A_106 = tpu.memref_slice %arg22[%add3A_31, %dma_wait3A_105] : memref<50176x32xf32, #tpu.memory_space<vmem_shared>> -> memref<392x32xf32, #tpu.memory_space<vmem_shared>>
      %dma_wait3A_107 = arith.constant 0 : i32
      %dma_wait3A_108 = tpu.memref_slice %arg22[%add3A_31, %dma_wait3A_107] : memref<50176x32xf32, #tpu.memory_space<vmem_shared>> -> memref<392x32xf32, #tpu.memory_space<vmem_shared>>
      tpu.wait_dma2 semaphore(%run_scoped3A : memref<!tpu.dma_semaphore, #tpu.memory_space<semaphore_mem>>) src(%arg20 : memref<392x32xf32, #tpu.memory_space<vmem>>) dst(%dma_wait3A_108 : memref<392x32xf32, #tpu.memory_space<vmem_shared>>)
      tpu.yield
    }) : () -> ()
    "tpu.region"() ({
      %run_scoped3A = tpu.sem_alloc : memref<!tpu.dma_semaphore, #tpu.memory_space<semaphore_mem>>
      %dma_start3A_101 = tpu.memref_slice %arg23[%mul3A_16] : memref<50176xf32, #tpu.memory_space<vmem_shared>> -> memref<3136xf32, #tpu.memory_space<vmem_shared>>
      %dma_start3A_102 = tpu.memref_slice %arg23[%mul3A_16] : memref<50176xf32, #tpu.memory_space<vmem_shared>> -> memref<3136xf32, #tpu.memory_space<vmem_shared>>
      tpu.enqueue_dma source(%arg21 : memref<3136xf32, #tpu.memory_space<vmem>>) target(%dma_start3A_102 : memref<3136xf32, #tpu.memory_space<vmem_shared>>) target_semaphore(%run_scoped3A : memref<!tpu.dma_semaphore, #tpu.memory_space<semaphore_mem>>)
      %dma_wait3A_103 = tpu.memref_slice %arg23[%mul3A_16] : memref<50176xf32, #tpu.memory_space<vmem_shared>> -> memref<3136xf32, #tpu.memory_space<vmem_shared>>
      %dma_wait3A_104 = tpu.memref_slice %arg23[%mul3A_16] : memref<50176xf32, #tpu.memory_space<vmem_shared>> -> memref<3136xf32, #tpu.memory_space<vmem_shared>>
      tpu.wait_dma2 semaphore(%run_scoped3A : memref<!tpu.dma_semaphore, #tpu.memory_space<semaphore_mem>>) src(%arg21 : memref<3136xf32, #tpu.memory_space<vmem>>) dst(%dma_wait3A_104 : memref<3136xf32, #tpu.memory_space<vmem_shared>>)
      tpu.yield
    }) : () -> ()
    %barrier3A = arith.constant 0 : index
    tpu.barrier barrier_id(%barrier3A)
    %add3A_32 = arith.constant 0 : i32
    %add3A_33 = arith.addi %add3A_32, %arg1 : i32
    %mul3A_34 = arith.constant 128 : i32
    %mul3A_35 = arith.muli %add3A_33, %mul3A_34 : i32
    %dma_start3A = arith.constant 0 : i32
    %dma_start3A_36 = tpu.memref_slice %arg5[%dma_start3A, %mul3A_35] : memref<2x1601536xi32, #tpu.memory_space<hbm>> -> memref<2x128xi32, #tpu.memory_space<hbm>>
    %dma_start3A_37 = arith.constant 0 : i32
    %dma_start3A_38 = tpu.memref_slice %arg5[%dma_start3A_37, %mul3A_35] : memref<2x1601536xi32, #tpu.memory_space<hbm>> -> memref<2x128xi32, #tpu.memory_space<hbm>>
    tpu.enqueue_dma source(%dma_start3A_38 : memref<2x128xi32, #tpu.memory_space<hbm>>) target(%arg8 : memref<2x128xi32, #tpu.memory_space<vmem>>) target_semaphore(%arg24 : memref<!tpu.dma_semaphore, #tpu.memory_space<semaphore_mem>>)
    %add3A_39 = arith.constant 16 : i32
    %add3A_40 = arith.addi %add3A_39, %arg1 : i32
    %mul3A_41 = arith.constant 128 : i32
    %mul3A_42 = arith.muli %add3A_40, %mul3A_41 : i32
    %dma_start3A_43 = arith.constant 0 : i32
    %dma_start3A_44 = tpu.memref_slice %arg5[%dma_start3A_43, %mul3A_42] : memref<2x1601536xi32, #tpu.memory_space<hbm>> -> memref<2x128xi32, #tpu.memory_space<hbm>>
    %dma_start3A_45 = arith.constant 0 : i32
    %dma_start3A_46 = tpu.memref_slice %arg5[%dma_start3A_45, %mul3A_42] : memref<2x1601536xi32, #tpu.memory_space<hbm>> -> memref<2x128xi32, #tpu.memory_space<hbm>>
    tpu.enqueue_dma source(%dma_start3A_46 : memref<2x128xi32, #tpu.memory_space<hbm>>) target(%arg9 : memref<2x128xi32, #tpu.memory_space<vmem>>) target_semaphore(%arg25 : memref<!tpu.dma_semaphore, #tpu.memory_space<semaphore_mem>>)
    %dma_wait3A = arith.constant 0 : i32
    %dma_wait3A_47 = arith.constant 0 : i32
    %dma_wait3A_48 = tpu.memref_slice %arg5[%dma_wait3A, %dma_wait3A_47] : memref<2x1601536xi32, #tpu.memory_space<hbm>> -> memref<2x128xi32, #tpu.memory_space<hbm>>
    %dma_wait3A_49 = arith.constant 0 : i32
    %dma_wait3A_50 = arith.constant 0 : i32
    %dma_wait3A_51 = tpu.memref_slice %arg5[%dma_wait3A_49, %dma_wait3A_50] : memref<2x1601536xi32, #tpu.memory_space<hbm>> -> memref<2x128xi32, #tpu.memory_space<hbm>>
    tpu.wait_dma2 semaphore(%arg24 : memref<!tpu.dma_semaphore, #tpu.memory_space<semaphore_mem>>) src(%dma_wait3A_51 : memref<2x128xi32, #tpu.memory_space<hbm>>) dst(%arg8 : memref<2x128xi32, #tpu.memory_space<vmem>>)
    %scan3A_52 = arith.constant 0 : i32
    %scan3A_53 = arith.constant 0 : i32
    %scan3A_54 = arith.constant 391 : i32
    %scan3A_55 = arith.addi %scan3A_53, %scan3A_54 : i32
    %scan3A_56 = arith.constant 1 : i32
    %scan3A_57 = scf.for %scan3A_101 = %scan3A_53 to %scan3A_55 step %scan3A_56 iter_args(%scan3A_102 = %scan3A_52) -> (i32)  : i32 {
      %mul3A_103 = arith.constant 2 : i32
      %mul3A_104 = arith.muli %scan3A_101, %mul3A_103 : i32
      %add3A_105 = arith.constant 0 : i32
      %add3A_106 = arith.addi %mul3A_104, %add3A_105 : i32
      %mul3A_107 = arith.constant 16 : i32
      %mul3A_108 = arith.muli %add3A_106, %mul3A_107 : i32
      %add3A_109 = arith.addi %mul3A_108, %arg1 : i32
      %mul3A_110 = arith.constant 128 : i32
      %mul3A_111 = arith.muli %add3A_109, %mul3A_110 : i32
      %broadcast_in_dim3A_112 = arith.constant 0.000000e+00 : f32
      %broadcast_in_dim3A_113 = vector.broadcast %broadcast_in_dim3A_112 : f32 to vector<16xf32>
      %mul3A_114 = arith.constant 2.000000e-01 : f32
      %mul3A_115 = vector.broadcast %mul3A_114 : f32 to vector<16xf32>
      %mul3A_116 = arith.mulf %broadcast_in_dim3A_113, %mul3A_115 : vector<16xf32>
      %max3A = arith.maximumf %broadcast_in_dim3A_113, %mul3A_116 : vector<16xf32>
      %exp3A = math.exp %max3A : vector<16xf32>
      %swap3A = arith.constant 0 : index
      %swap3A_117 = tpu.vector_load %arg16[%swap3A] {strides = array<i32>} : memref<128xf32, #tpu.memory_space<vmem>>, vector<16xf32>,
      %swap3A_118 = vector.shape_cast %swap3A_117 : vector<16xf32> to vector<16xf32>
      %swap3A_119 = vector.shape_cast %exp3A : vector<16xf32> to vector<16xf32>
      tpu.vector_store %arg16[%swap3A], %swap3A_119 {strides = array<i32>} : memref<128xf32, #tpu.memory_space<vmem>>, vector<16xf32>,
      %get3A = arith.constant 1 : i32
      %get3A_120 = arith.index_cast %get3A : i32 to index
      %get3A_121 = arith.constant 0 : index
      %get3A_122 = tpu.vector_load %arg8[%get3A_120, %get3A_121] {strides = array<i32>} : memref<2x128xi32, #tpu.memory_space<vmem>>, vector<1x16xi32>,
      %get3A_123 = vector.shape_cast %get3A_122 : vector<1x16xi32> to vector<16xi32>
      %sub3A = vector.broadcast %mul3A_0 : i32 to vector<16xi32>
      %sub3A_124 = arith.subi %get3A_123, %sub3A : vector<16xi32>
      %add3A_125 = arith.constant 0 : i32
      %add3A_126 = arith.addi %mul3A_111, %add3A_125 : i32
      %add3A_127 = vector.broadcast %add3A_126 : i32 to vector<16xi32>
      %add3A_128 = arith.addi %add3A_127, %iota3A : vector<16xi32>
      %ge3A = arith.constant 0 : i32
      %ge3A_129 = vector.broadcast %ge3A : i32 to vector<16xi32>
      %ge3A_130 = arith.cmpi sge, %sub3A_124, %ge3A_129 : vector<16xi32>
      %lt3A = arith.constant 50000 : i32
      %lt3A_131 = vector.broadcast %lt3A : i32 to vector<16xi32>
      %lt3A_132 = arith.cmpi slt, %sub3A_124, %lt3A_131 : vector<16xi32>
      %and3A = arith.andi %ge3A_130, %lt3A_132 : vector<16xi1>
      %lt3A_133 = arith.constant 1600000 : i32
      %lt3A_134 = vector.broadcast %lt3A_133 : i32 to vector<16xi32>
      %lt3A_135 = arith.cmpi slt, %add3A_128, %lt3A_134 : vector<16xi32>
      %and3A_136 = arith.andi %and3A, %lt3A_135 : vector<16xi1>
      %jit3A = arith.constant 50000 : i32
      %broadcast_in_dim3A_137 = vector.broadcast %jit3A : i32 to vector<16xi32>
      %select_n3A = arith.select %and3A_136, %sub3A_124, %broadcast_in_dim3A_137 : vector<16xi1>, vector<16xi32>
      %swap3A_138 = arith.constant 0 : index
      %swap3A_139 = tpu.vector_load %arg10[%swap3A_138] {strides = array<i32>} : memref<128xi32, #tpu.memory_space<vmem>>, vector<16xi32>,
      %swap3A_140 = vector.shape_cast %swap3A_139 : vector<16xi32> to vector<16xi32>
      %swap3A_141 = vector.shape_cast %select_n3A : vector<16xi32> to vector<16xi32>
      tpu.vector_store %arg10[%swap3A_138], %swap3A_141 {strides = array<i32>} : memref<128xi32, #tpu.memory_space<vmem>>, vector<16xi32>,
      %broadcast_in_dim3A_142 = arith.constant 0.000000e+00 : f32
      %broadcast_in_dim3A_143 = vector.broadcast %broadcast_in_dim3A_142 : f32 to vector<16xf32>
      %mul3A_144 = arith.constant 2.000000e-01 : f32
      %mul3A_145 = vector.broadcast %mul3A_144 : f32 to vector<16xf32>
      %mul3A_146 = arith.mulf %broadcast_in_dim3A_143, %mul3A_145 : vector<16xf32>
      %max3A_147 = arith.maximumf %broadcast_in_dim3A_143, %mul3A_146 : vector<16xf32>
      %exp3A_148 = math.exp %max3A_147 : vector<16xf32>
      %swap3A_149 = arith.constant 16 : index
      %swap3A_150 = tpu.vector_load %arg16[%swap3A_149] {strides = array<i32>} : memref<128xf32, #tpu.memory_space<vmem>>, vector<16xf32>,
      %swap3A_151 = vector.shape_cast %swap3A_150 : vector<16xf32> to vector<16xf32>
      %swap3A_152 = vector.shape_cast %exp3A_148 : vector<16xf32> to vector<16xf32>
      tpu.vector_store %arg16[%swap3A_149], %swap3A_152 {strides = array<i32>} : memref<128xf32, #tpu.memory_space<vmem>>, vector<16xf32>,
      %get3A_153 = arith.constant 1 : i32
      %get3A_154 = arith.index_cast %get3A_153 : i32 to index
      %get3A_155 = arith.constant 16 : index
      %get3A_156 = tpu.vector_load %arg8[%get3A_154, %get3A_155] {strides = array<i32>} : memref<2x128xi32, #tpu.memory_space<vmem>>, vector<1x16xi32>,
      %get3A_157 = vector.shape_cast %get3A_156 : vector<1x16xi32> to vector<16xi32>
      %sub3A_158 = vector.broadcast %mul3A_0 : i32 to vector<16xi32>
      %sub3A_159 = arith.subi %get3A_157, %sub3A_158 : vector<16xi32>
      %add3A_160 = arith.constant 16 : i32
      %add3A_161 = arith.addi %mul3A_111, %add3A_160 : i32
      %add3A_162 = vector.broadcast %add3A_161 : i32 to vector<16xi32>
      %add3A_163 = arith.addi %add3A_162, %iota3A : vector<16xi32>
      %ge3A_164 = arith.constant 0 : i32
      %ge3A_165 = vector.broadcast %ge3A_164 : i32 to vector<16xi32>
      %ge3A_166 = arith.cmpi sge, %sub3A_159, %ge3A_165 : vector<16xi32>
      %lt3A_167 = arith.constant 50000 : i32
      %lt3A_168 = vector.broadcast %lt3A_167 : i32 to vector<16xi32>
      %lt3A_169 = arith.cmpi slt, %sub3A_159, %lt3A_168 : vector<16xi32>
      %and3A_170 = arith.andi %ge3A_166, %lt3A_169 : vector<16xi1>
      %lt3A_171 = arith.constant 1600000 : i32
      %lt3A_172 = vector.broadcast %lt3A_171 : i32 to vector<16xi32>
      %lt3A_173 = arith.cmpi slt, %add3A_163, %lt3A_172 : vector<16xi32>
      %and3A_174 = arith.andi %and3A_170, %lt3A_173 : vector<16xi1>
      %jit3A_175 = arith.constant 50000 : i32
      %broadcast_in_dim3A_176 = vector.broadcast %jit3A_175 : i32 to vector<16xi32>
      %select_n3A_177 = arith.select %and3A_174, %sub3A_159, %broadcast_in_dim3A_176 : vector<16xi1>, vector<16xi32>
      %swap3A_178 = arith.constant 16 : index
      %swap3A_179 = tpu.vector_load %arg10[%swap3A_178] {strides = array<i32>} : memref<128xi32, #tpu.memory_space<vmem>>, vector<16xi32>,
      %swap3A_180 = vector.shape_cast %swap3A_179 : vector<16xi32> to vector<16xi32>
      %swap3A_181 = vector.shape_cast %select_n3A_177 : vector<16xi32> to vector<16xi32>
      tpu.vector_store %arg10[%swap3A_178], %swap3A_181 {strides = array<i32>} : memref<128xi32, #tpu.memory_space<vmem>>, vector<16xi32>,
      %broadcast_in_dim3A_182 = arith.constant 0.000000e+00 : f32
      %broadcast_in_dim3A_183 = vector.broadcast %broadcast_in_dim3A_182 : f32 to vector<16xf32>
      %mul3A_184 = arith.constant 2.000000e-01 : f32
      %mul3A_185 = vector.broadcast %mul3A_184 : f32 to vector<16xf32>
      %mul3A_186 = arith.mulf %broadcast_in_dim3A_183, %mul3A_185 : vector<16xf32>
      %max3A_187 = arith.maximumf %broadcast_in_dim3A_183, %mul3A_186 : vector<16xf32>
      %exp3A_188 = math.exp %max3A_187 : vector<16xf32>
      %swap3A_189 = arith.constant 32 : index
      %swap3A_190 = tpu.vector_load %arg16[%swap3A_189] {strides = array<i32>} : memref<128xf32, #tpu.memory_space<vmem>>, vector<16xf32>,
      %swap3A_191 = vector.shape_cast %swap3A_190 : vector<16xf32> to vector<16xf32>
      %swap3A_192 = vector.shape_cast %exp3A_188 : vector<16xf32> to vector<16xf32>
      tpu.vector_store %arg16[%swap3A_189], %swap3A_192 {strides = array<i32>} : memref<128xf32, #tpu.memory_space<vmem>>, vector<16xf32>,
      %get3A_193 = arith.constant 1 : i32
      %get3A_194 = arith.index_cast %get3A_193 : i32 to index
      %get3A_195 = arith.constant 32 : index
      %get3A_196 = tpu.vector_load %arg8[%get3A_194, %get3A_195] {strides = array<i32>} : memref<2x128xi32, #tpu.memory_space<vmem>>, vector<1x16xi32>,
      %get3A_197 = vector.shape_cast %get3A_196 : vector<1x16xi32> to vector<16xi32>
      %sub3A_198 = vector.broadcast %mul3A_0 : i32 to vector<16xi32>
      %sub3A_199 = arith.subi %get3A_197, %sub3A_198 : vector<16xi32>
      %add3A_200 = arith.constant 32 : i32
      %add3A_201 = arith.addi %mul3A_111, %add3A_200 : i32
      %add3A_202 = vector.broadcast %add3A_201 : i32 to vector<16xi32>
      %add3A_203 = arith.addi %add3A_202, %iota3A : vector<16xi32>
      %ge3A_204 = arith.constant 0 : i32
      %ge3A_205 = vector.broadcast %ge3A_204 : i32 to vector<16xi32>
      %ge3A_206 = arith.cmpi sge, %sub3A_199, %ge3A_205 : vector<16xi32>
      %lt3A_207 = arith.constant 50000 : i32
      %lt3A_208 = vector.broadcast %lt3A_207 : i32 to vector<16xi32>
      %lt3A_209 = arith.cmpi slt, %sub3A_199, %lt3A_208 : vector<16xi32>
      %and3A_210 = arith.andi %ge3A_206, %lt3A_209 : vector<16xi1>
      %lt3A_211 = arith.constant 1600000 : i32
      %lt3A_212 = vector.broadcast %lt3A_211 : i32 to vector<16xi32>
      %lt3A_213 = arith.cmpi slt, %add3A_203, %lt3A_212 : vector<16xi32>
      %and3A_214 = arith.andi %and3A_210, %lt3A_213 : vector<16xi1>
      %jit3A_215 = arith.constant 50000 : i32
      %broadcast_in_dim3A_216 = vector.broadcast %jit3A_215 : i32 to vector<16xi32>
      %select_n3A_217 = arith.select %and3A_214, %sub3A_199, %broadcast_in_dim3A_216 : vector<16xi1>, vector<16xi32>
      %swap3A_218 = arith.constant 32 : index
      %swap3A_219 = tpu.vector_load %arg10[%swap3A_218] {strides = array<i32>} : memref<128xi32, #tpu.memory_space<vmem>>, vector<16xi32>,
      %swap3A_220 = vector.shape_cast %swap3A_219 : vector<16xi32> to vector<16xi32>
      %swap3A_221 = vector.shape_cast %select_n3A_217 : vector<16xi32> to vector<16xi32>
      tpu.vector_store %arg10[%swap3A_218], %swap3A_221 {strides = array<i32>} : memref<128xi32, #tpu.memory_space<vmem>>, vector<16xi32>,
      %broadcast_in_dim3A_222 = arith.constant 0.000000e+00 : f32
      %broadcast_in_dim3A_223 = vector.broadcast %broadcast_in_dim3A_222 : f32 to vector<16xf32>
      %mul3A_224 = arith.constant 2.000000e-01 : f32
      %mul3A_225 = vector.broadcast %mul3A_224 : f32 to vector<16xf32>
      %mul3A_226 = arith.mulf %broadcast_in_dim3A_223, %mul3A_225 : vector<16xf32>
      %max3A_227 = arith.maximumf %broadcast_in_dim3A_223, %mul3A_226 : vector<16xf32>
      %exp3A_228 = math.exp %max3A_227 : vector<16xf32>
      %swap3A_229 = arith.constant 48 : index
      %swap3A_230 = tpu.vector_load %arg16[%swap3A_229] {strides = array<i32>} : memref<128xf32, #tpu.memory_space<vmem>>, vector<16xf32>,
      %swap3A_231 = vector.shape_cast %swap3A_230 : vector<16xf32> to vector<16xf32>
      %swap3A_232 = vector.shape_cast %exp3A_228 : vector<16xf32> to vector<16xf32>
      tpu.vector_store %arg16[%swap3A_229], %swap3A_232 {strides = array<i32>} : memref<128xf32, #tpu.memory_space<vmem>>, vector<16xf32>,
      %get3A_233 = arith.constant 1 : i32
      %get3A_234 = arith.index_cast %get3A_233 : i32 to index
      %get3A_235 = arith.constant 48 : index
      %get3A_236 = tpu.vector_load %arg8[%get3A_234, %get3A_235] {strides = array<i32>} : memref<2x128xi32, #tpu.memory_space<vmem>>, vector<1x16xi32>,
      %get3A_237 = vector.shape_cast %get3A_236 : vector<1x16xi32> to vector<16xi32>
      %sub3A_238 = vector.broadcast %mul3A_0 : i32 to vector<16xi32>
      %sub3A_239 = arith.subi %get3A_237, %sub3A_238 : vector<16xi32>
      %add3A_240 = arith.constant 48 : i32
      %add3A_241 = arith.addi %mul3A_111, %add3A_240 : i32
      %add3A_242 = vector.broadcast %add3A_241 : i32 to vector<16xi32>
      %add3A_243 = arith.addi %add3A_242, %iota3A : vector<16xi32>
      %ge3A_244 = arith.constant 0 : i32
      %ge3A_245 = vector.broadcast %ge3A_244 : i32 to vector<16xi32>
      %ge3A_246 = arith.cmpi sge, %sub3A_239, %ge3A_245 : vector<16xi32>
      %lt3A_247 = arith.constant 50000 : i32
      %lt3A_248 = vector.broadcast %lt3A_247 : i32 to vector<16xi32>
      %lt3A_249 = arith.cmpi slt, %sub3A_239, %lt3A_248 : vector<16xi32>
      %and3A_250 = arith.andi %ge3A_246, %lt3A_249 : vector<16xi1>
      %lt3A_251 = arith.constant 1600000 : i32
      %lt3A_252 = vector.broadcast %lt3A_251 : i32 to vector<16xi32>
      %lt3A_253 = arith.cmpi slt, %add3A_243, %lt3A_252 : vector<16xi32>
      %and3A_254 = arith.andi %and3A_250, %lt3A_253 : vector<16xi1>
      %jit3A_255 = arith.constant 50000 : i32
      %broadcast_in_dim3A_256 = vector.broadcast %jit3A_255 : i32 to vector<16xi32>
      %select_n3A_257 = arith.select %and3A_254, %sub3A_239, %broadcast_in_dim3A_256 : vector<16xi1>, vector<16xi32>
      %swap3A_258 = arith.constant 48 : index
      %swap3A_259 = tpu.vector_load %arg10[%swap3A_258] {strides = array<i32>} : memref<128xi32, #tpu.memory_space<vmem>>, vector<16xi32>,
      %swap3A_260 = vector.shape_cast %swap3A_259 : vector<16xi32> to vector<16xi32>
      %swap3A_261 = vector.shape_cast %select_n3A_257 : vector<16xi32> to vector<16xi32>
      tpu.vector_store %arg10[%swap3A_258], %swap3A_261 {strides = array<i32>} : memref<128xi32, #tpu.memory_space<vmem>>, vector<16xi32>,
      %broadcast_in_dim3A_262 = arith.constant 0.000000e+00 : f32
      %broadcast_in_dim3A_263 = vector.broadcast %broadcast_in_dim3A_262 : f32 to vector<16xf32>
      %mul3A_264 = arith.constant 2.000000e-01 : f32
      %mul3A_265 = vector.broadcast %mul3A_264 : f32 to vector<16xf32>
      %mul3A_266 = arith.mulf %broadcast_in_dim3A_263, %mul3A_265 : vector<16xf32>
      %max3A_267 = arith.maximumf %broadcast_in_dim3A_263, %mul3A_266 : vector<16xf32>
      %exp3A_268 = math.exp %max3A_267 : vector<16xf32>
      %swap3A_269 = arith.constant 64 : index
      %swap3A_270 = tpu.vector_load %arg16[%swap3A_269] {strides = array<i32>} : memref<128xf32, #tpu.memory_space<vmem>>, vector<16xf32>,
      %swap3A_271 = vector.shape_cast %swap3A_270 : vector<16xf32> to vector<16xf32>
      %swap3A_272 = vector.shape_cast %exp3A_268 : vector<16xf32> to vector<16xf32>
      tpu.vector_store %arg16[%swap3A_269], %swap3A_272 {strides = array<i32>} : memref<128xf32, #tpu.memory_space<vmem>>, vector<16xf32>,
      %get3A_273 = arith.constant 1 : i32
      %get3A_274 = arith.index_cast %get3A_273 : i32 to index
      %get3A_275 = arith.constant 64 : index
      %get3A_276 = tpu.vector_load %arg8[%get3A_274, %get3A_275] {strides = array<i32>} : memref<2x128xi32, #tpu.memory_space<vmem>>, vector<1x16xi32>,
      %get3A_277 = vector.shape_cast %get3A_276 : vector<1x16xi32> to vector<16xi32>
      %sub3A_278 = vector.broadcast %mul3A_0 : i32 to vector<16xi32>
      %sub3A_279 = arith.subi %get3A_277, %sub3A_278 : vector<16xi32>
      %add3A_280 = arith.constant 64 : i32
      %add3A_281 = arith.addi %mul3A_111, %add3A_280 : i32
      %add3A_282 = vector.broadcast %add3A_281 : i32 to vector<16xi32>
      %add3A_283 = arith.addi %add3A_282, %iota3A : vector<16xi32>
      %ge3A_284 = arith.constant 0 : i32
      %ge3A_285 = vector.broadcast %ge3A_284 : i32 to vector<16xi32>
      %ge3A_286 = arith.cmpi sge, %sub3A_279, %ge3A_285 : vector<16xi32>
      %lt3A_287 = arith.constant 50000 : i32
      %lt3A_288 = vector.broadcast %lt3A_287 : i32 to vector<16xi32>
      %lt3A_289 = arith.cmpi slt, %sub3A_279, %lt3A_288 : vector<16xi32>
      %and3A_290 = arith.andi %ge3A_286, %lt3A_289 : vector<16xi1>
      %lt3A_291 = arith.constant 1600000 : i32
      %lt3A_292 = vector.broadcast %lt3A_291 : i32 to vector<16xi32>
      %lt3A_293 = arith.cmpi slt, %add3A_283, %lt3A_292 : vector<16xi32>
      %and3A_294 = arith.andi %and3A_290, %lt3A_293 : vector<16xi1>
      %jit3A_295 = arith.constant 50000 : i32
      %broadcast_in_dim3A_296 = vector.broadcast %jit3A_295 : i32 to vector<16xi32>
      %select_n3A_297 = arith.select %and3A_294, %sub3A_279, %broadcast_in_dim3A_296 : vector<16xi1>, vector<16xi32>
      %swap3A_298 = arith.constant 64 : index
      %swap3A_299 = tpu.vector_load %arg10[%swap3A_298] {strides = array<i32>} : memref<128xi32, #tpu.memory_space<vmem>>, vector<16xi32>,
      %swap3A_300 = vector.shape_cast %swap3A_299 : vector<16xi32> to vector<16xi32>
      %swap3A_301 = vector.shape_cast %select_n3A_297 : vector<16xi32> to vector<16xi32>
      tpu.vector_store %arg10[%swap3A_298], %swap3A_301 {strides = array<i32>} : memref<128xi32, #tpu.memory_space<vmem>>, vector<16xi32>,
      %broadcast_in_dim3A_302 = arith.constant 0.000000e+00 : f32
      %broadcast_in_dim3A_303 = vector.broadcast %broadcast_in_dim3A_302 : f32 to vector<16xf32>
      %mul3A_304 = arith.constant 2.000000e-01 : f32
      %mul3A_305 = vector.broadcast %mul3A_304 : f32 to vector<16xf32>
      %mul3A_306 = arith.mulf %broadcast_in_dim3A_303, %mul3A_305 : vector<16xf32>
      %max3A_307 = arith.maximumf %broadcast_in_dim3A_303, %mul3A_306 : vector<16xf32>
      %exp3A_308 = math.exp %max3A_307 : vector<16xf32>
      %swap3A_309 = arith.constant 80 : index
      %swap3A_310 = tpu.vector_load %arg16[%swap3A_309] {strides = array<i32>} : memref<128xf32, #tpu.memory_space<vmem>>, vector<16xf32>,
      %swap3A_311 = vector.shape_cast %swap3A_310 : vector<16xf32> to vector<16xf32>
      %swap3A_312 = vector.shape_cast %exp3A_308 : vector<16xf32> to vector<16xf32>
      tpu.vector_store %arg16[%swap3A_309], %swap3A_312 {strides = array<i32>} : memref<128xf32, #tpu.memory_space<vmem>>, vector<16xf32>,
      %get3A_313 = arith.constant 1 : i32
      %get3A_314 = arith.index_cast %get3A_313 : i32 to index
      %get3A_315 = arith.constant 80 : index
      %get3A_316 = tpu.vector_load %arg8[%get3A_314, %get3A_315] {strides = array<i32>} : memref<2x128xi32, #tpu.memory_space<vmem>>, vector<1x16xi32>,
      %get3A_317 = vector.shape_cast %get3A_316 : vector<1x16xi32> to vector<16xi32>
      %sub3A_318 = vector.broadcast %mul3A_0 : i32 to vector<16xi32>
      %sub3A_319 = arith.subi %get3A_317, %sub3A_318 : vector<16xi32>
      %add3A_320 = arith.constant 80 : i32
      %add3A_321 = arith.addi %mul3A_111, %add3A_320 : i32
      %add3A_322 = vector.broadcast %add3A_321 : i32 to vector<16xi32>
      %add3A_323 = arith.addi %add3A_322, %iota3A : vector<16xi32>
      %ge3A_324 = arith.constant 0 : i32
      %ge3A_325 = vector.broadcast %ge3A_324 : i32 to vector<16xi32>
      %ge3A_326 = arith.cmpi sge, %sub3A_319, %ge3A_325 : vector<16xi32>
      %lt3A_327 = arith.constant 50000 : i32
      %lt3A_328 = vector.broadcast %lt3A_327 : i32 to vector<16xi32>
      %lt3A_329 = arith.cmpi slt, %sub3A_319, %lt3A_328 : vector<16xi32>
      %and3A_330 = arith.andi %ge3A_326, %lt3A_329 : vector<16xi1>
      %lt3A_331 = arith.constant 1600000 : i32
      %lt3A_332 = vector.broadcast %lt3A_331 : i32 to vector<16xi32>
      %lt3A_333 = arith.cmpi slt, %add3A_323, %lt3A_332 : vector<16xi32>
      %and3A_334 = arith.andi %and3A_330, %lt3A_333 : vector<16xi1>
      %jit3A_335 = arith.constant 50000 : i32
      %broadcast_in_dim3A_336 = vector.broadcast %jit3A_335 : i32 to vector<16xi32>
      %select_n3A_337 = arith.select %and3A_334, %sub3A_319, %broadcast_in_dim3A_336 : vector<16xi1>, vector<16xi32>
      %swap3A_338 = arith.constant 80 : index
      %swap3A_339 = tpu.vector_load %arg10[%swap3A_338] {strides = array<i32>} : memref<128xi32, #tpu.memory_space<vmem>>, vector<16xi32>,
      %swap3A_340 = vector.shape_cast %swap3A_339 : vector<16xi32> to vector<16xi32>
      %swap3A_341 = vector.shape_cast %select_n3A_337 : vector<16xi32> to vector<16xi32>
      tpu.vector_store %arg10[%swap3A_338], %swap3A_341 {strides = array<i32>} : memref<128xi32, #tpu.memory_space<vmem>>, vector<16xi32>,
      %broadcast_in_dim3A_342 = arith.constant 0.000000e+00 : f32
      %broadcast_in_dim3A_343 = vector.broadcast %broadcast_in_dim3A_342 : f32 to vector<16xf32>
      %mul3A_344 = arith.constant 2.000000e-01 : f32
      %mul3A_345 = vector.broadcast %mul3A_344 : f32 to vector<16xf32>
      %mul3A_346 = arith.mulf %broadcast_in_dim3A_343, %mul3A_345 : vector<16xf32>
      %max3A_347 = arith.maximumf %broadcast_in_dim3A_343, %mul3A_346 : vector<16xf32>
      %exp3A_348 = math.exp %max3A_347 : vector<16xf32>
      %swap3A_349 = arith.constant 96 : index
      %swap3A_350 = tpu.vector_load %arg16[%swap3A_349] {strides = array<i32>} : memref<128xf32, #tpu.memory_space<vmem>>, vector<16xf32>,
      %swap3A_351 = vector.shape_cast %swap3A_350 : vector<16xf32> to vector<16xf32>
      %swap3A_352 = vector.shape_cast %exp3A_348 : vector<16xf32> to vector<16xf32>
      tpu.vector_store %arg16[%swap3A_349], %swap3A_352 {strides = array<i32>} : memref<128xf32, #tpu.memory_space<vmem>>, vector<16xf32>,
      %get3A_353 = arith.constant 1 : i32
      %get3A_354 = arith.index_cast %get3A_353 : i32 to index
      %get3A_355 = arith.constant 96 : index
      %get3A_356 = tpu.vector_load %arg8[%get3A_354, %get3A_355] {strides = array<i32>} : memref<2x128xi32, #tpu.memory_space<vmem>>, vector<1x16xi32>,
      %get3A_357 = vector.shape_cast %get3A_356 : vector<1x16xi32> to vector<16xi32>
      %sub3A_358 = vector.broadcast %mul3A_0 : i32 to vector<16xi32>
      %sub3A_359 = arith.subi %get3A_357, %sub3A_358 : vector<16xi32>
      %add3A_360 = arith.constant 96 : i32
      %add3A_361 = arith.addi %mul3A_111, %add3A_360 : i32
      %add3A_362 = vector.broadcast %add3A_361 : i32 to vector<16xi32>
      %add3A_363 = arith.addi %add3A_362, %iota3A : vector<16xi32>
      %ge3A_364 = arith.constant 0 : i32
      %ge3A_365 = vector.broadcast %ge3A_364 : i32 to vector<16xi32>
      %ge3A_366 = arith.cmpi sge, %sub3A_359, %ge3A_365 : vector<16xi32>
      %lt3A_367 = arith.constant 50000 : i32
      %lt3A_368 = vector.broadcast %lt3A_367 : i32 to vector<16xi32>
      %lt3A_369 = arith.cmpi slt, %sub3A_359, %lt3A_368 : vector<16xi32>
      %and3A_370 = arith.andi %ge3A_366, %lt3A_369 : vector<16xi1>
      %lt3A_371 = arith.constant 1600000 : i32
      %lt3A_372 = vector.broadcast %lt3A_371 : i32 to vector<16xi32>
      %lt3A_373 = arith.cmpi slt, %add3A_363, %lt3A_372 : vector<16xi32>
      %and3A_374 = arith.andi %and3A_370, %lt3A_373 : vector<16xi1>
      %jit3A_375 = arith.constant 50000 : i32
      %broadcast_in_dim3A_376 = vector.broadcast %jit3A_375 : i32 to vector<16xi32>
      %select_n3A_377 = arith.select %and3A_374, %sub3A_359, %broadcast_in_dim3A_376 : vector<16xi1>, vector<16xi32>
      %swap3A_378 = arith.constant 96 : index
      %swap3A_379 = tpu.vector_load %arg10[%swap3A_378] {strides = array<i32>} : memref<128xi32, #tpu.memory_space<vmem>>, vector<16xi32>,
      %swap3A_380 = vector.shape_cast %swap3A_379 : vector<16xi32> to vector<16xi32>
      %swap3A_381 = vector.shape_cast %select_n3A_377 : vector<16xi32> to vector<16xi32>
      tpu.vector_store %arg10[%swap3A_378], %swap3A_381 {strides = array<i32>} : memref<128xi32, #tpu.memory_space<vmem>>, vector<16xi32>,
      %broadcast_in_dim3A_382 = arith.constant 0.000000e+00 : f32
      %broadcast_in_dim3A_383 = vector.broadcast %broadcast_in_dim3A_382 : f32 to vector<16xf32>
      %mul3A_384 = arith.constant 2.000000e-01 : f32
      %mul3A_385 = vector.broadcast %mul3A_384 : f32 to vector<16xf32>
      %mul3A_386 = arith.mulf %broadcast_in_dim3A_383, %mul3A_385 : vector<16xf32>
      %max3A_387 = arith.maximumf %broadcast_in_dim3A_383, %mul3A_386 : vector<16xf32>
      %exp3A_388 = math.exp %max3A_387 : vector<16xf32>
      %swap3A_389 = arith.constant 112 : index
      %swap3A_390 = tpu.vector_load %arg16[%swap3A_389] {strides = array<i32>} : memref<128xf32, #tpu.memory_space<vmem>>, vector<16xf32>,
      %swap3A_391 = vector.shape_cast %swap3A_390 : vector<16xf32> to vector<16xf32>
      %swap3A_392 = vector.shape_cast %exp3A_388 : vector<16xf32> to vector<16xf32>
      tpu.vector_store %arg16[%swap3A_389], %swap3A_392 {strides = array<i32>} : memref<128xf32, #tpu.memory_space<vmem>>, vector<16xf32>,
      %get3A_393 = arith.constant 1 : i32
      %get3A_394 = arith.index_cast %get3A_393 : i32 to index
      %get3A_395 = arith.constant 112 : index
      %get3A_396 = tpu.vector_load %arg8[%get3A_394, %get3A_395] {strides = array<i32>} : memref<2x128xi32, #tpu.memory_space<vmem>>, vector<1x16xi32>,
      %get3A_397 = vector.shape_cast %get3A_396 : vector<1x16xi32> to vector<16xi32>
      %sub3A_398 = vector.broadcast %mul3A_0 : i32 to vector<16xi32>
      %sub3A_399 = arith.subi %get3A_397, %sub3A_398 : vector<16xi32>
      %add3A_400 = arith.constant 112 : i32
      %add3A_401 = arith.addi %mul3A_111, %add3A_400 : i32
      %add3A_402 = vector.broadcast %add3A_401 : i32 to vector<16xi32>
      %add3A_403 = arith.addi %add3A_402, %iota3A : vector<16xi32>
      %ge3A_404 = arith.constant 0 : i32
      %ge3A_405 = vector.broadcast %ge3A_404 : i32 to vector<16xi32>
      %ge3A_406 = arith.cmpi sge, %sub3A_399, %ge3A_405 : vector<16xi32>
      %lt3A_407 = arith.constant 50000 : i32
      %lt3A_408 = vector.broadcast %lt3A_407 : i32 to vector<16xi32>
      %lt3A_409 = arith.cmpi slt, %sub3A_399, %lt3A_408 : vector<16xi32>
      %and3A_410 = arith.andi %ge3A_406, %lt3A_409 : vector<16xi1>
      %lt3A_411 = arith.constant 1600000 : i32
      %lt3A_412 = vector.broadcast %lt3A_411 : i32 to vector<16xi32>
      %lt3A_413 = arith.cmpi slt, %add3A_403, %lt3A_412 : vector<16xi32>
      %and3A_414 = arith.andi %and3A_410, %lt3A_413 : vector<16xi1>
      %jit3A_415 = arith.constant 50000 : i32
      %broadcast_in_dim3A_416 = vector.broadcast %jit3A_415 : i32 to vector<16xi32>
      %select_n3A_417 = arith.select %and3A_414, %sub3A_399, %broadcast_in_dim3A_416 : vector<16xi1>, vector<16xi32>
      %swap3A_418 = arith.constant 112 : index
      %swap3A_419 = tpu.vector_load %arg10[%swap3A_418] {strides = array<i32>} : memref<128xi32, #tpu.memory_space<vmem>>, vector<16xi32>,
      %swap3A_420 = vector.shape_cast %swap3A_419 : vector<16xi32> to vector<16xi32>
      %swap3A_421 = vector.shape_cast %select_n3A_417 : vector<16xi32> to vector<16xi32>
      tpu.vector_store %arg10[%swap3A_418], %swap3A_421 {strides = array<i32>} : memref<128xi32, #tpu.memory_space<vmem>>, vector<16xi32>,
      %mul3A_422 = arith.constant 2 : i32
      %mul3A_423 = arith.muli %scan3A_101, %mul3A_422 : i32
      %add3A_424 = arith.constant 1 : i32
      %add3A_425 = arith.addi %mul3A_423, %add3A_424 : i32
      %mul3A_426 = arith.constant 16 : i32
      %mul3A_427 = arith.muli %add3A_425, %mul3A_426 : i32
      %add3A_428 = arith.addi %mul3A_427, %arg1 : i32
      %mul3A_429 = arith.constant 128 : i32
      %mul3A_430 = arith.muli %add3A_428, %mul3A_429 : i32
      %broadcast_in_dim3A_431 = arith.constant 0.000000e+00 : f32
      %broadcast_in_dim3A_432 = vector.broadcast %broadcast_in_dim3A_431 : f32 to vector<16xf32>
      %mul3A_433 = arith.constant 2.000000e-01 : f32
      %mul3A_434 = vector.broadcast %mul3A_433 : f32 to vector<16xf32>
      %mul3A_435 = arith.mulf %broadcast_in_dim3A_432, %mul3A_434 : vector<16xf32>
      %max3A_436 = arith.maximumf %broadcast_in_dim3A_432, %mul3A_435 : vector<16xf32>
      %exp3A_437 = math.exp %max3A_436 : vector<16xf32>
      %swap3A_438 = arith.constant 0 : index
      %swap3A_439 = tpu.vector_load %arg17[%swap3A_438] {strides = array<i32>} : memref<128xf32, #tpu.memory_space<vmem>>, vector<16xf32>,
      %swap3A_440 = vector.shape_cast %swap3A_439 : vector<16xf32> to vector<16xf32>
      %swap3A_441 = vector.shape_cast %exp3A_437 : vector<16xf32> to vector<16xf32>
      tpu.vector_store %arg17[%swap3A_438], %swap3A_441 {strides = array<i32>} : memref<128xf32, #tpu.memory_space<vmem>>, vector<16xf32>,
      %get3A_442 = arith.constant 1 : i32
      %get3A_443 = arith.index_cast %get3A_442 : i32 to index
      %get3A_444 = arith.constant 0 : index
      %get3A_445 = tpu.vector_load %arg9[%get3A_443, %get3A_444] {strides = array<i32>} : memref<2x128xi32, #tpu.memory_space<vmem>>, vector<1x16xi32>,
      %get3A_446 = vector.shape_cast %get3A_445 : vector<1x16xi32> to vector<16xi32>
      %sub3A_447 = vector.broadcast %mul3A_0 : i32 to vector<16xi32>
      %sub3A_448 = arith.subi %get3A_446, %sub3A_447 : vector<16xi32>
      %add3A_449 = arith.constant 0 : i32
      %add3A_450 = arith.addi %mul3A_430, %add3A_449 : i32
      %add3A_451 = vector.broadcast %add3A_450 : i32 to vector<16xi32>
      %add3A_452 = arith.addi %add3A_451, %iota3A : vector<16xi32>
      %ge3A_453 = arith.constant 0 : i32
      %ge3A_454 = vector.broadcast %ge3A_453 : i32 to vector<16xi32>
      %ge3A_455 = arith.cmpi sge, %sub3A_448, %ge3A_454 : vector<16xi32>
      %lt3A_456 = arith.constant 50000 : i32
      %lt3A_457 = vector.broadcast %lt3A_456 : i32 to vector<16xi32>
      %lt3A_458 = arith.cmpi slt, %sub3A_448, %lt3A_457 : vector<16xi32>
      %and3A_459 = arith.andi %ge3A_455, %lt3A_458 : vector<16xi1>
      %lt3A_460 = arith.constant 1600000 : i32
      %lt3A_461 = vector.broadcast %lt3A_460 : i32 to vector<16xi32>
      %lt3A_462 = arith.cmpi slt, %add3A_452, %lt3A_461 : vector<16xi32>
      %and3A_463 = arith.andi %and3A_459, %lt3A_462 : vector<16xi1>
      %jit3A_464 = arith.constant 50000 : i32
      %broadcast_in_dim3A_465 = vector.broadcast %jit3A_464 : i32 to vector<16xi32>
      %select_n3A_466 = arith.select %and3A_463, %sub3A_448, %broadcast_in_dim3A_465 : vector<16xi1>, vector<16xi32>
      %swap3A_467 = arith.constant 0 : index
      %swap3A_468 = tpu.vector_load %arg11[%swap3A_467] {strides = array<i32>} : memref<128xi32, #tpu.memory_space<vmem>>, vector<16xi32>,
      %swap3A_469 = vector.shape_cast %swap3A_468 : vector<16xi32> to vector<16xi32>
      %swap3A_470 = vector.shape_cast %select_n3A_466 : vector<16xi32> to vector<16xi32>
      tpu.vector_store %arg11[%swap3A_467], %swap3A_470 {strides = array<i32>} : memref<128xi32, #tpu.memory_space<vmem>>, vector<16xi32>,
      %broadcast_in_dim3A_471 = arith.constant 0.000000e+00 : f32
      %broadcast_in_dim3A_472 = vector.broadcast %broadcast_in_dim3A_471 : f32 to vector<16xf32>
      %mul3A_473 = arith.constant 2.000000e-01 : f32
      %mul3A_474 = vector.broadcast %mul3A_473 : f32 to vector<16xf32>
      %mul3A_475 = arith.mulf %broadcast_in_dim3A_472, %mul3A_474 : vector<16xf32>
      %max3A_476 = arith.maximumf %broadcast_in_dim3A_472, %mul3A_475 : vector<16xf32>
      %exp3A_477 = math.exp %max3A_476 : vector<16xf32>
      %swap3A_478 = arith.constant 16 : index
      %swap3A_479 = tpu.vector_load %arg17[%swap3A_478] {strides = array<i32>} : memref<128xf32, #tpu.memory_space<vmem>>, vector<16xf32>,
      %swap3A_480 = vector.shape_cast %swap3A_479 : vector<16xf32> to vector<16xf32>
      %swap3A_481 = vector.shape_cast %exp3A_477 : vector<16xf32> to vector<16xf32>
      tpu.vector_store %arg17[%swap3A_478], %swap3A_481 {strides = array<i32>} : memref<128xf32, #tpu.memory_space<vmem>>, vector<16xf32>,
      %get3A_482 = arith.constant 1 : i32
      %get3A_483 = arith.index_cast %get3A_482 : i32 to index
      %get3A_484 = arith.constant 16 : index
      %get3A_485 = tpu.vector_load %arg9[%get3A_483, %get3A_484] {strides = array<i32>} : memref<2x128xi32, #tpu.memory_space<vmem>>, vector<1x16xi32>,
      %get3A_486 = vector.shape_cast %get3A_485 : vector<1x16xi32> to vector<16xi32>
      %sub3A_487 = vector.broadcast %mul3A_0 : i32 to vector<16xi32>
      %sub3A_488 = arith.subi %get3A_486, %sub3A_487 : vector<16xi32>
      %add3A_489 = arith.constant 16 : i32
      %add3A_490 = arith.addi %mul3A_430, %add3A_489 : i32
      %add3A_491 = vector.broadcast %add3A_490 : i32 to vector<16xi32>
      %add3A_492 = arith.addi %add3A_491, %iota3A : vector<16xi32>
      %ge3A_493 = arith.constant 0 : i32
      %ge3A_494 = vector.broadcast %ge3A_493 : i32 to vector<16xi32>
      %ge3A_495 = arith.cmpi sge, %sub3A_488, %ge3A_494 : vector<16xi32>
      %lt3A_496 = arith.constant 50000 : i32
      %lt3A_497 = vector.broadcast %lt3A_496 : i32 to vector<16xi32>
      %lt3A_498 = arith.cmpi slt, %sub3A_488, %lt3A_497 : vector<16xi32>
      %and3A_499 = arith.andi %ge3A_495, %lt3A_498 : vector<16xi1>
      %lt3A_500 = arith.constant 1600000 : i32
      %lt3A_501 = vector.broadcast %lt3A_500 : i32 to vector<16xi32>
      %lt3A_502 = arith.cmpi slt, %add3A_492, %lt3A_501 : vector<16xi32>
      %and3A_503 = arith.andi %and3A_499, %lt3A_502 : vector<16xi1>
      %jit3A_504 = arith.constant 50000 : i32
      %broadcast_in_dim3A_505 = vector.broadcast %jit3A_504 : i32 to vector<16xi32>
      %select_n3A_506 = arith.select %and3A_503, %sub3A_488, %broadcast_in_dim3A_505 : vector<16xi1>, vector<16xi32>
      %swap3A_507 = arith.constant 16 : index
      %swap3A_508 = tpu.vector_load %arg11[%swap3A_507] {strides = array<i32>} : memref<128xi32, #tpu.memory_space<vmem>>, vector<16xi32>,
      %swap3A_509 = vector.shape_cast %swap3A_508 : vector<16xi32> to vector<16xi32>
      %swap3A_510 = vector.shape_cast %select_n3A_506 : vector<16xi32> to vector<16xi32>
      tpu.vector_store %arg11[%swap3A_507], %swap3A_510 {strides = array<i32>} : memref<128xi32, #tpu.memory_space<vmem>>, vector<16xi32>,
      %broadcast_in_dim3A_511 = arith.constant 0.000000e+00 : f32
      %broadcast_in_dim3A_512 = vector.broadcast %broadcast_in_dim3A_511 : f32 to vector<16xf32>
      %mul3A_513 = arith.constant 2.000000e-01 : f32
      %mul3A_514 = vector.broadcast %mul3A_513 : f32 to vector<16xf32>
      %mul3A_515 = arith.mulf %broadcast_in_dim3A_512, %mul3A_514 : vector<16xf32>
      %max3A_516 = arith.maximumf %broadcast_in_dim3A_512, %mul3A_515 : vector<16xf32>
      %exp3A_517 = math.exp %max3A_516 : vector<16xf32>
      %swap3A_518 = arith.constant 32 : index
      %swap3A_519 = tpu.vector_load %arg17[%swap3A_518] {strides = array<i32>} : memref<128xf32, #tpu.memory_space<vmem>>, vector<16xf32>,
      %swap3A_520 = vector.shape_cast %swap3A_519 : vector<16xf32> to vector<16xf32>
      %swap3A_521 = vector.shape_cast %exp3A_517 : vector<16xf32> to vector<16xf32>
      tpu.vector_store %arg17[%swap3A_518], %swap3A_521 {strides = array<i32>} : memref<128xf32, #tpu.memory_space<vmem>>, vector<16xf32>,
      %get3A_522 = arith.constant 1 : i32
      %get3A_523 = arith.index_cast %get3A_522 : i32 to index
      %get3A_524 = arith.constant 32 : index
      %get3A_525 = tpu.vector_load %arg9[%get3A_523, %get3A_524] {strides = array<i32>} : memref<2x128xi32, #tpu.memory_space<vmem>>, vector<1x16xi32>,
      %get3A_526 = vector.shape_cast %get3A_525 : vector<1x16xi32> to vector<16xi32>
      %sub3A_527 = vector.broadcast %mul3A_0 : i32 to vector<16xi32>
      %sub3A_528 = arith.subi %get3A_526, %sub3A_527 : vector<16xi32>
      %add3A_529 = arith.constant 32 : i32
      %add3A_530 = arith.addi %mul3A_430, %add3A_529 : i32
      %add3A_531 = vector.broadcast %add3A_530 : i32 to vector<16xi32>
      %add3A_532 = arith.addi %add3A_531, %iota3A : vector<16xi32>
      %ge3A_533 = arith.constant 0 : i32
      %ge3A_534 = vector.broadcast %ge3A_533 : i32 to vector<16xi32>
      %ge3A_535 = arith.cmpi sge, %sub3A_528, %ge3A_534 : vector<16xi32>
      %lt3A_536 = arith.constant 50000 : i32
      %lt3A_537 = vector.broadcast %lt3A_536 : i32 to vector<16xi32>
      %lt3A_538 = arith.cmpi slt, %sub3A_528, %lt3A_537 : vector<16xi32>
      %and3A_539 = arith.andi %ge3A_535, %lt3A_538 : vector<16xi1>
      %lt3A_540 = arith.constant 1600000 : i32
      %lt3A_541 = vector.broadcast %lt3A_540 : i32 to vector<16xi32>
      %lt3A_542 = arith.cmpi slt, %add3A_532, %lt3A_541 : vector<16xi32>
      %and3A_543 = arith.andi %and3A_539, %lt3A_542 : vector<16xi1>
      %jit3A_544 = arith.constant 50000 : i32
      %broadcast_in_dim3A_545 = vector.broadcast %jit3A_544 : i32 to vector<16xi32>
      %select_n3A_546 = arith.select %and3A_543, %sub3A_528, %broadcast_in_dim3A_545 : vector<16xi1>, vector<16xi32>
      %swap3A_547 = arith.constant 32 : index
      %swap3A_548 = tpu.vector_load %arg11[%swap3A_547] {strides = array<i32>} : memref<128xi32, #tpu.memory_space<vmem>>, vector<16xi32>,
      %swap3A_549 = vector.shape_cast %swap3A_548 : vector<16xi32> to vector<16xi32>
      %swap3A_550 = vector.shape_cast %select_n3A_546 : vector<16xi32> to vector<16xi32>
      tpu.vector_store %arg11[%swap3A_547], %swap3A_550 {strides = array<i32>} : memref<128xi32, #tpu.memory_space<vmem>>, vector<16xi32>,
      %broadcast_in_dim3A_551 = arith.constant 0.000000e+00 : f32
      %broadcast_in_dim3A_552 = vector.broadcast %broadcast_in_dim3A_551 : f32 to vector<16xf32>
      %mul3A_553 = arith.constant 2.000000e-01 : f32
      %mul3A_554 = vector.broadcast %mul3A_553 : f32 to vector<16xf32>
      %mul3A_555 = arith.mulf %broadcast_in_dim3A_552, %mul3A_554 : vector<16xf32>
      %max3A_556 = arith.maximumf %broadcast_in_dim3A_552, %mul3A_555 : vector<16xf32>
      %exp3A_557 = math.exp %max3A_556 : vector<16xf32>
      %swap3A_558 = arith.constant 48 : index
      %swap3A_559 = tpu.vector_load %arg17[%swap3A_558] {strides = array<i32>} : memref<128xf32, #tpu.memory_space<vmem>>, vector<16xf32>,
      %swap3A_560 = vector.shape_cast %swap3A_559 : vector<16xf32> to vector<16xf32>
      %swap3A_561 = vector.shape_cast %exp3A_557 : vector<16xf32> to vector<16xf32>
      tpu.vector_store %arg17[%swap3A_558], %swap3A_561 {strides = array<i32>} : memref<128xf32, #tpu.memory_space<vmem>>, vector<16xf32>,
      %get3A_562 = arith.constant 1 : i32
      %get3A_563 = arith.index_cast %get3A_562 : i32 to index
      %get3A_564 = arith.constant 48 : index
      %get3A_565 = tpu.vector_load %arg9[%get3A_563, %get3A_564] {strides = array<i32>} : memref<2x128xi32, #tpu.memory_space<vmem>>, vector<1x16xi32>,
      %get3A_566 = vector.shape_cast %get3A_565 : vector<1x16xi32> to vector<16xi32>
      %sub3A_567 = vector.broadcast %mul3A_0 : i32 to vector<16xi32>
      %sub3A_568 = arith.subi %get3A_566, %sub3A_567 : vector<16xi32>
      %add3A_569 = arith.constant 48 : i32
      %add3A_570 = arith.addi %mul3A_430, %add3A_569 : i32
      %add3A_571 = vector.broadcast %add3A_570 : i32 to vector<16xi32>
      %add3A_572 = arith.addi %add3A_571, %iota3A : vector<16xi32>
      %ge3A_573 = arith.constant 0 : i32
      %ge3A_574 = vector.broadcast %ge3A_573 : i32 to vector<16xi32>
      %ge3A_575 = arith.cmpi sge, %sub3A_568, %ge3A_574 : vector<16xi32>
      %lt3A_576 = arith.constant 50000 : i32
      %lt3A_577 = vector.broadcast %lt3A_576 : i32 to vector<16xi32>
      %lt3A_578 = arith.cmpi slt, %sub3A_568, %lt3A_577 : vector<16xi32>
      %and3A_579 = arith.andi %ge3A_575, %lt3A_578 : vector<16xi1>
      %lt3A_580 = arith.constant 1600000 : i32
      %lt3A_581 = vector.broadcast %lt3A_580 : i32 to vector<16xi32>
      %lt3A_582 = arith.cmpi slt, %add3A_572, %lt3A_581 : vector<16xi32>
      %and3A_583 = arith.andi %and3A_579, %lt3A_582 : vector<16xi1>
      %jit3A_584 = arith.constant 50000 : i32
      %broadcast_in_dim3A_585 = vector.broadcast %jit3A_584 : i32 to vector<16xi32>
      %select_n3A_586 = arith.select %and3A_583, %sub3A_568, %broadcast_in_dim3A_585 : vector<16xi1>, vector<16xi32>
      %swap3A_587 = arith.constant 48 : index
      %swap3A_588 = tpu.vector_load %arg11[%swap3A_587] {strides = array<i32>} : memref<128xi32, #tpu.memory_space<vmem>>, vector<16xi32>,
      %swap3A_589 = vector.shape_cast %swap3A_588 : vector<16xi32> to vector<16xi32>
      %swap3A_590 = vector.shape_cast %select_n3A_586 : vector<16xi32> to vector<16xi32>
      tpu.vector_store %arg11[%swap3A_587], %swap3A_590 {strides = array<i32>} : memref<128xi32, #tpu.memory_space<vmem>>, vector<16xi32>,
      %broadcast_in_dim3A_591 = arith.constant 0.000000e+00 : f32
      %broadcast_in_dim3A_592 = vector.broadcast %broadcast_in_dim3A_591 : f32 to vector<16xf32>
      %mul3A_593 = arith.constant 2.000000e-01 : f32
      %mul3A_594 = vector.broadcast %mul3A_593 : f32 to vector<16xf32>
      %mul3A_595 = arith.mulf %broadcast_in_dim3A_592, %mul3A_594 : vector<16xf32>
      %max3A_596 = arith.maximumf %broadcast_in_dim3A_592, %mul3A_595 : vector<16xf32>
      %exp3A_597 = math.exp %max3A_596 : vector<16xf32>
      %swap3A_598 = arith.constant 64 : index
      %swap3A_599 = tpu.vector_load %arg17[%swap3A_598] {strides = array<i32>} : memref<128xf32, #tpu.memory_space<vmem>>, vector<16xf32>,
      %swap3A_600 = vector.shape_cast %swap3A_599 : vector<16xf32> to vector<16xf32>
      %swap3A_601 = vector.shape_cast %exp3A_597 : vector<16xf32> to vector<16xf32>
      tpu.vector_store %arg17[%swap3A_598], %swap3A_601 {strides = array<i32>} : memref<128xf32, #tpu.memory_space<vmem>>, vector<16xf32>,
      %get3A_602 = arith.constant 1 : i32
      %get3A_603 = arith.index_cast %get3A_602 : i32 to index
      %get3A_604 = arith.constant 64 : index
      %get3A_605 = tpu.vector_load %arg9[%get3A_603, %get3A_604] {strides = array<i32>} : memref<2x128xi32, #tpu.memory_space<vmem>>, vector<1x16xi32>,
      %get3A_606 = vector.shape_cast %get3A_605 : vector<1x16xi32> to vector<16xi32>
      %sub3A_607 = vector.broadcast %mul3A_0 : i32 to vector<16xi32>
      %sub3A_608 = arith.subi %get3A_606, %sub3A_607 : vector<16xi32>
      %add3A_609 = arith.constant 64 : i32
      %add3A_610 = arith.addi %mul3A_430, %add3A_609 : i32
      %add3A_611 = vector.broadcast %add3A_610 : i32 to vector<16xi32>
      %add3A_612 = arith.addi %add3A_611, %iota3A : vector<16xi32>
      %ge3A_613 = arith.constant 0 : i32
      %ge3A_614 = vector.broadcast %ge3A_613 : i32 to vector<16xi32>
      %ge3A_615 = arith.cmpi sge, %sub3A_608, %ge3A_614 : vector<16xi32>
      %lt3A_616 = arith.constant 50000 : i32
      %lt3A_617 = vector.broadcast %lt3A_616 : i32 to vector<16xi32>
      %lt3A_618 = arith.cmpi slt, %sub3A_608, %lt3A_617 : vector<16xi32>
      %and3A_619 = arith.andi %ge3A_615, %lt3A_618 : vector<16xi1>
      %lt3A_620 = arith.constant 1600000 : i32
      %lt3A_621 = vector.broadcast %lt3A_620 : i32 to vector<16xi32>
      %lt3A_622 = arith.cmpi slt, %add3A_612, %lt3A_621 : vector<16xi32>
      %and3A_623 = arith.andi %and3A_619, %lt3A_622 : vector<16xi1>
      %jit3A_624 = arith.constant 50000 : i32
      %broadcast_in_dim3A_625 = vector.broadcast %jit3A_624 : i32 to vector<16xi32>
      %select_n3A_626 = arith.select %and3A_623, %sub3A_608, %broadcast_in_dim3A_625 : vector<16xi1>, vector<16xi32>
      %swap3A_627 = arith.constant 64 : index
      %swap3A_628 = tpu.vector_load %arg11[%swap3A_627] {strides = array<i32>} : memref<128xi32, #tpu.memory_space<vmem>>, vector<16xi32>,
      %swap3A_629 = vector.shape_cast %swap3A_628 : vector<16xi32> to vector<16xi32>
      %swap3A_630 = vector.shape_cast %select_n3A_626 : vector<16xi32> to vector<16xi32>
      tpu.vector_store %arg11[%swap3A_627], %swap3A_630 {strides = array<i32>} : memref<128xi32, #tpu.memory_space<vmem>>, vector<16xi32>,
      %broadcast_in_dim3A_631 = arith.constant 0.000000e+00 : f32
      %broadcast_in_dim3A_632 = vector.broadcast %broadcast_in_dim3A_631 : f32 to vector<16xf32>
      %mul3A_633 = arith.constant 2.000000e-01 : f32
      %mul3A_634 = vector.broadcast %mul3A_633 : f32 to vector<16xf32>
      %mul3A_635 = arith.mulf %broadcast_in_dim3A_632, %mul3A_634 : vector<16xf32>
      %max3A_636 = arith.maximumf %broadcast_in_dim3A_632, %mul3A_635 : vector<16xf32>
      %exp3A_637 = math.exp %max3A_636 : vector<16xf32>
      %swap3A_638 = arith.constant 80 : index
      %swap3A_639 = tpu.vector_load %arg17[%swap3A_638] {strides = array<i32>} : memref<128xf32, #tpu.memory_space<vmem>>, vector<16xf32>,
      %swap3A_640 = vector.shape_cast %swap3A_639 : vector<16xf32> to vector<16xf32>
      %swap3A_641 = vector.shape_cast %exp3A_637 : vector<16xf32> to vector<16xf32>
      tpu.vector_store %arg17[%swap3A_638], %swap3A_641 {strides = array<i32>} : memref<128xf32, #tpu.memory_space<vmem>>, vector<16xf32>,
      %get3A_642 = arith.constant 1 : i32
      %get3A_643 = arith.index_cast %get3A_642 : i32 to index
      %get3A_644 = arith.constant 80 : index
      %get3A_645 = tpu.vector_load %arg9[%get3A_643, %get3A_644] {strides = array<i32>} : memref<2x128xi32, #tpu.memory_space<vmem>>, vector<1x16xi32>,
      %get3A_646 = vector.shape_cast %get3A_645 : vector<1x16xi32> to vector<16xi32>
      %sub3A_647 = vector.broadcast %mul3A_0 : i32 to vector<16xi32>
      %sub3A_648 = arith.subi %get3A_646, %sub3A_647 : vector<16xi32>
      %add3A_649 = arith.constant 80 : i32
      %add3A_650 = arith.addi %mul3A_430, %add3A_649 : i32
      %add3A_651 = vector.broadcast %add3A_650 : i32 to vector<16xi32>
      %add3A_652 = arith.addi %add3A_651, %iota3A : vector<16xi32>
      %ge3A_653 = arith.constant 0 : i32
      %ge3A_654 = vector.broadcast %ge3A_653 : i32 to vector<16xi32>
      %ge3A_655 = arith.cmpi sge, %sub3A_648, %ge3A_654 : vector<16xi32>
      %lt3A_656 = arith.constant 50000 : i32
      %lt3A_657 = vector.broadcast %lt3A_656 : i32 to vector<16xi32>
      %lt3A_658 = arith.cmpi slt, %sub3A_648, %lt3A_657 : vector<16xi32>
      %and3A_659 = arith.andi %ge3A_655, %lt3A_658 : vector<16xi1>
      %lt3A_660 = arith.constant 1600000 : i32
      %lt3A_661 = vector.broadcast %lt3A_660 : i32 to vector<16xi32>
      %lt3A_662 = arith.cmpi slt, %add3A_652, %lt3A_661 : vector<16xi32>
      %and3A_663 = arith.andi %and3A_659, %lt3A_662 : vector<16xi1>
      %jit3A_664 = arith.constant 50000 : i32
      %broadcast_in_dim3A_665 = vector.broadcast %jit3A_664 : i32 to vector<16xi32>
      %select_n3A_666 = arith.select %and3A_663, %sub3A_648, %broadcast_in_dim3A_665 : vector<16xi1>, vector<16xi32>
      %swap3A_667 = arith.constant 80 : index
      %swap3A_668 = tpu.vector_load %arg11[%swap3A_667] {strides = array<i32>} : memref<128xi32, #tpu.memory_space<vmem>>, vector<16xi32>,
      %swap3A_669 = vector.shape_cast %swap3A_668 : vector<16xi32> to vector<16xi32>
      %swap3A_670 = vector.shape_cast %select_n3A_666 : vector<16xi32> to vector<16xi32>
      tpu.vector_store %arg11[%swap3A_667], %swap3A_670 {strides = array<i32>} : memref<128xi32, #tpu.memory_space<vmem>>, vector<16xi32>,
      %broadcast_in_dim3A_671 = arith.constant 0.000000e+00 : f32
      %broadcast_in_dim3A_672 = vector.broadcast %broadcast_in_dim3A_671 : f32 to vector<16xf32>
      %mul3A_673 = arith.constant 2.000000e-01 : f32
      %mul3A_674 = vector.broadcast %mul3A_673 : f32 to vector<16xf32>
      %mul3A_675 = arith.mulf %broadcast_in_dim3A_672, %mul3A_674 : vector<16xf32>
      %max3A_676 = arith.maximumf %broadcast_in_dim3A_672, %mul3A_675 : vector<16xf32>
      %exp3A_677 = math.exp %max3A_676 : vector<16xf32>
      %swap3A_678 = arith.constant 96 : index
      %swap3A_679 = tpu.vector_load %arg17[%swap3A_678] {strides = array<i32>} : memref<128xf32, #tpu.memory_space<vmem>>, vector<16xf32>,
      %swap3A_680 = vector.shape_cast %swap3A_679 : vector<16xf32> to vector<16xf32>
      %swap3A_681 = vector.shape_cast %exp3A_677 : vector<16xf32> to vector<16xf32>
      tpu.vector_store %arg17[%swap3A_678], %swap3A_681 {strides = array<i32>} : memref<128xf32, #tpu.memory_space<vmem>>, vector<16xf32>,
      %get3A_682 = arith.constant 1 : i32
      %get3A_683 = arith.index_cast %get3A_682 : i32 to index
      %get3A_684 = arith.constant 96 : index
      %get3A_685 = tpu.vector_load %arg9[%get3A_683, %get3A_684] {strides = array<i32>} : memref<2x128xi32, #tpu.memory_space<vmem>>, vector<1x16xi32>,
      %get3A_686 = vector.shape_cast %get3A_685 : vector<1x16xi32> to vector<16xi32>
      %sub3A_687 = vector.broadcast %mul3A_0 : i32 to vector<16xi32>
      %sub3A_688 = arith.subi %get3A_686, %sub3A_687 : vector<16xi32>
      %add3A_689 = arith.constant 96 : i32
      %add3A_690 = arith.addi %mul3A_430, %add3A_689 : i32
      %add3A_691 = vector.broadcast %add3A_690 : i32 to vector<16xi32>
      %add3A_692 = arith.addi %add3A_691, %iota3A : vector<16xi32>
      %ge3A_693 = arith.constant 0 : i32
      %ge3A_694 = vector.broadcast %ge3A_693 : i32 to vector<16xi32>
      %ge3A_695 = arith.cmpi sge, %sub3A_688, %ge3A_694 : vector<16xi32>
      %lt3A_696 = arith.constant 50000 : i32
      %lt3A_697 = vector.broadcast %lt3A_696 : i32 to vector<16xi32>
      %lt3A_698 = arith.cmpi slt, %sub3A_688, %lt3A_697 : vector<16xi32>
      %and3A_699 = arith.andi %ge3A_695, %lt3A_698 : vector<16xi1>
      %lt3A_700 = arith.constant 1600000 : i32
      %lt3A_701 = vector.broadcast %lt3A_700 : i32 to vector<16xi32>
      %lt3A_702 = arith.cmpi slt, %add3A_692, %lt3A_701 : vector<16xi32>
      %and3A_703 = arith.andi %and3A_699, %lt3A_702 : vector<16xi1>
      %jit3A_704 = arith.constant 50000 : i32
      %broadcast_in_dim3A_705 = vector.broadcast %jit3A_704 : i32 to vector<16xi32>
      %select_n3A_706 = arith.select %and3A_703, %sub3A_688, %broadcast_in_dim3A_705 : vector<16xi1>, vector<16xi32>
      %swap3A_707 = arith.constant 96 : index
      %swap3A_708 = tpu.vector_load %arg11[%swap3A_707] {strides = array<i32>} : memref<128xi32, #tpu.memory_space<vmem>>, vector<16xi32>,
      %swap3A_709 = vector.shape_cast %swap3A_708 : vector<16xi32> to vector<16xi32>
      %swap3A_710 = vector.shape_cast %select_n3A_706 : vector<16xi32> to vector<16xi32>
      tpu.vector_store %arg11[%swap3A_707], %swap3A_710 {strides = array<i32>} : memref<128xi32, #tpu.memory_space<vmem>>, vector<16xi32>,
      %broadcast_in_dim3A_711 = arith.constant 0.000000e+00 : f32
      %broadcast_in_dim3A_712 = vector.broadcast %broadcast_in_dim3A_711 : f32 to vector<16xf32>
      %mul3A_713 = arith.constant 2.000000e-01 : f32
      %mul3A_714 = vector.broadcast %mul3A_713 : f32 to vector<16xf32>
      %mul3A_715 = arith.mulf %broadcast_in_dim3A_712, %mul3A_714 : vector<16xf32>
      %max3A_716 = arith.maximumf %broadcast_in_dim3A_712, %mul3A_715 : vector<16xf32>
      %exp3A_717 = math.exp %max3A_716 : vector<16xf32>
      %swap3A_718 = arith.constant 112 : index
      %swap3A_719 = tpu.vector_load %arg17[%swap3A_718] {strides = array<i32>} : memref<128xf32, #tpu.memory_space<vmem>>, vector<16xf32>,
      %swap3A_720 = vector.shape_cast %swap3A_719 : vector<16xf32> to vector<16xf32>
      %swap3A_721 = vector.shape_cast %exp3A_717 : vector<16xf32> to vector<16xf32>
      tpu.vector_store %arg17[%swap3A_718], %swap3A_721 {strides = array<i32>} : memref<128xf32, #tpu.memory_space<vmem>>, vector<16xf32>,
      %get3A_722 = arith.constant 1 : i32
      %get3A_723 = arith.index_cast %get3A_722 : i32 to index
      %get3A_724 = arith.constant 112 : index
      %get3A_725 = tpu.vector_load %arg9[%get3A_723, %get3A_724] {strides = array<i32>} : memref<2x128xi32, #tpu.memory_space<vmem>>, vector<1x16xi32>,
      %get3A_726 = vector.shape_cast %get3A_725 : vector<1x16xi32> to vector<16xi32>
      %sub3A_727 = vector.broadcast %mul3A_0 : i32 to vector<16xi32>
      %sub3A_728 = arith.subi %get3A_726, %sub3A_727 : vector<16xi32>
      %add3A_729 = arith.constant 112 : i32
      %add3A_730 = arith.addi %mul3A_430, %add3A_729 : i32
      %add3A_731 = vector.broadcast %add3A_730 : i32 to vector<16xi32>
      %add3A_732 = arith.addi %add3A_731, %iota3A : vector<16xi32>
      %ge3A_733 = arith.constant 0 : i32
      %ge3A_734 = vector.broadcast %ge3A_733 : i32 to vector<16xi32>
      %ge3A_735 = arith.cmpi sge, %sub3A_728, %ge3A_734 : vector<16xi32>
      %lt3A_736 = arith.constant 50000 : i32
      %lt3A_737 = vector.broadcast %lt3A_736 : i32 to vector<16xi32>
      %lt3A_738 = arith.cmpi slt, %sub3A_728, %lt3A_737 : vector<16xi32>
      %and3A_739 = arith.andi %ge3A_735, %lt3A_738 : vector<16xi1>
      %lt3A_740 = arith.constant 1600000 : i32
      %lt3A_741 = vector.broadcast %lt3A_740 : i32 to vector<16xi32>
      %lt3A_742 = arith.cmpi slt, %add3A_732, %lt3A_741 : vector<16xi32>
      %and3A_743 = arith.andi %and3A_739, %lt3A_742 : vector<16xi1>
      %jit3A_744 = arith.constant 50000 : i32
      %broadcast_in_dim3A_745 = vector.broadcast %jit3A_744 : i32 to vector<16xi32>
      %select_n3A_746 = arith.select %and3A_743, %sub3A_728, %broadcast_in_dim3A_745 : vector<16xi1>, vector<16xi32>
      %swap3A_747 = arith.constant 112 : index
      %swap3A_748 = tpu.vector_load %arg11[%swap3A_747] {strides = array<i32>} : memref<128xi32, #tpu.memory_space<vmem>>, vector<16xi32>,
      %swap3A_749 = vector.shape_cast %swap3A_748 : vector<16xi32> to vector<16xi32>
      %swap3A_750 = vector.shape_cast %select_n3A_746 : vector<16xi32> to vector<16xi32>
      tpu.vector_store %arg11[%swap3A_747], %swap3A_750 {strides = array<i32>} : memref<128xi32, #tpu.memory_space<vmem>>, vector<16xi32>,
      %scan3A_751 = arith.constant 0 : i32
      scf.yield %scan3A_751 : i32
    }
    %scan3A_58 = arith.constant 391 : i32
    %dma_wait3A_59 = arith.constant 0 : i32
    %dma_wait3A_60 = arith.constant 0 : i32
    %dma_wait3A_61 = tpu.memref_slice %arg5[%dma_wait3A_59, %dma_wait3A_60] : memref<2x1601536xi32, #tpu.memory_space<hbm>> -> memref<2x128xi32, #tpu.memory_space<hbm>>
    %dma_wait3A_62 = arith.constant 0 : i32
    %dma_wait3A_63 = arith.constant 0 : i32
    %dma_wait3A_64 = tpu.memref_slice %arg5[%dma_wait3A_62, %dma_wait3A_63] : memref<2x1601536xi32, #tpu.memory_space<hbm>> -> memref<2x128xi32, #tpu.memory_space<hbm>>
    tpu.wait_dma2 semaphore(%arg25 : memref<!tpu.dma_semaphore, #tpu.memory_space<semaphore_mem>>) src(%dma_wait3A_64 : memref<2x128xi32, #tpu.memory_space<hbm>>) dst(%arg9 : memref<2x128xi32, #tpu.memory_space<vmem>>)
    %barrier3A_65 = arith.constant 0 : index
    tpu.barrier barrier_id(%barrier3A_65)
    %mul3A_66 = arith.constant 50176 : i32
    %mul3A_67 = arith.muli %arg0, %mul3A_66 : i32
    %add3A_68 = arith.addi %mul3A_67, %mul3A_16 : i32
    %add3A_69 = arith.constant 0 : i32
    %add3A_70 = arith.addi %mul3A_16, %add3A_69 : i32
    "tpu.region"() ({
      %run_scoped3A = tpu.sem_alloc : memref<!tpu.dma_semaphore, #tpu.memory_space<semaphore_mem>>
      %dma_start3A_101 = arith.constant 0 : i32
      %dma_start3A_102 = tpu.memref_slice %arg22[%add3A_70, %dma_start3A_101] : memref<50176x32xf32, #tpu.memory_space<vmem_shared>> -> memref<392x32xf32, #tpu.memory_space<vmem_shared>>
      %dma_start3A_103 = arith.constant 0 : i32
      %dma_start3A_104 = tpu.memref_slice %arg22[%add3A_70, %dma_start3A_103] : memref<50176x32xf32, #tpu.memory_space<vmem_shared>> -> memref<392x32xf32, #tpu.memory_space<vmem_shared>>
      tpu.enqueue_dma source(%dma_start3A_104 : memref<392x32xf32, #tpu.memory_space<vmem_shared>>) target(%arg20 : memref<392x32xf32, #tpu.memory_space<vmem>>) target_semaphore(%run_scoped3A : memref<!tpu.dma_semaphore, #tpu.memory_space<semaphore_mem>>)
      %dma_wait3A_105 = arith.constant 0 : i32
      %dma_wait3A_106 = tpu.memref_slice %arg22[%add3A_70, %dma_wait3A_105] : memref<50176x32xf32, #tpu.memory_space<vmem_shared>> -> memref<392x32xf32, #tpu.memory_space<vmem_shared>>
      %dma_wait3A_107 = arith.constant 0 : i32
      %dma_wait3A_108 = tpu.memref_slice %arg22[%add3A_70, %dma_wait3A_107] : memref<50176x32xf32, #tpu.memory_space<vmem_shared>> -> memref<392x32xf32, #tpu.memory_space<vmem_shared>>
      tpu.wait_dma2 semaphore(%run_scoped3A : memref<!tpu.dma_semaphore, #tpu.memory_space<semaphore_mem>>) src(%dma_wait3A_108 : memref<392x32xf32, #tpu.memory_space<vmem_shared>>) dst(%arg20 : memref<392x32xf32, #tpu.memory_space<vmem>>)
      tpu.yield
    }) : () -> ()
    %add3A_71 = arith.constant 0 : i32
    %add3A_72 = arith.addi %add3A_68, %add3A_71 : i32
    "tpu.region"() ({
      %run_scoped3A = tpu.sem_alloc : memref<!tpu.dma_semaphore, #tpu.memory_space<semaphore_mem>>
      %dma_start3A_101 = arith.constant 0 : i32
      %dma_start3A_102 = tpu.memref_slice %arg6[%add3A_72, %dma_start3A_101] : memref<100352x32xf32, #tpu.memory_space<hbm>> -> memref<392x32xf32, #tpu.memory_space<hbm>>
      %dma_start3A_103 = arith.constant 0 : i32
      %dma_start3A_104 = tpu.memref_slice %arg6[%add3A_72, %dma_start3A_103] : memref<100352x32xf32, #tpu.memory_space<hbm>> -> memref<392x32xf32, #tpu.memory_space<hbm>>
      tpu.enqueue_dma source(%arg20 : memref<392x32xf32, #tpu.memory_space<vmem>>) target(%dma_start3A_104 : memref<392x32xf32, #tpu.memory_space<hbm>>) target_semaphore(%run_scoped3A : memref<!tpu.dma_semaphore, #tpu.memory_space<semaphore_mem>>)
      %dma_wait3A_105 = arith.constant 0 : i32
      %dma_wait3A_106 = tpu.memref_slice %arg6[%add3A_72, %dma_wait3A_105] : memref<100352x32xf32, #tpu.memory_space<hbm>> -> memref<392x32xf32, #tpu.memory_space<hbm>>
      %dma_wait3A_107 = arith.constant 0 : i32
      %dma_wait3A_108 = tpu.memref_slice %arg6[%add3A_72, %dma_wait3A_107] : memref<100352x32xf32, #tpu.memory_space<hbm>> -> memref<392x32xf32, #tpu.memory_space<hbm>>
      tpu.wait_dma2 semaphore(%run_scoped3A : memref<!tpu.dma_semaphore, #tpu.memory_space<semaphore_mem>>) src(%arg20 : memref<392x32xf32, #tpu.memory_space<vmem>>) dst(%dma_wait3A_108 : memref<392x32xf32, #tpu.memory_space<hbm>>)
      tpu.yield
    }) : () -> ()
    %add3A_73 = arith.constant 392 : i32
    %add3A_74 = arith.addi %mul3A_16, %add3A_73 : i32
    "tpu.region"() ({
      %run_scoped3A = tpu.sem_alloc : memref<!tpu.dma_semaphore, #tpu.memory_space<semaphore_mem>>
      %dma_start3A_101 = arith.constant 0 : i32
      %dma_start3A_102 = tpu.memref_slice %arg22[%add3A_74, %dma_start3A_101] : memref<50176x32xf32, #tpu.memory_space<vmem_shared>> -> memref<392x32xf32, #tpu.memory_space<vmem_shared>>
      %dma_start3A_103 = arith.constant 0 : i32
      %dma_start3A_104 = tpu.memref_slice %arg22[%add3A_74, %dma_start3A_103] : memref<50176x32xf32, #tpu.memory_space<vmem_shared>> -> memref<392x32xf32, #tpu.memory_space<vmem_shared>>
      tpu.enqueue_dma source(%dma_start3A_104 : memref<392x32xf32, #tpu.memory_space<vmem_shared>>) target(%arg20 : memref<392x32xf32, #tpu.memory_space<vmem>>) target_semaphore(%run_scoped3A : memref<!tpu.dma_semaphore, #tpu.memory_space<semaphore_mem>>)
      %dma_wait3A_105 = arith.constant 0 : i32
      %dma_wait3A_106 = tpu.memref_slice %arg22[%add3A_74, %dma_wait3A_105] : memref<50176x32xf32, #tpu.memory_space<vmem_shared>> -> memref<392x32xf32, #tpu.memory_space<vmem_shared>>
      %dma_wait3A_107 = arith.constant 0 : i32
      %dma_wait3A_108 = tpu.memref_slice %arg22[%add3A_74, %dma_wait3A_107] : memref<50176x32xf32, #tpu.memory_space<vmem_shared>> -> memref<392x32xf32, #tpu.memory_space<vmem_shared>>
      tpu.wait_dma2 semaphore(%run_scoped3A : memref<!tpu.dma_semaphore, #tpu.memory_space<semaphore_mem>>) src(%dma_wait3A_108 : memref<392x32xf32, #tpu.memory_space<vmem_shared>>) dst(%arg20 : memref<392x32xf32, #tpu.memory_space<vmem>>)
      tpu.yield
    }) : () -> ()
    %add3A_75 = arith.constant 392 : i32
    %add3A_76 = arith.addi %add3A_68, %add3A_75 : i32
    "tpu.region"() ({
      %run_scoped3A = tpu.sem_alloc : memref<!tpu.dma_semaphore, #tpu.memory_space<semaphore_mem>>
      %dma_start3A_101 = arith.constant 0 : i32
      %dma_start3A_102 = tpu.memref_slice %arg6[%add3A_76, %dma_start3A_101] : memref<100352x32xf32, #tpu.memory_space<hbm>> -> memref<392x32xf32, #tpu.memory_space<hbm>>
      %dma_start3A_103 = arith.constant 0 : i32
      %dma_start3A_104 = tpu.memref_slice %arg6[%add3A_76, %dma_start3A_103] : memref<100352x32xf32, #tpu.memory_space<hbm>> -> memref<392x32xf32, #tpu.memory_space<hbm>>
      tpu.enqueue_dma source(%arg20 : memref<392x32xf32, #tpu.memory_space<vmem>>) target(%dma_start3A_104 : memref<392x32xf32, #tpu.memory_space<hbm>>) target_semaphore(%run_scoped3A : memref<!tpu.dma_semaphore, #tpu.memory_space<semaphore_mem>>)
      %dma_wait3A_105 = arith.constant 0 : i32
      %dma_wait3A_106 = tpu.memref_slice %arg6[%add3A_76, %dma_wait3A_105] : memref<100352x32xf32, #tpu.memory_space<hbm>> -> memref<392x32xf32, #tpu.memory_space<hbm>>
      %dma_wait3A_107 = arith.constant 0 : i32
      %dma_wait3A_108 = tpu.memref_slice %arg6[%add3A_76, %dma_wait3A_107] : memref<100352x32xf32, #tpu.memory_space<hbm>> -> memref<392x32xf32, #tpu.memory_space<hbm>>
      tpu.wait_dma2 semaphore(%run_scoped3A : memref<!tpu.dma_semaphore, #tpu.memory_space<semaphore_mem>>) src(%arg20 : memref<392x32xf32, #tpu.memory_space<vmem>>) dst(%dma_wait3A_108 : memref<392x32xf32, #tpu.memory_space<hbm>>)
      tpu.yield
    }) : () -> ()
    %add3A_77 = arith.constant 784 : i32
    %add3A_78 = arith.addi %mul3A_16, %add3A_77 : i32
    "tpu.region"() ({
      %run_scoped3A = tpu.sem_alloc : memref<!tpu.dma_semaphore, #tpu.memory_space<semaphore_mem>>
      %dma_start3A_101 = arith.constant 0 : i32
      %dma_start3A_102 = tpu.memref_slice %arg22[%add3A_78, %dma_start3A_101] : memref<50176x32xf32, #tpu.memory_space<vmem_shared>> -> memref<392x32xf32, #tpu.memory_space<vmem_shared>>
      %dma_start3A_103 = arith.constant 0 : i32
      %dma_start3A_104 = tpu.memref_slice %arg22[%add3A_78, %dma_start3A_103] : memref<50176x32xf32, #tpu.memory_space<vmem_shared>> -> memref<392x32xf32, #tpu.memory_space<vmem_shared>>
      tpu.enqueue_dma source(%dma_start3A_104 : memref<392x32xf32, #tpu.memory_space<vmem_shared>>) target(%arg20 : memref<392x32xf32, #tpu.memory_space<vmem>>) target_semaphore(%run_scoped3A : memref<!tpu.dma_semaphore, #tpu.memory_space<semaphore_mem>>)
      %dma_wait3A_105 = arith.constant 0 : i32
      %dma_wait3A_106 = tpu.memref_slice %arg22[%add3A_78, %dma_wait3A_105] : memref<50176x32xf32, #tpu.memory_space<vmem_shared>> -> memref<392x32xf32, #tpu.memory_space<vmem_shared>>
      %dma_wait3A_107 = arith.constant 0 : i32
      %dma_wait3A_108 = tpu.memref_slice %arg22[%add3A_78, %dma_wait3A_107] : memref<50176x32xf32, #tpu.memory_space<vmem_shared>> -> memref<392x32xf32, #tpu.memory_space<vmem_shared>>
      tpu.wait_dma2 semaphore(%run_scoped3A : memref<!tpu.dma_semaphore, #tpu.memory_space<semaphore_mem>>) src(%dma_wait3A_108 : memref<392x32xf32, #tpu.memory_space<vmem_shared>>) dst(%arg20 : memref<392x32xf32, #tpu.memory_space<vmem>>)
      tpu.yield
    }) : () -> ()
    %add3A_79 = arith.constant 784 : i32
    %add3A_80 = arith.addi %add3A_68, %add3A_79 : i32
    "tpu.region"() ({
      %run_scoped3A = tpu.sem_alloc : memref<!tpu.dma_semaphore, #tpu.memory_space<semaphore_mem>>
      %dma_start3A_101 = arith.constant 0 : i32
      %dma_start3A_102 = tpu.memref_slice %arg6[%add3A_80, %dma_start3A_101] : memref<100352x32xf32, #tpu.memory_space<hbm>> -> memref<392x32xf32, #tpu.memory_space<hbm>>
      %dma_start3A_103 = arith.constant 0 : i32
      %dma_start3A_104 = tpu.memref_slice %arg6[%add3A_80, %dma_start3A_103] : memref<100352x32xf32, #tpu.memory_space<hbm>> -> memref<392x32xf32, #tpu.memory_space<hbm>>
      tpu.enqueue_dma source(%arg20 : memref<392x32xf32, #tpu.memory_space<vmem>>) target(%dma_start3A_104 : memref<392x32xf32, #tpu.memory_space<hbm>>) target_semaphore(%run_scoped3A : memref<!tpu.dma_semaphore, #tpu.memory_space<semaphore_mem>>)
      %dma_wait3A_105 = arith.constant 0 : i32
      %dma_wait3A_106 = tpu.memref_slice %arg6[%add3A_80, %dma_wait3A_105] : memref<100352x32xf32, #tpu.memory_space<hbm>> -> memref<392x32xf32, #tpu.memory_space<hbm>>
      %dma_wait3A_107 = arith.constant 0 : i32
      %dma_wait3A_108 = tpu.memref_slice %arg6[%add3A_80, %dma_wait3A_107] : memref<100352x32xf32, #tpu.memory_space<hbm>> -> memref<392x32xf32, #tpu.memory_space<hbm>>
      tpu.wait_dma2 semaphore(%run_scoped3A : memref<!tpu.dma_semaphore, #tpu.memory_space<semaphore_mem>>) src(%arg20 : memref<392x32xf32, #tpu.memory_space<vmem>>) dst(%dma_wait3A_108 : memref<392x32xf32, #tpu.memory_space<hbm>>)
      tpu.yield
    }) : () -> ()
    %add3A_81 = arith.constant 1176 : i32
    %add3A_82 = arith.addi %mul3A_16, %add3A_81 : i32
    "tpu.region"() ({
      %run_scoped3A = tpu.sem_alloc : memref<!tpu.dma_semaphore, #tpu.memory_space<semaphore_mem>>
      %dma_start3A_101 = arith.constant 0 : i32
      %dma_start3A_102 = tpu.memref_slice %arg22[%add3A_82, %dma_start3A_101] : memref<50176x32xf32, #tpu.memory_space<vmem_shared>> -> memref<392x32xf32, #tpu.memory_space<vmem_shared>>
      %dma_start3A_103 = arith.constant 0 : i32
      %dma_start3A_104 = tpu.memref_slice %arg22[%add3A_82, %dma_start3A_103] : memref<50176x32xf32, #tpu.memory_space<vmem_shared>> -> memref<392x32xf32, #tpu.memory_space<vmem_shared>>
      tpu.enqueue_dma source(%dma_start3A_104 : memref<392x32xf32, #tpu.memory_space<vmem_shared>>) target(%arg20 : memref<392x32xf32, #tpu.memory_space<vmem>>) target_semaphore(%run_scoped3A : memref<!tpu.dma_semaphore, #tpu.memory_space<semaphore_mem>>)
      %dma_wait3A_105 = arith.constant 0 : i32
      %dma_wait3A_106 = tpu.memref_slice %arg22[%add3A_82, %dma_wait3A_105] : memref<50176x32xf32, #tpu.memory_space<vmem_shared>> -> memref<392x32xf32, #tpu.memory_space<vmem_shared>>
      %dma_wait3A_107 = arith.constant 0 : i32
      %dma_wait3A_108 = tpu.memref_slice %arg22[%add3A_82, %dma_wait3A_107] : memref<50176x32xf32, #tpu.memory_space<vmem_shared>> -> memref<392x32xf32, #tpu.memory_space<vmem_shared>>
      tpu.wait_dma2 semaphore(%run_scoped3A : memref<!tpu.dma_semaphore, #tpu.memory_space<semaphore_mem>>) src(%dma_wait3A_108 : memref<392x32xf32, #tpu.memory_space<vmem_shared>>) dst(%arg20 : memref<392x32xf32, #tpu.memory_space<vmem>>)
      tpu.yield
    }) : () -> ()
    %add3A_83 = arith.constant 1176 : i32
    %add3A_84 = arith.addi %add3A_68, %add3A_83 : i32
    "tpu.region"() ({
      %run_scoped3A = tpu.sem_alloc : memref<!tpu.dma_semaphore, #tpu.memory_space<semaphore_mem>>
      %dma_start3A_101 = arith.constant 0 : i32
      %dma_start3A_102 = tpu.memref_slice %arg6[%add3A_84, %dma_start3A_101] : memref<100352x32xf32, #tpu.memory_space<hbm>> -> memref<392x32xf32, #tpu.memory_space<hbm>>
      %dma_start3A_103 = arith.constant 0 : i32
      %dma_start3A_104 = tpu.memref_slice %arg6[%add3A_84, %dma_start3A_103] : memref<100352x32xf32, #tpu.memory_space<hbm>> -> memref<392x32xf32, #tpu.memory_space<hbm>>
      tpu.enqueue_dma source(%arg20 : memref<392x32xf32, #tpu.memory_space<vmem>>) target(%dma_start3A_104 : memref<392x32xf32, #tpu.memory_space<hbm>>) target_semaphore(%run_scoped3A : memref<!tpu.dma_semaphore, #tpu.memory_space<semaphore_mem>>)
      %dma_wait3A_105 = arith.constant 0 : i32
      %dma_wait3A_106 = tpu.memref_slice %arg6[%add3A_84, %dma_wait3A_105] : memref<100352x32xf32, #tpu.memory_space<hbm>> -> memref<392x32xf32, #tpu.memory_space<hbm>>
      %dma_wait3A_107 = arith.constant 0 : i32
      %dma_wait3A_108 = tpu.memref_slice %arg6[%add3A_84, %dma_wait3A_107] : memref<100352x32xf32, #tpu.memory_space<hbm>> -> memref<392x32xf32, #tpu.memory_space<hbm>>
      tpu.wait_dma2 semaphore(%run_scoped3A : memref<!tpu.dma_semaphore, #tpu.memory_space<semaphore_mem>>) src(%arg20 : memref<392x32xf32, #tpu.memory_space<vmem>>) dst(%dma_wait3A_108 : memref<392x32xf32, #tpu.memory_space<hbm>>)
      tpu.yield
    }) : () -> ()
    %add3A_85 = arith.constant 1568 : i32
    %add3A_86 = arith.addi %mul3A_16, %add3A_85 : i32
    "tpu.region"() ({
      %run_scoped3A = tpu.sem_alloc : memref<!tpu.dma_semaphore, #tpu.memory_space<semaphore_mem>>
      %dma_start3A_101 = arith.constant 0 : i32
      %dma_start3A_102 = tpu.memref_slice %arg22[%add3A_86, %dma_start3A_101] : memref<50176x32xf32, #tpu.memory_space<vmem_shared>> -> memref<392x32xf32, #tpu.memory_space<vmem_shared>>
      %dma_start3A_103 = arith.constant 0 : i32
      %dma_start3A_104 = tpu.memref_slice %arg22[%add3A_86, %dma_start3A_103] : memref<50176x32xf32, #tpu.memory_space<vmem_shared>> -> memref<392x32xf32, #tpu.memory_space<vmem_shared>>
      tpu.enqueue_dma source(%dma_start3A_104 : memref<392x32xf32, #tpu.memory_space<vmem_shared>>) target(%arg20 : memref<392x32xf32, #tpu.memory_space<vmem>>) target_semaphore(%run_scoped3A : memref<!tpu.dma_semaphore, #tpu.memory_space<semaphore_mem>>)
      %dma_wait3A_105 = arith.constant 0 : i32
      %dma_wait3A_106 = tpu.memref_slice %arg22[%add3A_86, %dma_wait3A_105] : memref<50176x32xf32, #tpu.memory_space<vmem_shared>> -> memref<392x32xf32, #tpu.memory_space<vmem_shared>>
      %dma_wait3A_107 = arith.constant 0 : i32
      %dma_wait3A_108 = tpu.memref_slice %arg22[%add3A_86, %dma_wait3A_107] : memref<50176x32xf32, #tpu.memory_space<vmem_shared>> -> memref<392x32xf32, #tpu.memory_space<vmem_shared>>
      tpu.wait_dma2 semaphore(%run_scoped3A : memref<!tpu.dma_semaphore, #tpu.memory_space<semaphore_mem>>) src(%dma_wait3A_108 : memref<392x32xf32, #tpu.memory_space<vmem_shared>>) dst(%arg20 : memref<392x32xf32, #tpu.memory_space<vmem>>)
      tpu.yield
    }) : () -> ()
    %add3A_87 = arith.constant 1568 : i32
    %add3A_88 = arith.addi %add3A_68, %add3A_87 : i32
    "tpu.region"() ({
      %run_scoped3A = tpu.sem_alloc : memref<!tpu.dma_semaphore, #tpu.memory_space<semaphore_mem>>
      %dma_start3A_101 = arith.constant 0 : i32
      %dma_start3A_102 = tpu.memref_slice %arg6[%add3A_88, %dma_start3A_101] : memref<100352x32xf32, #tpu.memory_space<hbm>> -> memref<392x32xf32, #tpu.memory_space<hbm>>
      %dma_start3A_103 = arith.constant 0 : i32
      %dma_start3A_104 = tpu.memref_slice %arg6[%add3A_88, %dma_start3A_103] : memref<100352x32xf32, #tpu.memory_space<hbm>> -> memref<392x32xf32, #tpu.memory_space<hbm>>
      tpu.enqueue_dma source(%arg20 : memref<392x32xf32, #tpu.memory_space<vmem>>) target(%dma_start3A_104 : memref<392x32xf32, #tpu.memory_space<hbm>>) target_semaphore(%run_scoped3A : memref<!tpu.dma_semaphore, #tpu.memory_space<semaphore_mem>>)
      %dma_wait3A_105 = arith.constant 0 : i32
      %dma_wait3A_106 = tpu.memref_slice %arg6[%add3A_88, %dma_wait3A_105] : memref<100352x32xf32, #tpu.memory_space<hbm>> -> memref<392x32xf32, #tpu.memory_space<hbm>>
      %dma_wait3A_107 = arith.constant 0 : i32
      %dma_wait3A_108 = tpu.memref_slice %arg6[%add3A_88, %dma_wait3A_107] : memref<100352x32xf32, #tpu.memory_space<hbm>> -> memref<392x32xf32, #tpu.memory_space<hbm>>
      tpu.wait_dma2 semaphore(%run_scoped3A : memref<!tpu.dma_semaphore, #tpu.memory_space<semaphore_mem>>) src(%arg20 : memref<392x32xf32, #tpu.memory_space<vmem>>) dst(%dma_wait3A_108 : memref<392x32xf32, #tpu.memory_space<hbm>>)
      tpu.yield
    }) : () -> ()
    %add3A_89 = arith.constant 1960 : i32
    %add3A_90 = arith.addi %mul3A_16, %add3A_89 : i32
    "tpu.region"() ({
      %run_scoped3A = tpu.sem_alloc : memref<!tpu.dma_semaphore, #tpu.memory_space<semaphore_mem>>
      %dma_start3A_101 = arith.constant 0 : i32
      %dma_start3A_102 = tpu.memref_slice %arg22[%add3A_90, %dma_start3A_101] : memref<50176x32xf32, #tpu.memory_space<vmem_shared>> -> memref<392x32xf32, #tpu.memory_space<vmem_shared>>
      %dma_start3A_103 = arith.constant 0 : i32
      %dma_start3A_104 = tpu.memref_slice %arg22[%add3A_90, %dma_start3A_103] : memref<50176x32xf32, #tpu.memory_space<vmem_shared>> -> memref<392x32xf32, #tpu.memory_space<vmem_shared>>
      tpu.enqueue_dma source(%dma_start3A_104 : memref<392x32xf32, #tpu.memory_space<vmem_shared>>) target(%arg20 : memref<392x32xf32, #tpu.memory_space<vmem>>) target_semaphore(%run_scoped3A : memref<!tpu.dma_semaphore, #tpu.memory_space<semaphore_mem>>)
      %dma_wait3A_105 = arith.constant 0 : i32
      %dma_wait3A_106 = tpu.memref_slice %arg22[%add3A_90, %dma_wait3A_105] : memref<50176x32xf32, #tpu.memory_space<vmem_shared>> -> memref<392x32xf32, #tpu.memory_space<vmem_shared>>
      %dma_wait3A_107 = arith.constant 0 : i32
      %dma_wait3A_108 = tpu.memref_slice %arg22[%add3A_90, %dma_wait3A_107] : memref<50176x32xf32, #tpu.memory_space<vmem_shared>> -> memref<392x32xf32, #tpu.memory_space<vmem_shared>>
      tpu.wait_dma2 semaphore(%run_scoped3A : memref<!tpu.dma_semaphore, #tpu.memory_space<semaphore_mem>>) src(%dma_wait3A_108 : memref<392x32xf32, #tpu.memory_space<vmem_shared>>) dst(%arg20 : memref<392x32xf32, #tpu.memory_space<vmem>>)
      tpu.yield
    }) : () -> ()
    %add3A_91 = arith.constant 1960 : i32
    %add3A_92 = arith.addi %add3A_68, %add3A_91 : i32
    "tpu.region"() ({
      %run_scoped3A = tpu.sem_alloc : memref<!tpu.dma_semaphore, #tpu.memory_space<semaphore_mem>>
      %dma_start3A_101 = arith.constant 0 : i32
      %dma_start3A_102 = tpu.memref_slice %arg6[%add3A_92, %dma_start3A_101] : memref<100352x32xf32, #tpu.memory_space<hbm>> -> memref<392x32xf32, #tpu.memory_space<hbm>>
      %dma_start3A_103 = arith.constant 0 : i32
      %dma_start3A_104 = tpu.memref_slice %arg6[%add3A_92, %dma_start3A_103] : memref<100352x32xf32, #tpu.memory_space<hbm>> -> memref<392x32xf32, #tpu.memory_space<hbm>>
      tpu.enqueue_dma source(%arg20 : memref<392x32xf32, #tpu.memory_space<vmem>>) target(%dma_start3A_104 : memref<392x32xf32, #tpu.memory_space<hbm>>) target_semaphore(%run_scoped3A : memref<!tpu.dma_semaphore, #tpu.memory_space<semaphore_mem>>)
      %dma_wait3A_105 = arith.constant 0 : i32
      %dma_wait3A_106 = tpu.memref_slice %arg6[%add3A_92, %dma_wait3A_105] : memref<100352x32xf32, #tpu.memory_space<hbm>> -> memref<392x32xf32, #tpu.memory_space<hbm>>
      %dma_wait3A_107 = arith.constant 0 : i32
      %dma_wait3A_108 = tpu.memref_slice %arg6[%add3A_92, %dma_wait3A_107] : memref<100352x32xf32, #tpu.memory_space<hbm>> -> memref<392x32xf32, #tpu.memory_space<hbm>>
      tpu.wait_dma2 semaphore(%run_scoped3A : memref<!tpu.dma_semaphore, #tpu.memory_space<semaphore_mem>>) src(%arg20 : memref<392x32xf32, #tpu.memory_space<vmem>>) dst(%dma_wait3A_108 : memref<392x32xf32, #tpu.memory_space<hbm>>)
      tpu.yield
    }) : () -> ()
    %add3A_93 = arith.constant 2352 : i32
    %add3A_94 = arith.addi %mul3A_16, %add3A_93 : i32
    "tpu.region"() ({
      %run_scoped3A = tpu.sem_alloc : memref<!tpu.dma_semaphore, #tpu.memory_space<semaphore_mem>>
      %dma_start3A_101 = arith.constant 0 : i32
      %dma_start3A_102 = tpu.memref_slice %arg22[%add3A_94, %dma_start3A_101] : memref<50176x32xf32, #tpu.memory_space<vmem_shared>> -> memref<392x32xf32, #tpu.memory_space<vmem_shared>>
      %dma_start3A_103 = arith.constant 0 : i32
      %dma_start3A_104 = tpu.memref_slice %arg22[%add3A_94, %dma_start3A_103] : memref<50176x32xf32, #tpu.memory_space<vmem_shared>> -> memref<392x32xf32, #tpu.memory_space<vmem_shared>>
      tpu.enqueue_dma source(%dma_start3A_104 : memref<392x32xf32, #tpu.memory_space<vmem_shared>>) target(%arg20 : memref<392x32xf32, #tpu.memory_space<vmem>>) target_semaphore(%run_scoped3A : memref<!tpu.dma_semaphore, #tpu.memory_space<semaphore_mem>>)
      %dma_wait3A_105 = arith.constant 0 : i32
      %dma_wait3A_106 = tpu.memref_slice %arg22[%add3A_94, %dma_wait3A_105] : memref<50176x32xf32, #tpu.memory_space<vmem_shared>> -> memref<392x32xf32, #tpu.memory_space<vmem_shared>>
      %dma_wait3A_107 = arith.constant 0 : i32
      %dma_wait3A_108 = tpu.memref_slice %arg22[%add3A_94, %dma_wait3A_107] : memref<50176x32xf32, #tpu.memory_space<vmem_shared>> -> memref<392x32xf32, #tpu.memory_space<vmem_shared>>
      tpu.wait_dma2 semaphore(%run_scoped3A : memref<!tpu.dma_semaphore, #tpu.memory_space<semaphore_mem>>) src(%dma_wait3A_108 : memref<392x32xf32, #tpu.memory_space<vmem_shared>>) dst(%arg20 : memref<392x32xf32, #tpu.memory_space<vmem>>)
      tpu.yield
    }) : () -> ()
    %add3A_95 = arith.constant 2352 : i32
    %add3A_96 = arith.addi %add3A_68, %add3A_95 : i32
    "tpu.region"() ({
      %run_scoped3A = tpu.sem_alloc : memref<!tpu.dma_semaphore, #tpu.memory_space<semaphore_mem>>
      %dma_start3A_101 = arith.constant 0 : i32
      %dma_start3A_102 = tpu.memref_slice %arg6[%add3A_96, %dma_start3A_101] : memref<100352x32xf32, #tpu.memory_space<hbm>> -> memref<392x32xf32, #tpu.memory_space<hbm>>
      %dma_start3A_103 = arith.constant 0 : i32
      %dma_start3A_104 = tpu.memref_slice %arg6[%add3A_96, %dma_start3A_103] : memref<100352x32xf32, #tpu.memory_space<hbm>> -> memref<392x32xf32, #tpu.memory_space<hbm>>
      tpu.enqueue_dma source(%arg20 : memref<392x32xf32, #tpu.memory_space<vmem>>) target(%dma_start3A_104 : memref<392x32xf32, #tpu.memory_space<hbm>>) target_semaphore(%run_scoped3A : memref<!tpu.dma_semaphore, #tpu.memory_space<semaphore_mem>>)
      %dma_wait3A_105 = arith.constant 0 : i32
      %dma_wait3A_106 = tpu.memref_slice %arg6[%add3A_96, %dma_wait3A_105] : memref<100352x32xf32, #tpu.memory_space<hbm>> -> memref<392x32xf32, #tpu.memory_space<hbm>>
      %dma_wait3A_107 = arith.constant 0 : i32
      %dma_wait3A_108 = tpu.memref_slice %arg6[%add3A_96, %dma_wait3A_107] : memref<100352x32xf32, #tpu.memory_space<hbm>> -> memref<392x32xf32, #tpu.memory_space<hbm>>
      tpu.wait_dma2 semaphore(%run_scoped3A : memref<!tpu.dma_semaphore, #tpu.memory_space<semaphore_mem>>) src(%arg20 : memref<392x32xf32, #tpu.memory_space<vmem>>) dst(%dma_wait3A_108 : memref<392x32xf32, #tpu.memory_space<hbm>>)
      tpu.yield
    }) : () -> ()
    %add3A_97 = arith.constant 2744 : i32
    %add3A_98 = arith.addi %mul3A_16, %add3A_97 : i32
    "tpu.region"() ({
      %run_scoped3A = tpu.sem_alloc : memref<!tpu.dma_semaphore, #tpu.memory_space<semaphore_mem>>
      %dma_start3A_101 = arith.constant 0 : i32
      %dma_start3A_102 = tpu.memref_slice %arg22[%add3A_98, %dma_start3A_101] : memref<50176x32xf32, #tpu.memory_space<vmem_shared>> -> memref<392x32xf32, #tpu.memory_space<vmem_shared>>
      %dma_start3A_103 = arith.constant 0 : i32
      %dma_start3A_104 = tpu.memref_slice %arg22[%add3A_98, %dma_start3A_103] : memref<50176x32xf32, #tpu.memory_space<vmem_shared>> -> memref<392x32xf32, #tpu.memory_space<vmem_shared>>
      tpu.enqueue_dma source(%dma_start3A_104 : memref<392x32xf32, #tpu.memory_space<vmem_shared>>) target(%arg20 : memref<392x32xf32, #tpu.memory_space<vmem>>) target_semaphore(%run_scoped3A : memref<!tpu.dma_semaphore, #tpu.memory_space<semaphore_mem>>)
      %dma_wait3A_105 = arith.constant 0 : i32
      %dma_wait3A_106 = tpu.memref_slice %arg22[%add3A_98, %dma_wait3A_105] : memref<50176x32xf32, #tpu.memory_space<vmem_shared>> -> memref<392x32xf32, #tpu.memory_space<vmem_shared>>
      %dma_wait3A_107 = arith.constant 0 : i32
      %dma_wait3A_108 = tpu.memref_slice %arg22[%add3A_98, %dma_wait3A_107] : memref<50176x32xf32, #tpu.memory_space<vmem_shared>> -> memref<392x32xf32, #tpu.memory_space<vmem_shared>>
      tpu.wait_dma2 semaphore(%run_scoped3A : memref<!tpu.dma_semaphore, #tpu.memory_space<semaphore_mem>>) src(%dma_wait3A_108 : memref<392x32xf32, #tpu.memory_space<vmem_shared>>) dst(%arg20 : memref<392x32xf32, #tpu.memory_space<vmem>>)
      tpu.yield
    }) : () -> ()
    %add3A_99 = arith.constant 2744 : i32
    %add3A_100 = arith.addi %add3A_68, %add3A_99 : i32
    "tpu.region"() ({
      %run_scoped3A = tpu.sem_alloc : memref<!tpu.dma_semaphore, #tpu.memory_space<semaphore_mem>>
      %dma_start3A_101 = arith.constant 0 : i32
      %dma_start3A_102 = tpu.memref_slice %arg6[%add3A_100, %dma_start3A_101] : memref<100352x32xf32, #tpu.memory_space<hbm>> -> memref<392x32xf32, #tpu.memory_space<hbm>>
      %dma_start3A_103 = arith.constant 0 : i32
      %dma_start3A_104 = tpu.memref_slice %arg6[%add3A_100, %dma_start3A_103] : memref<100352x32xf32, #tpu.memory_space<hbm>> -> memref<392x32xf32, #tpu.memory_space<hbm>>
      tpu.enqueue_dma source(%arg20 : memref<392x32xf32, #tpu.memory_space<vmem>>) target(%dma_start3A_104 : memref<392x32xf32, #tpu.memory_space<hbm>>) target_semaphore(%run_scoped3A : memref<!tpu.dma_semaphore, #tpu.memory_space<semaphore_mem>>)
      %dma_wait3A_105 = arith.constant 0 : i32
      %dma_wait3A_106 = tpu.memref_slice %arg6[%add3A_100, %dma_wait3A_105] : memref<100352x32xf32, #tpu.memory_space<hbm>> -> memref<392x32xf32, #tpu.memory_space<hbm>>
      %dma_wait3A_107 = arith.constant 0 : i32
      %dma_wait3A_108 = tpu.memref_slice %arg6[%add3A_100, %dma_wait3A_107] : memref<100352x32xf32, #tpu.memory_space<hbm>> -> memref<392x32xf32, #tpu.memory_space<hbm>>
      tpu.wait_dma2 semaphore(%run_scoped3A : memref<!tpu.dma_semaphore, #tpu.memory_space<semaphore_mem>>) src(%arg20 : memref<392x32xf32, #tpu.memory_space<vmem>>) dst(%dma_wait3A_108 : memref<392x32xf32, #tpu.memory_space<hbm>>)
      tpu.yield
    }) : () -> ()
    "tpu.region"() ({
      %run_scoped3A = tpu.sem_alloc : memref<!tpu.dma_semaphore, #tpu.memory_space<semaphore_mem>>
      %dma_start3A_101 = tpu.memref_slice %arg23[%mul3A_16] : memref<50176xf32, #tpu.memory_space<vmem_shared>> -> memref<3136xf32, #tpu.memory_space<vmem_shared>>
      %dma_start3A_102 = tpu.memref_slice %arg23[%mul3A_16] : memref<50176xf32, #tpu.memory_space<vmem_shared>> -> memref<3136xf32, #tpu.memory_space<vmem_shared>>
      tpu.enqueue_dma source(%dma_start3A_102 : memref<3136xf32, #tpu.memory_space<vmem_shared>>) target(%arg21 : memref<3136xf32, #tpu.memory_space<vmem>>) target_semaphore(%run_scoped3A : memref<!tpu.dma_semaphore, #tpu.memory_space<semaphore_mem>>)
      %dma_wait3A_103 = tpu.memref_slice %arg23[%mul3A_16] : memref<50176xf32, #tpu.memory_space<vmem_shared>> -> memref<3136xf32, #tpu.memory_space<vmem_shared>>
      %dma_wait3A_104 = tpu.memref_slice %arg23[%mul3A_16] : memref<50176xf32, #tpu.memory_space<vmem_shared>> -> memref<3136xf32, #tpu.memory_space<vmem_shared>>
      tpu.wait_dma2 semaphore(%run_scoped3A : memref<!tpu.dma_semaphore, #tpu.memory_space<semaphore_mem>>) src(%dma_wait3A_104 : memref<3136xf32, #tpu.memory_space<vmem_shared>>) dst(%arg21 : memref<3136xf32, #tpu.memory_space<vmem>>)
      tpu.yield
    }) : () -> ()
    "tpu.region"() ({
      %run_scoped3A = tpu.sem_alloc : memref<!tpu.dma_semaphore, #tpu.memory_space<semaphore_mem>>
      %dma_start3A_101 = tpu.memref_slice %arg7[%add3A_68] : memref<100352xf32, #tpu.memory_space<hbm>> -> memref<3136xf32, #tpu.memory_space<hbm>>
      %dma_start3A_102 = tpu.memref_slice %arg7[%add3A_68] : memref<100352xf32, #tpu.memory_space<hbm>> -> memref<3136xf32, #tpu.memory_space<hbm>>
      tpu.enqueue_dma source(%arg21 : memref<3136xf32, #tpu.memory_space<vmem>>) target(%dma_start3A_102 : memref<3136xf32, #tpu.memory_space<hbm>>) target_semaphore(%run_scoped3A : memref<!tpu.dma_semaphore, #tpu.memory_space<semaphore_mem>>)
      %dma_wait3A_103 = tpu.memref_slice %arg7[%add3A_68] : memref<100352xf32, #tpu.memory_space<hbm>> -> memref<3136xf32, #tpu.memory_space<hbm>>
      %dma_wait3A_104 = tpu.memref_slice %arg7[%add3A_68] : memref<100352xf32, #tpu.memory_space<hbm>> -> memref<3136xf32, #tpu.memory_space<hbm>>
      tpu.wait_dma2 semaphore(%run_scoped3A : memref<!tpu.dma_semaphore, #tpu.memory_space<semaphore_mem>>) src(%arg21 : memref<3136xf32, #tpu.memory_space<vmem>>) dst(%dma_wait3A_104 : memref<3136xf32, #tpu.memory_space<hbm>>)
      tpu.yield
    }) : () -> ()
    return
  }
}

#map = affine_map<(d0, d1) -> (0, 0)>
#map1 = affine_map<(d0, d1) -> (0)>
module attributes {stable_mosaic.version = 14 : i64} {
  func.func @_sc_edge_kernel(%arg0: i32, %arg1: i32, %arg2: memref<100000x32xf32, #tpu.memory_space<hbm>>, %arg3: memref<100000xf32, #tpu.memory_space<hbm>>, %arg4: memref<100000xf32, #tpu.memory_space<hbm>>, %arg5: memref<2x1601536xi32, #tpu.memory_space<hbm>>, %arg6: memref<100352x32xf32, #tpu.memory_space<hbm>>, %arg7: memref<100352xf32, #tpu.memory_space<hbm>>, %arg8: memref<2x128xi32, #tpu.memory_space<vmem>>, %arg9: memref<2x128xi32, #tpu.memory_space<vmem>>, %arg10: memref<128xi32, #tpu.memory_space<vmem>>, %arg11: memref<128xi32, #tpu.memory_space<vmem>>, %arg12: memref<128xf32, #tpu.memory_space<vmem>>, %arg13: memref<128xf32, #tpu.memory_space<vmem>>, %arg14: memref<128xf32, #tpu.memory_space<vmem>>, %arg15: memref<128xf32, #tpu.memory_space<vmem>>, %arg16: memref<128xf32, #tpu.memory_space<vmem>>, %arg17: memref<128xf32, #tpu.memory_space<vmem>>, %arg18: memref<128x32xf32, #tpu.memory_space<vmem>>, %arg19: memref<128x32xf32, #tpu.memory_space<vmem>>, %arg20: memref<392x32xf32, #tpu.memory_space<vmem>>, %arg21: memref<3136xf32, #tpu.memory_space<vmem>>, %arg22: memref<50176x32xf32, #tpu.memory_space<vmem_shared>>, %arg23: memref<50176xf32, #tpu.memory_space<vmem_shared>>, %arg24: memref<!tpu.dma_semaphore, #tpu.memory_space<semaphore_mem>>, %arg25: memref<!tpu.dma_semaphore, #tpu.memory_space<semaphore_mem>>, %arg26: memref<!tpu.dma_semaphore, #tpu.memory_space<semaphore_mem>>, %arg27: memref<!tpu.dma_semaphore, #tpu.memory_space<semaphore_mem>>, %arg28: memref<!tpu.dma_semaphore, #tpu.memory_space<semaphore_mem>>, %arg29: memref<!tpu.dma_semaphore, #tpu.memory_space<semaphore_mem>>, %arg30: memref<!tpu.dma_semaphore, #tpu.memory_space<semaphore_mem>>, %arg31: memref<!tpu.dma_semaphore, #tpu.memory_space<semaphore_mem>>, %arg32: memref<!tpu.dma_semaphore, #tpu.memory_space<semaphore_mem>>, %arg33: memref<!tpu.dma_semaphore, #tpu.memory_space<semaphore_mem>>, %arg34: memref<!tpu.dma_semaphore, #tpu.memory_space<semaphore_mem>>, %arg35: memref<!tpu.dma_semaphore, #tpu.memory_space<semaphore_mem>>) attributes {dimension_semantics = [#tpu.dimension_semantics<core_parallel>, #tpu.dimension_semantics<subcore_parallel>], iteration_bounds = array<i64: 2, 16>, scalar_prefetch = 0 : i64, scratch_operands = 28 : i64, tpu.core_type = #tpu.core_type<sc_vector_subcore>, window_params = [{transform_indices = #map}, {transform_indices = #map1}, {transform_indices = #map1}, {transform_indices = #map}, {transform_indices = #map}, {transform_indices = #map1}]} {
    %mul3A = arith.constant 50000 : i32
    %mul3A_0 = arith.muli %arg0, %mul3A : i32
    %iota3A = tpu.iota {dimensions = array<i32: 0>} : vector<16xi32>
    %broadcast_in_dim3A = arith.constant 0.000000e+00 : f32
    %broadcast_in_dim3A_1 = vector.broadcast %broadcast_in_dim3A : f32 to vector<16xf32>
    %scan3A = arith.constant 0 : i32
    %scan3A_2 = arith.constant 0 : i32
    %scan3A_3 = arith.constant 392 : i32
    %scan3A_4 = arith.addi %scan3A_2, %scan3A_3 : i32
    %scan3A_5 = arith.constant 1 : i32
    %scan3A_6 = scf.for %scan3A_101 = %scan3A_2 to %scan3A_4 step %scan3A_5 iter_args(%scan3A_102 = %scan3A) -> (i32)  : i32 {
      %swap3A = arith.index_cast %scan3A_101 : i32 to index
      %swap3A_103 = arith.constant 0 : index
      %swap3A_104 = tpu.vector_load %arg20[%swap3A, %swap3A_103] {strides = array<i32>} : memref<392x32xf32, #tpu.memory_space<vmem>>, vector<1x16xf32>,
      %swap3A_105 = vector.shape_cast %swap3A_104 : vector<1x16xf32> to vector<16xf32>
      %swap3A_106 = vector.shape_cast %broadcast_in_dim3A_1 : vector<16xf32> to vector<1x16xf32>
      tpu.vector_store %arg20[%swap3A, %swap3A_103], %swap3A_106 {strides = array<i32>} : memref<392x32xf32, #tpu.memory_space<vmem>>, vector<1x16xf32>,
      %swap3A_107 = arith.index_cast %scan3A_101 : i32 to index
      %swap3A_108 = arith.constant 16 : index
      %swap3A_109 = tpu.vector_load %arg20[%swap3A_107, %swap3A_108] {strides = array<i32>} : memref<392x32xf32, #tpu.memory_space<vmem>>, vector<1x16xf32>,
      %swap3A_110 = vector.shape_cast %swap3A_109 : vector<1x16xf32> to vector<16xf32>
      %swap3A_111 = vector.shape_cast %broadcast_in_dim3A_1 : vector<16xf32> to vector<1x16xf32>
      tpu.vector_store %arg20[%swap3A_107, %swap3A_108], %swap3A_111 {strides = array<i32>} : memref<392x32xf32, #tpu.memory_space<vmem>>, vector<1x16xf32>,
      %scan3A_112 = arith.constant 0 : i32
      scf.yield %scan3A_112 : i32
    }
    %scan3A_7 = arith.constant 392 : i32
    %scan3A_8 = arith.constant 0 : i32
    %scan3A_9 = arith.constant 0 : i32
    %scan3A_10 = arith.constant 196 : i32
    %scan3A_11 = arith.addi %scan3A_9, %scan3A_10 : i32
    %scan3A_12 = arith.constant 1 : i32
    %scan3A_13 = scf.for %scan3A_101 = %scan3A_9 to %scan3A_11 step %scan3A_12 iter_args(%scan3A_102 = %scan3A_8) -> (i32)  : i32 {
      %mul3A_103 = arith.constant 16 : i32
      %mul3A_104 = arith.muli %scan3A_101, %mul3A_103 : i32
      %swap3A = arith.index_cast %mul3A_104 : i32 to index
      %swap3A_105 = tpu.vector_load %arg21[%swap3A] {strides = array<i32>} : memref<3136xf32, #tpu.memory_space<vmem>>, vector<16xf32>,
      %swap3A_106 = vector.shape_cast %swap3A_105 : vector<16xf32> to vector<16xf32>
      %swap3A_107 = vector.shape_cast %broadcast_in_dim3A_1 : vector<16xf32> to vector<16xf32>
      tpu.vector_store %arg21[%swap3A], %swap3A_107 {strides = array<i32>} : memref<3136xf32, #tpu.memory_space<vmem>>, vector<16xf32>,
      %scan3A_108 = arith.constant 0 : i32
      scf.yield %scan3A_108 : i32
    }
    %scan3A_14 = arith.constant 196 : i32
    %mul3A_15 = arith.constant 3136 : i32
    %mul3A_16 = arith.muli %arg1, %mul3A_15 : i32
    %add3A = arith.constant 0 : i32
    %add3A_17 = arith.addi %mul3A_16, %add3A : i32
    "tpu.region"() ({
      %run_scoped3A = tpu.sem_alloc : memref<!tpu.dma_semaphore, #tpu.memory_space<semaphore_mem>>
      %dma_start3A_101 = arith.constant 0 : i32
      %dma_start3A_102 = tpu.memref_slice %arg22[%add3A_17, %dma_start3A_101] : memref<50176x32xf32, #tpu.memory_space<vmem_shared>> -> memref<392x32xf32, #tpu.memory_space<vmem_shared>>
      %dma_start3A_103 = arith.constant 0 : i32
      %dma_start3A_104 = tpu.memref_slice %arg22[%add3A_17, %dma_start3A_103] : memref<50176x32xf32, #tpu.memory_space<vmem_shared>> -> memref<392x32xf32, #tpu.memory_space<vmem_shared>>
      tpu.enqueue_dma source(%arg20 : memref<392x32xf32, #tpu.memory_space<vmem>>) target(%dma_start3A_104 : memref<392x32xf32, #tpu.memory_space<vmem_shared>>) target_semaphore(%run_scoped3A : memref<!tpu.dma_semaphore, #tpu.memory_space<semaphore_mem>>)
      %dma_wait3A_105 = arith.constant 0 : i32
      %dma_wait3A_106 = tpu.memref_slice %arg22[%add3A_17, %dma_wait3A_105] : memref<50176x32xf32, #tpu.memory_space<vmem_shared>> -> memref<392x32xf32, #tpu.memory_space<vmem_shared>>
      %dma_wait3A_107 = arith.constant 0 : i32
      %dma_wait3A_108 = tpu.memref_slice %arg22[%add3A_17, %dma_wait3A_107] : memref<50176x32xf32, #tpu.memory_space<vmem_shared>> -> memref<392x32xf32, #tpu.memory_space<vmem_shared>>
      tpu.wait_dma2 semaphore(%run_scoped3A : memref<!tpu.dma_semaphore, #tpu.memory_space<semaphore_mem>>) src(%arg20 : memref<392x32xf32, #tpu.memory_space<vmem>>) dst(%dma_wait3A_108 : memref<392x32xf32, #tpu.memory_space<vmem_shared>>)
      tpu.yield
    }) : () -> ()
    %add3A_18 = arith.constant 392 : i32
    %add3A_19 = arith.addi %mul3A_16, %add3A_18 : i32
    "tpu.region"() ({
      %run_scoped3A = tpu.sem_alloc : memref<!tpu.dma_semaphore, #tpu.memory_space<semaphore_mem>>
      %dma_start3A_101 = arith.constant 0 : i32
      %dma_start3A_102 = tpu.memref_slice %arg22[%add3A_19, %dma_start3A_101] : memref<50176x32xf32, #tpu.memory_space<vmem_shared>> -> memref<392x32xf32, #tpu.memory_space<vmem_shared>>
      %dma_start3A_103 = arith.constant 0 : i32
      %dma_start3A_104 = tpu.memref_slice %arg22[%add3A_19, %dma_start3A_103] : memref<50176x32xf32, #tpu.memory_space<vmem_shared>> -> memref<392x32xf32, #tpu.memory_space<vmem_shared>>
      tpu.enqueue_dma source(%arg20 : memref<392x32xf32, #tpu.memory_space<vmem>>) target(%dma_start3A_104 : memref<392x32xf32, #tpu.memory_space<vmem_shared>>) target_semaphore(%run_scoped3A : memref<!tpu.dma_semaphore, #tpu.memory_space<semaphore_mem>>)
      %dma_wait3A_105 = arith.constant 0 : i32
      %dma_wait3A_106 = tpu.memref_slice %arg22[%add3A_19, %dma_wait3A_105] : memref<50176x32xf32, #tpu.memory_space<vmem_shared>> -> memref<392x32xf32, #tpu.memory_space<vmem_shared>>
      %dma_wait3A_107 = arith.constant 0 : i32
      %dma_wait3A_108 = tpu.memref_slice %arg22[%add3A_19, %dma_wait3A_107] : memref<50176x32xf32, #tpu.memory_space<vmem_shared>> -> memref<392x32xf32, #tpu.memory_space<vmem_shared>>
      tpu.wait_dma2 semaphore(%run_scoped3A : memref<!tpu.dma_semaphore, #tpu.memory_space<semaphore_mem>>) src(%arg20 : memref<392x32xf32, #tpu.memory_space<vmem>>) dst(%dma_wait3A_108 : memref<392x32xf32, #tpu.memory_space<vmem_shared>>)
      tpu.yield
    }) : () -> ()
    %add3A_20 = arith.constant 784 : i32
    %add3A_21 = arith.addi %mul3A_16, %add3A_20 : i32
    "tpu.region"() ({
      %run_scoped3A = tpu.sem_alloc : memref<!tpu.dma_semaphore, #tpu.memory_space<semaphore_mem>>
      %dma_start3A_101 = arith.constant 0 : i32
      %dma_start3A_102 = tpu.memref_slice %arg22[%add3A_21, %dma_start3A_101] : memref<50176x32xf32, #tpu.memory_space<vmem_shared>> -> memref<392x32xf32, #tpu.memory_space<vmem_shared>>
      %dma_start3A_103 = arith.constant 0 : i32
      %dma_start3A_104 = tpu.memref_slice %arg22[%add3A_21, %dma_start3A_103] : memref<50176x32xf32, #tpu.memory_space<vmem_shared>> -> memref<392x32xf32, #tpu.memory_space<vmem_shared>>
      tpu.enqueue_dma source(%arg20 : memref<392x32xf32, #tpu.memory_space<vmem>>) target(%dma_start3A_104 : memref<392x32xf32, #tpu.memory_space<vmem_shared>>) target_semaphore(%run_scoped3A : memref<!tpu.dma_semaphore, #tpu.memory_space<semaphore_mem>>)
      %dma_wait3A_105 = arith.constant 0 : i32
      %dma_wait3A_106 = tpu.memref_slice %arg22[%add3A_21, %dma_wait3A_105] : memref<50176x32xf32, #tpu.memory_space<vmem_shared>> -> memref<392x32xf32, #tpu.memory_space<vmem_shared>>
      %dma_wait3A_107 = arith.constant 0 : i32
      %dma_wait3A_108 = tpu.memref_slice %arg22[%add3A_21, %dma_wait3A_107] : memref<50176x32xf32, #tpu.memory_space<vmem_shared>> -> memref<392x32xf32, #tpu.memory_space<vmem_shared>>
      tpu.wait_dma2 semaphore(%run_scoped3A : memref<!tpu.dma_semaphore, #tpu.memory_space<semaphore_mem>>) src(%arg20 : memref<392x32xf32, #tpu.memory_space<vmem>>) dst(%dma_wait3A_108 : memref<392x32xf32, #tpu.memory_space<vmem_shared>>)
      tpu.yield
    }) : () -> ()
    %add3A_22 = arith.constant 1176 : i32
    %add3A_23 = arith.addi %mul3A_16, %add3A_22 : i32
    "tpu.region"() ({
      %run_scoped3A = tpu.sem_alloc : memref<!tpu.dma_semaphore, #tpu.memory_space<semaphore_mem>>
      %dma_start3A_101 = arith.constant 0 : i32
      %dma_start3A_102 = tpu.memref_slice %arg22[%add3A_23, %dma_start3A_101] : memref<50176x32xf32, #tpu.memory_space<vmem_shared>> -> memref<392x32xf32, #tpu.memory_space<vmem_shared>>
      %dma_start3A_103 = arith.constant 0 : i32
      %dma_start3A_104 = tpu.memref_slice %arg22[%add3A_23, %dma_start3A_103] : memref<50176x32xf32, #tpu.memory_space<vmem_shared>> -> memref<392x32xf32, #tpu.memory_space<vmem_shared>>
      tpu.enqueue_dma source(%arg20 : memref<392x32xf32, #tpu.memory_space<vmem>>) target(%dma_start3A_104 : memref<392x32xf32, #tpu.memory_space<vmem_shared>>) target_semaphore(%run_scoped3A : memref<!tpu.dma_semaphore, #tpu.memory_space<semaphore_mem>>)
      %dma_wait3A_105 = arith.constant 0 : i32
      %dma_wait3A_106 = tpu.memref_slice %arg22[%add3A_23, %dma_wait3A_105] : memref<50176x32xf32, #tpu.memory_space<vmem_shared>> -> memref<392x32xf32, #tpu.memory_space<vmem_shared>>
      %dma_wait3A_107 = arith.constant 0 : i32
      %dma_wait3A_108 = tpu.memref_slice %arg22[%add3A_23, %dma_wait3A_107] : memref<50176x32xf32, #tpu.memory_space<vmem_shared>> -> memref<392x32xf32, #tpu.memory_space<vmem_shared>>
      tpu.wait_dma2 semaphore(%run_scoped3A : memref<!tpu.dma_semaphore, #tpu.memory_space<semaphore_mem>>) src(%arg20 : memref<392x32xf32, #tpu.memory_space<vmem>>) dst(%dma_wait3A_108 : memref<392x32xf32, #tpu.memory_space<vmem_shared>>)
      tpu.yield
    }) : () -> ()
    %add3A_24 = arith.constant 1568 : i32
    %add3A_25 = arith.addi %mul3A_16, %add3A_24 : i32
    "tpu.region"() ({
      %run_scoped3A = tpu.sem_alloc : memref<!tpu.dma_semaphore, #tpu.memory_space<semaphore_mem>>
      %dma_start3A_101 = arith.constant 0 : i32
      %dma_start3A_102 = tpu.memref_slice %arg22[%add3A_25, %dma_start3A_101] : memref<50176x32xf32, #tpu.memory_space<vmem_shared>> -> memref<392x32xf32, #tpu.memory_space<vmem_shared>>
      %dma_start3A_103 = arith.constant 0 : i32
      %dma_start3A_104 = tpu.memref_slice %arg22[%add3A_25, %dma_start3A_103] : memref<50176x32xf32, #tpu.memory_space<vmem_shared>> -> memref<392x32xf32, #tpu.memory_space<vmem_shared>>
      tpu.enqueue_dma source(%arg20 : memref<392x32xf32, #tpu.memory_space<vmem>>) target(%dma_start3A_104 : memref<392x32xf32, #tpu.memory_space<vmem_shared>>) target_semaphore(%run_scoped3A : memref<!tpu.dma_semaphore, #tpu.memory_space<semaphore_mem>>)
      %dma_wait3A_105 = arith.constant 0 : i32
      %dma_wait3A_106 = tpu.memref_slice %arg22[%add3A_25, %dma_wait3A_105] : memref<50176x32xf32, #tpu.memory_space<vmem_shared>> -> memref<392x32xf32, #tpu.memory_space<vmem_shared>>
      %dma_wait3A_107 = arith.constant 0 : i32
      %dma_wait3A_108 = tpu.memref_slice %arg22[%add3A_25, %dma_wait3A_107] : memref<50176x32xf32, #tpu.memory_space<vmem_shared>> -> memref<392x32xf32, #tpu.memory_space<vmem_shared>>
      tpu.wait_dma2 semaphore(%run_scoped3A : memref<!tpu.dma_semaphore, #tpu.memory_space<semaphore_mem>>) src(%arg20 : memref<392x32xf32, #tpu.memory_space<vmem>>) dst(%dma_wait3A_108 : memref<392x32xf32, #tpu.memory_space<vmem_shared>>)
      tpu.yield
    }) : () -> ()
    %add3A_26 = arith.constant 1960 : i32
    %add3A_27 = arith.addi %mul3A_16, %add3A_26 : i32
    "tpu.region"() ({
      %run_scoped3A = tpu.sem_alloc : memref<!tpu.dma_semaphore, #tpu.memory_space<semaphore_mem>>
      %dma_start3A_101 = arith.constant 0 : i32
      %dma_start3A_102 = tpu.memref_slice %arg22[%add3A_27, %dma_start3A_101] : memref<50176x32xf32, #tpu.memory_space<vmem_shared>> -> memref<392x32xf32, #tpu.memory_space<vmem_shared>>
      %dma_start3A_103 = arith.constant 0 : i32
      %dma_start3A_104 = tpu.memref_slice %arg22[%add3A_27, %dma_start3A_103] : memref<50176x32xf32, #tpu.memory_space<vmem_shared>> -> memref<392x32xf32, #tpu.memory_space<vmem_shared>>
      tpu.enqueue_dma source(%arg20 : memref<392x32xf32, #tpu.memory_space<vmem>>) target(%dma_start3A_104 : memref<392x32xf32, #tpu.memory_space<vmem_shared>>) target_semaphore(%run_scoped3A : memref<!tpu.dma_semaphore, #tpu.memory_space<semaphore_mem>>)
      %dma_wait3A_105 = arith.constant 0 : i32
      %dma_wait3A_106 = tpu.memref_slice %arg22[%add3A_27, %dma_wait3A_105] : memref<50176x32xf32, #tpu.memory_space<vmem_shared>> -> memref<392x32xf32, #tpu.memory_space<vmem_shared>>
      %dma_wait3A_107 = arith.constant 0 : i32
      %dma_wait3A_108 = tpu.memref_slice %arg22[%add3A_27, %dma_wait3A_107] : memref<50176x32xf32, #tpu.memory_space<vmem_shared>> -> memref<392x32xf32, #tpu.memory_space<vmem_shared>>
      tpu.wait_dma2 semaphore(%run_scoped3A : memref<!tpu.dma_semaphore, #tpu.memory_space<semaphore_mem>>) src(%arg20 : memref<392x32xf32, #tpu.memory_space<vmem>>) dst(%dma_wait3A_108 : memref<392x32xf32, #tpu.memory_space<vmem_shared>>)
      tpu.yield
    }) : () -> ()
    %add3A_28 = arith.constant 2352 : i32
    %add3A_29 = arith.addi %mul3A_16, %add3A_28 : i32
    "tpu.region"() ({
      %run_scoped3A = tpu.sem_alloc : memref<!tpu.dma_semaphore, #tpu.memory_space<semaphore_mem>>
      %dma_start3A_101 = arith.constant 0 : i32
      %dma_start3A_102 = tpu.memref_slice %arg22[%add3A_29, %dma_start3A_101] : memref<50176x32xf32, #tpu.memory_space<vmem_shared>> -> memref<392x32xf32, #tpu.memory_space<vmem_shared>>
      %dma_start3A_103 = arith.constant 0 : i32
      %dma_start3A_104 = tpu.memref_slice %arg22[%add3A_29, %dma_start3A_103] : memref<50176x32xf32, #tpu.memory_space<vmem_shared>> -> memref<392x32xf32, #tpu.memory_space<vmem_shared>>
      tpu.enqueue_dma source(%arg20 : memref<392x32xf32, #tpu.memory_space<vmem>>) target(%dma_start3A_104 : memref<392x32xf32, #tpu.memory_space<vmem_shared>>) target_semaphore(%run_scoped3A : memref<!tpu.dma_semaphore, #tpu.memory_space<semaphore_mem>>)
      %dma_wait3A_105 = arith.constant 0 : i32
      %dma_wait3A_106 = tpu.memref_slice %arg22[%add3A_29, %dma_wait3A_105] : memref<50176x32xf32, #tpu.memory_space<vmem_shared>> -> memref<392x32xf32, #tpu.memory_space<vmem_shared>>
      %dma_wait3A_107 = arith.constant 0 : i32
      %dma_wait3A_108 = tpu.memref_slice %arg22[%add3A_29, %dma_wait3A_107] : memref<50176x32xf32, #tpu.memory_space<vmem_shared>> -> memref<392x32xf32, #tpu.memory_space<vmem_shared>>
      tpu.wait_dma2 semaphore(%run_scoped3A : memref<!tpu.dma_semaphore, #tpu.memory_space<semaphore_mem>>) src(%arg20 : memref<392x32xf32, #tpu.memory_space<vmem>>) dst(%dma_wait3A_108 : memref<392x32xf32, #tpu.memory_space<vmem_shared>>)
      tpu.yield
    }) : () -> ()
    %add3A_30 = arith.constant 2744 : i32
    %add3A_31 = arith.addi %mul3A_16, %add3A_30 : i32
    "tpu.region"() ({
      %run_scoped3A = tpu.sem_alloc : memref<!tpu.dma_semaphore, #tpu.memory_space<semaphore_mem>>
      %dma_start3A_101 = arith.constant 0 : i32
      %dma_start3A_102 = tpu.memref_slice %arg22[%add3A_31, %dma_start3A_101] : memref<50176x32xf32, #tpu.memory_space<vmem_shared>> -> memref<392x32xf32, #tpu.memory_space<vmem_shared>>
      %dma_start3A_103 = arith.constant 0 : i32
      %dma_start3A_104 = tpu.memref_slice %arg22[%add3A_31, %dma_start3A_103] : memref<50176x32xf32, #tpu.memory_space<vmem_shared>> -> memref<392x32xf32, #tpu.memory_space<vmem_shared>>
      tpu.enqueue_dma source(%arg20 : memref<392x32xf32, #tpu.memory_space<vmem>>) target(%dma_start3A_104 : memref<392x32xf32, #tpu.memory_space<vmem_shared>>) target_semaphore(%run_scoped3A : memref<!tpu.dma_semaphore, #tpu.memory_space<semaphore_mem>>)
      %dma_wait3A_105 = arith.constant 0 : i32
      %dma_wait3A_106 = tpu.memref_slice %arg22[%add3A_31, %dma_wait3A_105] : memref<50176x32xf32, #tpu.memory_space<vmem_shared>> -> memref<392x32xf32, #tpu.memory_space<vmem_shared>>
      %dma_wait3A_107 = arith.constant 0 : i32
      %dma_wait3A_108 = tpu.memref_slice %arg22[%add3A_31, %dma_wait3A_107] : memref<50176x32xf32, #tpu.memory_space<vmem_shared>> -> memref<392x32xf32, #tpu.memory_space<vmem_shared>>
      tpu.wait_dma2 semaphore(%run_scoped3A : memref<!tpu.dma_semaphore, #tpu.memory_space<semaphore_mem>>) src(%arg20 : memref<392x32xf32, #tpu.memory_space<vmem>>) dst(%dma_wait3A_108 : memref<392x32xf32, #tpu.memory_space<vmem_shared>>)
      tpu.yield
    }) : () -> ()
    "tpu.region"() ({
      %run_scoped3A = tpu.sem_alloc : memref<!tpu.dma_semaphore, #tpu.memory_space<semaphore_mem>>
      %dma_start3A_101 = tpu.memref_slice %arg23[%mul3A_16] : memref<50176xf32, #tpu.memory_space<vmem_shared>> -> memref<3136xf32, #tpu.memory_space<vmem_shared>>
      %dma_start3A_102 = tpu.memref_slice %arg23[%mul3A_16] : memref<50176xf32, #tpu.memory_space<vmem_shared>> -> memref<3136xf32, #tpu.memory_space<vmem_shared>>
      tpu.enqueue_dma source(%arg21 : memref<3136xf32, #tpu.memory_space<vmem>>) target(%dma_start3A_102 : memref<3136xf32, #tpu.memory_space<vmem_shared>>) target_semaphore(%run_scoped3A : memref<!tpu.dma_semaphore, #tpu.memory_space<semaphore_mem>>)
      %dma_wait3A_103 = tpu.memref_slice %arg23[%mul3A_16] : memref<50176xf32, #tpu.memory_space<vmem_shared>> -> memref<3136xf32, #tpu.memory_space<vmem_shared>>
      %dma_wait3A_104 = tpu.memref_slice %arg23[%mul3A_16] : memref<50176xf32, #tpu.memory_space<vmem_shared>> -> memref<3136xf32, #tpu.memory_space<vmem_shared>>
      tpu.wait_dma2 semaphore(%run_scoped3A : memref<!tpu.dma_semaphore, #tpu.memory_space<semaphore_mem>>) src(%arg21 : memref<3136xf32, #tpu.memory_space<vmem>>) dst(%dma_wait3A_104 : memref<3136xf32, #tpu.memory_space<vmem_shared>>)
      tpu.yield
    }) : () -> ()
    %barrier3A = arith.constant 0 : index
    tpu.barrier barrier_id(%barrier3A)
    %add3A_32 = arith.constant 0 : i32
    %add3A_33 = arith.addi %add3A_32, %arg1 : i32
    %mul3A_34 = arith.constant 128 : i32
    %mul3A_35 = arith.muli %add3A_33, %mul3A_34 : i32
    %dma_start3A = arith.constant 0 : i32
    %dma_start3A_36 = tpu.memref_slice %arg5[%dma_start3A, %mul3A_35] : memref<2x1601536xi32, #tpu.memory_space<hbm>> -> memref<2x128xi32, #tpu.memory_space<hbm>>
    %dma_start3A_37 = arith.constant 0 : i32
    %dma_start3A_38 = tpu.memref_slice %arg5[%dma_start3A_37, %mul3A_35] : memref<2x1601536xi32, #tpu.memory_space<hbm>> -> memref<2x128xi32, #tpu.memory_space<hbm>>
    tpu.enqueue_dma source(%dma_start3A_38 : memref<2x128xi32, #tpu.memory_space<hbm>>) target(%arg8 : memref<2x128xi32, #tpu.memory_space<vmem>>) target_semaphore(%arg24 : memref<!tpu.dma_semaphore, #tpu.memory_space<semaphore_mem>>)
    %add3A_39 = arith.constant 16 : i32
    %add3A_40 = arith.addi %add3A_39, %arg1 : i32
    %mul3A_41 = arith.constant 128 : i32
    %mul3A_42 = arith.muli %add3A_40, %mul3A_41 : i32
    %dma_start3A_43 = arith.constant 0 : i32
    %dma_start3A_44 = tpu.memref_slice %arg5[%dma_start3A_43, %mul3A_42] : memref<2x1601536xi32, #tpu.memory_space<hbm>> -> memref<2x128xi32, #tpu.memory_space<hbm>>
    %dma_start3A_45 = arith.constant 0 : i32
    %dma_start3A_46 = tpu.memref_slice %arg5[%dma_start3A_45, %mul3A_42] : memref<2x1601536xi32, #tpu.memory_space<hbm>> -> memref<2x128xi32, #tpu.memory_space<hbm>>
    tpu.enqueue_dma source(%dma_start3A_46 : memref<2x128xi32, #tpu.memory_space<hbm>>) target(%arg9 : memref<2x128xi32, #tpu.memory_space<vmem>>) target_semaphore(%arg25 : memref<!tpu.dma_semaphore, #tpu.memory_space<semaphore_mem>>)
    %dma_wait3A = arith.constant 0 : i32
    %dma_wait3A_47 = arith.constant 0 : i32
    %dma_wait3A_48 = tpu.memref_slice %arg5[%dma_wait3A, %dma_wait3A_47] : memref<2x1601536xi32, #tpu.memory_space<hbm>> -> memref<2x128xi32, #tpu.memory_space<hbm>>
    %dma_wait3A_49 = arith.constant 0 : i32
    %dma_wait3A_50 = arith.constant 0 : i32
    %dma_wait3A_51 = tpu.memref_slice %arg5[%dma_wait3A_49, %dma_wait3A_50] : memref<2x1601536xi32, #tpu.memory_space<hbm>> -> memref<2x128xi32, #tpu.memory_space<hbm>>
    tpu.wait_dma2 semaphore(%arg24 : memref<!tpu.dma_semaphore, #tpu.memory_space<semaphore_mem>>) src(%dma_wait3A_51 : memref<2x128xi32, #tpu.memory_space<hbm>>) dst(%arg8 : memref<2x128xi32, #tpu.memory_space<vmem>>)
    %scan3A_52 = arith.constant 0 : i32
    %scan3A_53 = arith.constant 0 : i32
    %scan3A_54 = arith.constant 391 : i32
    %scan3A_55 = arith.addi %scan3A_53, %scan3A_54 : i32
    %scan3A_56 = arith.constant 1 : i32
    %scan3A_57 = scf.for %scan3A_101 = %scan3A_53 to %scan3A_55 step %scan3A_56 iter_args(%scan3A_102 = %scan3A_52) -> (i32)  : i32 {
      %mul3A_103 = arith.constant 2 : i32
      %mul3A_104 = arith.muli %scan3A_101, %mul3A_103 : i32
      %add3A_105 = arith.constant 0 : i32
      %add3A_106 = arith.addi %mul3A_104, %add3A_105 : i32
      %mul3A_107 = arith.constant 16 : i32
      %mul3A_108 = arith.muli %add3A_106, %mul3A_107 : i32
      %add3A_109 = arith.addi %mul3A_108, %arg1 : i32
      %mul3A_110 = arith.constant 128 : i32
      %mul3A_111 = arith.muli %add3A_109, %mul3A_110 : i32
      %broadcast_in_dim3A_112 = arith.constant 0.000000e+00 : f32
      %broadcast_in_dim3A_113 = vector.broadcast %broadcast_in_dim3A_112 : f32 to vector<16xf32>
      %mul3A_114 = arith.constant 2.000000e-01 : f32
      %mul3A_115 = vector.broadcast %mul3A_114 : f32 to vector<16xf32>
      %mul3A_116 = arith.mulf %broadcast_in_dim3A_113, %mul3A_115 : vector<16xf32>
      %max3A = arith.maximumf %broadcast_in_dim3A_113, %mul3A_116 : vector<16xf32>
      %exp3A = math.exp %max3A : vector<16xf32>
      %swap3A = arith.constant 0 : index
      %swap3A_117 = tpu.vector_load %arg16[%swap3A] {strides = array<i32>} : memref<128xf32, #tpu.memory_space<vmem>>, vector<16xf32>,
      %swap3A_118 = vector.shape_cast %swap3A_117 : vector<16xf32> to vector<16xf32>
      %swap3A_119 = vector.shape_cast %exp3A : vector<16xf32> to vector<16xf32>
      tpu.vector_store %arg16[%swap3A], %swap3A_119 {strides = array<i32>} : memref<128xf32, #tpu.memory_space<vmem>>, vector<16xf32>,
      %get3A = arith.constant 1 : i32
      %get3A_120 = arith.index_cast %get3A : i32 to index
      %get3A_121 = arith.constant 0 : index
      %get3A_122 = tpu.vector_load %arg8[%get3A_120, %get3A_121] {strides = array<i32>} : memref<2x128xi32, #tpu.memory_space<vmem>>, vector<1x16xi32>,
      %get3A_123 = vector.shape_cast %get3A_122 : vector<1x16xi32> to vector<16xi32>
      %sub3A = vector.broadcast %mul3A_0 : i32 to vector<16xi32>
      %sub3A_124 = arith.subi %get3A_123, %sub3A : vector<16xi32>
      %add3A_125 = arith.constant 0 : i32
      %add3A_126 = arith.addi %mul3A_111, %add3A_125 : i32
      %add3A_127 = vector.broadcast %add3A_126 : i32 to vector<16xi32>
      %add3A_128 = arith.addi %add3A_127, %iota3A : vector<16xi32>
      %ge3A = arith.constant 0 : i32
      %ge3A_129 = vector.broadcast %ge3A : i32 to vector<16xi32>
      %ge3A_130 = arith.cmpi sge, %sub3A_124, %ge3A_129 : vector<16xi32>
      %lt3A = arith.constant 50000 : i32
      %lt3A_131 = vector.broadcast %lt3A : i32 to vector<16xi32>
      %lt3A_132 = arith.cmpi slt, %sub3A_124, %lt3A_131 : vector<16xi32>
      %and3A = arith.andi %ge3A_130, %lt3A_132 : vector<16xi1>
      %lt3A_133 = arith.constant 1600000 : i32
      %lt3A_134 = vector.broadcast %lt3A_133 : i32 to vector<16xi32>
      %lt3A_135 = arith.cmpi slt, %add3A_128, %lt3A_134 : vector<16xi32>
      %and3A_136 = arith.andi %and3A, %lt3A_135 : vector<16xi1>
      %jit3A = arith.constant 50000 : i32
      %broadcast_in_dim3A_137 = vector.broadcast %jit3A : i32 to vector<16xi32>
      %select_n3A = arith.select %and3A_136, %sub3A_124, %broadcast_in_dim3A_137 : vector<16xi1>, vector<16xi32>
      %swap3A_138 = arith.constant 0 : index
      %swap3A_139 = tpu.vector_load %arg10[%swap3A_138] {strides = array<i32>} : memref<128xi32, #tpu.memory_space<vmem>>, vector<16xi32>,
      %swap3A_140 = vector.shape_cast %swap3A_139 : vector<16xi32> to vector<16xi32>
      %swap3A_141 = vector.shape_cast %select_n3A : vector<16xi32> to vector<16xi32>
      tpu.vector_store %arg10[%swap3A_138], %swap3A_141 {strides = array<i32>} : memref<128xi32, #tpu.memory_space<vmem>>, vector<16xi32>,
      %broadcast_in_dim3A_142 = arith.constant 0.000000e+00 : f32
      %broadcast_in_dim3A_143 = vector.broadcast %broadcast_in_dim3A_142 : f32 to vector<16xf32>
      %mul3A_144 = arith.constant 2.000000e-01 : f32
      %mul3A_145 = vector.broadcast %mul3A_144 : f32 to vector<16xf32>
      %mul3A_146 = arith.mulf %broadcast_in_dim3A_143, %mul3A_145 : vector<16xf32>
      %max3A_147 = arith.maximumf %broadcast_in_dim3A_143, %mul3A_146 : vector<16xf32>
      %exp3A_148 = math.exp %max3A_147 : vector<16xf32>
      %swap3A_149 = arith.constant 16 : index
      %swap3A_150 = tpu.vector_load %arg16[%swap3A_149] {strides = array<i32>} : memref<128xf32, #tpu.memory_space<vmem>>, vector<16xf32>,
      %swap3A_151 = vector.shape_cast %swap3A_150 : vector<16xf32> to vector<16xf32>
      %swap3A_152 = vector.shape_cast %exp3A_148 : vector<16xf32> to vector<16xf32>
      tpu.vector_store %arg16[%swap3A_149], %swap3A_152 {strides = array<i32>} : memref<128xf32, #tpu.memory_space<vmem>>, vector<16xf32>,
      %get3A_153 = arith.constant 1 : i32
      %get3A_154 = arith.index_cast %get3A_153 : i32 to index
      %get3A_155 = arith.constant 16 : index
      %get3A_156 = tpu.vector_load %arg8[%get3A_154, %get3A_155] {strides = array<i32>} : memref<2x128xi32, #tpu.memory_space<vmem>>, vector<1x16xi32>,
      %get3A_157 = vector.shape_cast %get3A_156 : vector<1x16xi32> to vector<16xi32>
      %sub3A_158 = vector.broadcast %mul3A_0 : i32 to vector<16xi32>
      %sub3A_159 = arith.subi %get3A_157, %sub3A_158 : vector<16xi32>
      %add3A_160 = arith.constant 16 : i32
      %add3A_161 = arith.addi %mul3A_111, %add3A_160 : i32
      %add3A_162 = vector.broadcast %add3A_161 : i32 to vector<16xi32>
      %add3A_163 = arith.addi %add3A_162, %iota3A : vector<16xi32>
      %ge3A_164 = arith.constant 0 : i32
      %ge3A_165 = vector.broadcast %ge3A_164 : i32 to vector<16xi32>
      %ge3A_166 = arith.cmpi sge, %sub3A_159, %ge3A_165 : vector<16xi32>
      %lt3A_167 = arith.constant 50000 : i32
      %lt3A_168 = vector.broadcast %lt3A_167 : i32 to vector<16xi32>
      %lt3A_169 = arith.cmpi slt, %sub3A_159, %lt3A_168 : vector<16xi32>
      %and3A_170 = arith.andi %ge3A_166, %lt3A_169 : vector<16xi1>
      %lt3A_171 = arith.constant 1600000 : i32
      %lt3A_172 = vector.broadcast %lt3A_171 : i32 to vector<16xi32>
      %lt3A_173 = arith.cmpi slt, %add3A_163, %lt3A_172 : vector<16xi32>
      %and3A_174 = arith.andi %and3A_170, %lt3A_173 : vector<16xi1>
      %jit3A_175 = arith.constant 50000 : i32
      %broadcast_in_dim3A_176 = vector.broadcast %jit3A_175 : i32 to vector<16xi32>
      %select_n3A_177 = arith.select %and3A_174, %sub3A_159, %broadcast_in_dim3A_176 : vector<16xi1>, vector<16xi32>
      %swap3A_178 = arith.constant 16 : index
      %swap3A_179 = tpu.vector_load %arg10[%swap3A_178] {strides = array<i32>} : memref<128xi32, #tpu.memory_space<vmem>>, vector<16xi32>,
      %swap3A_180 = vector.shape_cast %swap3A_179 : vector<16xi32> to vector<16xi32>
      %swap3A_181 = vector.shape_cast %select_n3A_177 : vector<16xi32> to vector<16xi32>
      tpu.vector_store %arg10[%swap3A_178], %swap3A_181 {strides = array<i32>} : memref<128xi32, #tpu.memory_space<vmem>>, vector<16xi32>,
      %broadcast_in_dim3A_182 = arith.constant 0.000000e+00 : f32
      %broadcast_in_dim3A_183 = vector.broadcast %broadcast_in_dim3A_182 : f32 to vector<16xf32>
      %mul3A_184 = arith.constant 2.000000e-01 : f32
      %mul3A_185 = vector.broadcast %mul3A_184 : f32 to vector<16xf32>
      %mul3A_186 = arith.mulf %broadcast_in_dim3A_183, %mul3A_185 : vector<16xf32>
      %max3A_187 = arith.maximumf %broadcast_in_dim3A_183, %mul3A_186 : vector<16xf32>
      %exp3A_188 = math.exp %max3A_187 : vector<16xf32>
      %swap3A_189 = arith.constant 32 : index
      %swap3A_190 = tpu.vector_load %arg16[%swap3A_189] {strides = array<i32>} : memref<128xf32, #tpu.memory_space<vmem>>, vector<16xf32>,
      %swap3A_191 = vector.shape_cast %swap3A_190 : vector<16xf32> to vector<16xf32>
      %swap3A_192 = vector.shape_cast %exp3A_188 : vector<16xf32> to vector<16xf32>
      tpu.vector_store %arg16[%swap3A_189], %swap3A_192 {strides = array<i32>} : memref<128xf32, #tpu.memory_space<vmem>>, vector<16xf32>,
      %get3A_193 = arith.constant 1 : i32
      %get3A_194 = arith.index_cast %get3A_193 : i32 to index
      %get3A_195 = arith.constant 32 : index
      %get3A_196 = tpu.vector_load %arg8[%get3A_194, %get3A_195] {strides = array<i32>} : memref<2x128xi32, #tpu.memory_space<vmem>>, vector<1x16xi32>,
      %get3A_197 = vector.shape_cast %get3A_196 : vector<1x16xi32> to vector<16xi32>
      %sub3A_198 = vector.broadcast %mul3A_0 : i32 to vector<16xi32>
      %sub3A_199 = arith.subi %get3A_197, %sub3A_198 : vector<16xi32>
      %add3A_200 = arith.constant 32 : i32
      %add3A_201 = arith.addi %mul3A_111, %add3A_200 : i32
      %add3A_202 = vector.broadcast %add3A_201 : i32 to vector<16xi32>
      %add3A_203 = arith.addi %add3A_202, %iota3A : vector<16xi32>
      %ge3A_204 = arith.constant 0 : i32
      %ge3A_205 = vector.broadcast %ge3A_204 : i32 to vector<16xi32>
      %ge3A_206 = arith.cmpi sge, %sub3A_199, %ge3A_205 : vector<16xi32>
      %lt3A_207 = arith.constant 50000 : i32
      %lt3A_208 = vector.broadcast %lt3A_207 : i32 to vector<16xi32>
      %lt3A_209 = arith.cmpi slt, %sub3A_199, %lt3A_208 : vector<16xi32>
      %and3A_210 = arith.andi %ge3A_206, %lt3A_209 : vector<16xi1>
      %lt3A_211 = arith.constant 1600000 : i32
      %lt3A_212 = vector.broadcast %lt3A_211 : i32 to vector<16xi32>
      %lt3A_213 = arith.cmpi slt, %add3A_203, %lt3A_212 : vector<16xi32>
      %and3A_214 = arith.andi %and3A_210, %lt3A_213 : vector<16xi1>
      %jit3A_215 = arith.constant 50000 : i32
      %broadcast_in_dim3A_216 = vector.broadcast %jit3A_215 : i32 to vector<16xi32>
      %select_n3A_217 = arith.select %and3A_214, %sub3A_199, %broadcast_in_dim3A_216 : vector<16xi1>, vector<16xi32>
      %swap3A_218 = arith.constant 32 : index
      %swap3A_219 = tpu.vector_load %arg10[%swap3A_218] {strides = array<i32>} : memref<128xi32, #tpu.memory_space<vmem>>, vector<16xi32>,
      %swap3A_220 = vector.shape_cast %swap3A_219 : vector<16xi32> to vector<16xi32>
      %swap3A_221 = vector.shape_cast %select_n3A_217 : vector<16xi32> to vector<16xi32>
      tpu.vector_store %arg10[%swap3A_218], %swap3A_221 {strides = array<i32>} : memref<128xi32, #tpu.memory_space<vmem>>, vector<16xi32>,
      %broadcast_in_dim3A_222 = arith.constant 0.000000e+00 : f32
      %broadcast_in_dim3A_223 = vector.broadcast %broadcast_in_dim3A_222 : f32 to vector<16xf32>
      %mul3A_224 = arith.constant 2.000000e-01 : f32
      %mul3A_225 = vector.broadcast %mul3A_224 : f32 to vector<16xf32>
      %mul3A_226 = arith.mulf %broadcast_in_dim3A_223, %mul3A_225 : vector<16xf32>
      %max3A_227 = arith.maximumf %broadcast_in_dim3A_223, %mul3A_226 : vector<16xf32>
      %exp3A_228 = math.exp %max3A_227 : vector<16xf32>
      %swap3A_229 = arith.constant 48 : index
      %swap3A_230 = tpu.vector_load %arg16[%swap3A_229] {strides = array<i32>} : memref<128xf32, #tpu.memory_space<vmem>>, vector<16xf32>,
      %swap3A_231 = vector.shape_cast %swap3A_230 : vector<16xf32> to vector<16xf32>
      %swap3A_232 = vector.shape_cast %exp3A_228 : vector<16xf32> to vector<16xf32>
      tpu.vector_store %arg16[%swap3A_229], %swap3A_232 {strides = array<i32>} : memref<128xf32, #tpu.memory_space<vmem>>, vector<16xf32>,
      %get3A_233 = arith.constant 1 : i32
      %get3A_234 = arith.index_cast %get3A_233 : i32 to index
      %get3A_235 = arith.constant 48 : index
      %get3A_236 = tpu.vector_load %arg8[%get3A_234, %get3A_235] {strides = array<i32>} : memref<2x128xi32, #tpu.memory_space<vmem>>, vector<1x16xi32>,
      %get3A_237 = vector.shape_cast %get3A_236 : vector<1x16xi32> to vector<16xi32>
      %sub3A_238 = vector.broadcast %mul3A_0 : i32 to vector<16xi32>
      %sub3A_239 = arith.subi %get3A_237, %sub3A_238 : vector<16xi32>
      %add3A_240 = arith.constant 48 : i32
      %add3A_241 = arith.addi %mul3A_111, %add3A_240 : i32
      %add3A_242 = vector.broadcast %add3A_241 : i32 to vector<16xi32>
      %add3A_243 = arith.addi %add3A_242, %iota3A : vector<16xi32>
      %ge3A_244 = arith.constant 0 : i32
      %ge3A_245 = vector.broadcast %ge3A_244 : i32 to vector<16xi32>
      %ge3A_246 = arith.cmpi sge, %sub3A_239, %ge3A_245 : vector<16xi32>
      %lt3A_247 = arith.constant 50000 : i32
      %lt3A_248 = vector.broadcast %lt3A_247 : i32 to vector<16xi32>
      %lt3A_249 = arith.cmpi slt, %sub3A_239, %lt3A_248 : vector<16xi32>
      %and3A_250 = arith.andi %ge3A_246, %lt3A_249 : vector<16xi1>
      %lt3A_251 = arith.constant 1600000 : i32
      %lt3A_252 = vector.broadcast %lt3A_251 : i32 to vector<16xi32>
      %lt3A_253 = arith.cmpi slt, %add3A_243, %lt3A_252 : vector<16xi32>
      %and3A_254 = arith.andi %and3A_250, %lt3A_253 : vector<16xi1>
      %jit3A_255 = arith.constant 50000 : i32
      %broadcast_in_dim3A_256 = vector.broadcast %jit3A_255 : i32 to vector<16xi32>
      %select_n3A_257 = arith.select %and3A_254, %sub3A_239, %broadcast_in_dim3A_256 : vector<16xi1>, vector<16xi32>
      %swap3A_258 = arith.constant 48 : index
      %swap3A_259 = tpu.vector_load %arg10[%swap3A_258] {strides = array<i32>} : memref<128xi32, #tpu.memory_space<vmem>>, vector<16xi32>,
      %swap3A_260 = vector.shape_cast %swap3A_259 : vector<16xi32> to vector<16xi32>
      %swap3A_261 = vector.shape_cast %select_n3A_257 : vector<16xi32> to vector<16xi32>
      tpu.vector_store %arg10[%swap3A_258], %swap3A_261 {strides = array<i32>} : memref<128xi32, #tpu.memory_space<vmem>>, vector<16xi32>,
      %broadcast_in_dim3A_262 = arith.constant 0.000000e+00 : f32
      %broadcast_in_dim3A_263 = vector.broadcast %broadcast_in_dim3A_262 : f32 to vector<16xf32>
      %mul3A_264 = arith.constant 2.000000e-01 : f32
      %mul3A_265 = vector.broadcast %mul3A_264 : f32 to vector<16xf32>
      %mul3A_266 = arith.mulf %broadcast_in_dim3A_263, %mul3A_265 : vector<16xf32>
      %max3A_267 = arith.maximumf %broadcast_in_dim3A_263, %mul3A_266 : vector<16xf32>
      %exp3A_268 = math.exp %max3A_267 : vector<16xf32>
      %swap3A_269 = arith.constant 64 : index
      %swap3A_270 = tpu.vector_load %arg16[%swap3A_269] {strides = array<i32>} : memref<128xf32, #tpu.memory_space<vmem>>, vector<16xf32>,
      %swap3A_271 = vector.shape_cast %swap3A_270 : vector<16xf32> to vector<16xf32>
      %swap3A_272 = vector.shape_cast %exp3A_268 : vector<16xf32> to vector<16xf32>
      tpu.vector_store %arg16[%swap3A_269], %swap3A_272 {strides = array<i32>} : memref<128xf32, #tpu.memory_space<vmem>>, vector<16xf32>,
      %get3A_273 = arith.constant 1 : i32
      %get3A_274 = arith.index_cast %get3A_273 : i32 to index
      %get3A_275 = arith.constant 64 : index
      %get3A_276 = tpu.vector_load %arg8[%get3A_274, %get3A_275] {strides = array<i32>} : memref<2x128xi32, #tpu.memory_space<vmem>>, vector<1x16xi32>,
      %get3A_277 = vector.shape_cast %get3A_276 : vector<1x16xi32> to vector<16xi32>
      %sub3A_278 = vector.broadcast %mul3A_0 : i32 to vector<16xi32>
      %sub3A_279 = arith.subi %get3A_277, %sub3A_278 : vector<16xi32>
      %add3A_280 = arith.constant 64 : i32
      %add3A_281 = arith.addi %mul3A_111, %add3A_280 : i32
      %add3A_282 = vector.broadcast %add3A_281 : i32 to vector<16xi32>
      %add3A_283 = arith.addi %add3A_282, %iota3A : vector<16xi32>
      %ge3A_284 = arith.constant 0 : i32
      %ge3A_285 = vector.broadcast %ge3A_284 : i32 to vector<16xi32>
      %ge3A_286 = arith.cmpi sge, %sub3A_279, %ge3A_285 : vector<16xi32>
      %lt3A_287 = arith.constant 50000 : i32
      %lt3A_288 = vector.broadcast %lt3A_287 : i32 to vector<16xi32>
      %lt3A_289 = arith.cmpi slt, %sub3A_279, %lt3A_288 : vector<16xi32>
      %and3A_290 = arith.andi %ge3A_286, %lt3A_289 : vector<16xi1>
      %lt3A_291 = arith.constant 1600000 : i32
      %lt3A_292 = vector.broadcast %lt3A_291 : i32 to vector<16xi32>
      %lt3A_293 = arith.cmpi slt, %add3A_283, %lt3A_292 : vector<16xi32>
      %and3A_294 = arith.andi %and3A_290, %lt3A_293 : vector<16xi1>
      %jit3A_295 = arith.constant 50000 : i32
      %broadcast_in_dim3A_296 = vector.broadcast %jit3A_295 : i32 to vector<16xi32>
      %select_n3A_297 = arith.select %and3A_294, %sub3A_279, %broadcast_in_dim3A_296 : vector<16xi1>, vector<16xi32>
      %swap3A_298 = arith.constant 64 : index
      %swap3A_299 = tpu.vector_load %arg10[%swap3A_298] {strides = array<i32>} : memref<128xi32, #tpu.memory_space<vmem>>, vector<16xi32>,
      %swap3A_300 = vector.shape_cast %swap3A_299 : vector<16xi32> to vector<16xi32>
      %swap3A_301 = vector.shape_cast %select_n3A_297 : vector<16xi32> to vector<16xi32>
      tpu.vector_store %arg10[%swap3A_298], %swap3A_301 {strides = array<i32>} : memref<128xi32, #tpu.memory_space<vmem>>, vector<16xi32>,
      %broadcast_in_dim3A_302 = arith.constant 0.000000e+00 : f32
      %broadcast_in_dim3A_303 = vector.broadcast %broadcast_in_dim3A_302 : f32 to vector<16xf32>
      %mul3A_304 = arith.constant 2.000000e-01 : f32
      %mul3A_305 = vector.broadcast %mul3A_304 : f32 to vector<16xf32>
      %mul3A_306 = arith.mulf %broadcast_in_dim3A_303, %mul3A_305 : vector<16xf32>
      %max3A_307 = arith.maximumf %broadcast_in_dim3A_303, %mul3A_306 : vector<16xf32>
      %exp3A_308 = math.exp %max3A_307 : vector<16xf32>
      %swap3A_309 = arith.constant 80 : index
      %swap3A_310 = tpu.vector_load %arg16[%swap3A_309] {strides = array<i32>} : memref<128xf32, #tpu.memory_space<vmem>>, vector<16xf32>,
      %swap3A_311 = vector.shape_cast %swap3A_310 : vector<16xf32> to vector<16xf32>
      %swap3A_312 = vector.shape_cast %exp3A_308 : vector<16xf32> to vector<16xf32>
      tpu.vector_store %arg16[%swap3A_309], %swap3A_312 {strides = array<i32>} : memref<128xf32, #tpu.memory_space<vmem>>, vector<16xf32>,
      %get3A_313 = arith.constant 1 : i32
      %get3A_314 = arith.index_cast %get3A_313 : i32 to index
      %get3A_315 = arith.constant 80 : index
      %get3A_316 = tpu.vector_load %arg8[%get3A_314, %get3A_315] {strides = array<i32>} : memref<2x128xi32, #tpu.memory_space<vmem>>, vector<1x16xi32>,
      %get3A_317 = vector.shape_cast %get3A_316 : vector<1x16xi32> to vector<16xi32>
      %sub3A_318 = vector.broadcast %mul3A_0 : i32 to vector<16xi32>
      %sub3A_319 = arith.subi %get3A_317, %sub3A_318 : vector<16xi32>
      %add3A_320 = arith.constant 80 : i32
      %add3A_321 = arith.addi %mul3A_111, %add3A_320 : i32
      %add3A_322 = vector.broadcast %add3A_321 : i32 to vector<16xi32>
      %add3A_323 = arith.addi %add3A_322, %iota3A : vector<16xi32>
      %ge3A_324 = arith.constant 0 : i32
      %ge3A_325 = vector.broadcast %ge3A_324 : i32 to vector<16xi32>
      %ge3A_326 = arith.cmpi sge, %sub3A_319, %ge3A_325 : vector<16xi32>
      %lt3A_327 = arith.constant 50000 : i32
      %lt3A_328 = vector.broadcast %lt3A_327 : i32 to vector<16xi32>
      %lt3A_329 = arith.cmpi slt, %sub3A_319, %lt3A_328 : vector<16xi32>
      %and3A_330 = arith.andi %ge3A_326, %lt3A_329 : vector<16xi1>
      %lt3A_331 = arith.constant 1600000 : i32
      %lt3A_332 = vector.broadcast %lt3A_331 : i32 to vector<16xi32>
      %lt3A_333 = arith.cmpi slt, %add3A_323, %lt3A_332 : vector<16xi32>
      %and3A_334 = arith.andi %and3A_330, %lt3A_333 : vector<16xi1>
      %jit3A_335 = arith.constant 50000 : i32
      %broadcast_in_dim3A_336 = vector.broadcast %jit3A_335 : i32 to vector<16xi32>
      %select_n3A_337 = arith.select %and3A_334, %sub3A_319, %broadcast_in_dim3A_336 : vector<16xi1>, vector<16xi32>
      %swap3A_338 = arith.constant 80 : index
      %swap3A_339 = tpu.vector_load %arg10[%swap3A_338] {strides = array<i32>} : memref<128xi32, #tpu.memory_space<vmem>>, vector<16xi32>,
      %swap3A_340 = vector.shape_cast %swap3A_339 : vector<16xi32> to vector<16xi32>
      %swap3A_341 = vector.shape_cast %select_n3A_337 : vector<16xi32> to vector<16xi32>
      tpu.vector_store %arg10[%swap3A_338], %swap3A_341 {strides = array<i32>} : memref<128xi32, #tpu.memory_space<vmem>>, vector<16xi32>,
      %broadcast_in_dim3A_342 = arith.constant 0.000000e+00 : f32
      %broadcast_in_dim3A_343 = vector.broadcast %broadcast_in_dim3A_342 : f32 to vector<16xf32>
      %mul3A_344 = arith.constant 2.000000e-01 : f32
      %mul3A_345 = vector.broadcast %mul3A_344 : f32 to vector<16xf32>
      %mul3A_346 = arith.mulf %broadcast_in_dim3A_343, %mul3A_345 : vector<16xf32>
      %max3A_347 = arith.maximumf %broadcast_in_dim3A_343, %mul3A_346 : vector<16xf32>
      %exp3A_348 = math.exp %max3A_347 : vector<16xf32>
      %swap3A_349 = arith.constant 96 : index
      %swap3A_350 = tpu.vector_load %arg16[%swap3A_349] {strides = array<i32>} : memref<128xf32, #tpu.memory_space<vmem>>, vector<16xf32>,
      %swap3A_351 = vector.shape_cast %swap3A_350 : vector<16xf32> to vector<16xf32>
      %swap3A_352 = vector.shape_cast %exp3A_348 : vector<16xf32> to vector<16xf32>
      tpu.vector_store %arg16[%swap3A_349], %swap3A_352 {strides = array<i32>} : memref<128xf32, #tpu.memory_space<vmem>>, vector<16xf32>,
      %get3A_353 = arith.constant 1 : i32
      %get3A_354 = arith.index_cast %get3A_353 : i32 to index
      %get3A_355 = arith.constant 96 : index
      %get3A_356 = tpu.vector_load %arg8[%get3A_354, %get3A_355] {strides = array<i32>} : memref<2x128xi32, #tpu.memory_space<vmem>>, vector<1x16xi32>,
      %get3A_357 = vector.shape_cast %get3A_356 : vector<1x16xi32> to vector<16xi32>
      %sub3A_358 = vector.broadcast %mul3A_0 : i32 to vector<16xi32>
      %sub3A_359 = arith.subi %get3A_357, %sub3A_358 : vector<16xi32>
      %add3A_360 = arith.constant 96 : i32
      %add3A_361 = arith.addi %mul3A_111, %add3A_360 : i32
      %add3A_362 = vector.broadcast %add3A_361 : i32 to vector<16xi32>
      %add3A_363 = arith.addi %add3A_362, %iota3A : vector<16xi32>
      %ge3A_364 = arith.constant 0 : i32
      %ge3A_365 = vector.broadcast %ge3A_364 : i32 to vector<16xi32>
      %ge3A_366 = arith.cmpi sge, %sub3A_359, %ge3A_365 : vector<16xi32>
      %lt3A_367 = arith.constant 50000 : i32
      %lt3A_368 = vector.broadcast %lt3A_367 : i32 to vector<16xi32>
      %lt3A_369 = arith.cmpi slt, %sub3A_359, %lt3A_368 : vector<16xi32>
      %and3A_370 = arith.andi %ge3A_366, %lt3A_369 : vector<16xi1>
      %lt3A_371 = arith.constant 1600000 : i32
      %lt3A_372 = vector.broadcast %lt3A_371 : i32 to vector<16xi32>
      %lt3A_373 = arith.cmpi slt, %add3A_363, %lt3A_372 : vector<16xi32>
      %and3A_374 = arith.andi %and3A_370, %lt3A_373 : vector<16xi1>
      %jit3A_375 = arith.constant 50000 : i32
      %broadcast_in_dim3A_376 = vector.broadcast %jit3A_375 : i32 to vector<16xi32>
      %select_n3A_377 = arith.select %and3A_374, %sub3A_359, %broadcast_in_dim3A_376 : vector<16xi1>, vector<16xi32>
      %swap3A_378 = arith.constant 96 : index
      %swap3A_379 = tpu.vector_load %arg10[%swap3A_378] {strides = array<i32>} : memref<128xi32, #tpu.memory_space<vmem>>, vector<16xi32>,
      %swap3A_380 = vector.shape_cast %swap3A_379 : vector<16xi32> to vector<16xi32>
      %swap3A_381 = vector.shape_cast %select_n3A_377 : vector<16xi32> to vector<16xi32>
      tpu.vector_store %arg10[%swap3A_378], %swap3A_381 {strides = array<i32>} : memref<128xi32, #tpu.memory_space<vmem>>, vector<16xi32>,
      %broadcast_in_dim3A_382 = arith.constant 0.000000e+00 : f32
      %broadcast_in_dim3A_383 = vector.broadcast %broadcast_in_dim3A_382 : f32 to vector<16xf32>
      %mul3A_384 = arith.constant 2.000000e-01 : f32
      %mul3A_385 = vector.broadcast %mul3A_384 : f32 to vector<16xf32>
      %mul3A_386 = arith.mulf %broadcast_in_dim3A_383, %mul3A_385 : vector<16xf32>
      %max3A_387 = arith.maximumf %broadcast_in_dim3A_383, %mul3A_386 : vector<16xf32>
      %exp3A_388 = math.exp %max3A_387 : vector<16xf32>
      %swap3A_389 = arith.constant 112 : index
      %swap3A_390 = tpu.vector_load %arg16[%swap3A_389] {strides = array<i32>} : memref<128xf32, #tpu.memory_space<vmem>>, vector<16xf32>,
      %swap3A_391 = vector.shape_cast %swap3A_390 : vector<16xf32> to vector<16xf32>
      %swap3A_392 = vector.shape_cast %exp3A_388 : vector<16xf32> to vector<16xf32>
      tpu.vector_store %arg16[%swap3A_389], %swap3A_392 {strides = array<i32>} : memref<128xf32, #tpu.memory_space<vmem>>, vector<16xf32>,
      %get3A_393 = arith.constant 1 : i32
      %get3A_394 = arith.index_cast %get3A_393 : i32 to index
      %get3A_395 = arith.constant 112 : index
      %get3A_396 = tpu.vector_load %arg8[%get3A_394, %get3A_395] {strides = array<i32>} : memref<2x128xi32, #tpu.memory_space<vmem>>, vector<1x16xi32>,
      %get3A_397 = vector.shape_cast %get3A_396 : vector<1x16xi32> to vector<16xi32>
      %sub3A_398 = vector.broadcast %mul3A_0 : i32 to vector<16xi32>
      %sub3A_399 = arith.subi %get3A_397, %sub3A_398 : vector<16xi32>
      %add3A_400 = arith.constant 112 : i32
      %add3A_401 = arith.addi %mul3A_111, %add3A_400 : i32
      %add3A_402 = vector.broadcast %add3A_401 : i32 to vector<16xi32>
      %add3A_403 = arith.addi %add3A_402, %iota3A : vector<16xi32>
      %ge3A_404 = arith.constant 0 : i32
      %ge3A_405 = vector.broadcast %ge3A_404 : i32 to vector<16xi32>
      %ge3A_406 = arith.cmpi sge, %sub3A_399, %ge3A_405 : vector<16xi32>
      %lt3A_407 = arith.constant 50000 : i32
      %lt3A_408 = vector.broadcast %lt3A_407 : i32 to vector<16xi32>
      %lt3A_409 = arith.cmpi slt, %sub3A_399, %lt3A_408 : vector<16xi32>
      %and3A_410 = arith.andi %ge3A_406, %lt3A_409 : vector<16xi1>
      %lt3A_411 = arith.constant 1600000 : i32
      %lt3A_412 = vector.broadcast %lt3A_411 : i32 to vector<16xi32>
      %lt3A_413 = arith.cmpi slt, %add3A_403, %lt3A_412 : vector<16xi32>
      %and3A_414 = arith.andi %and3A_410, %lt3A_413 : vector<16xi1>
      %jit3A_415 = arith.constant 50000 : i32
      %broadcast_in_dim3A_416 = vector.broadcast %jit3A_415 : i32 to vector<16xi32>
      %select_n3A_417 = arith.select %and3A_414, %sub3A_399, %broadcast_in_dim3A_416 : vector<16xi1>, vector<16xi32>
      %swap3A_418 = arith.constant 112 : index
      %swap3A_419 = tpu.vector_load %arg10[%swap3A_418] {strides = array<i32>} : memref<128xi32, #tpu.memory_space<vmem>>, vector<16xi32>,
      %swap3A_420 = vector.shape_cast %swap3A_419 : vector<16xi32> to vector<16xi32>
      %swap3A_421 = vector.shape_cast %select_n3A_417 : vector<16xi32> to vector<16xi32>
      tpu.vector_store %arg10[%swap3A_418], %swap3A_421 {strides = array<i32>} : memref<128xi32, #tpu.memory_space<vmem>>, vector<16xi32>,
      %mul3A_422 = arith.constant 2 : i32
      %mul3A_423 = arith.muli %scan3A_101, %mul3A_422 : i32
      %add3A_424 = arith.constant 1 : i32
      %add3A_425 = arith.addi %mul3A_423, %add3A_424 : i32
      %mul3A_426 = arith.constant 16 : i32
      %mul3A_427 = arith.muli %add3A_425, %mul3A_426 : i32
      %add3A_428 = arith.addi %mul3A_427, %arg1 : i32
      %mul3A_429 = arith.constant 128 : i32
      %mul3A_430 = arith.muli %add3A_428, %mul3A_429 : i32
      %broadcast_in_dim3A_431 = arith.constant 0.000000e+00 : f32
      %broadcast_in_dim3A_432 = vector.broadcast %broadcast_in_dim3A_431 : f32 to vector<16xf32>
      %mul3A_433 = arith.constant 2.000000e-01 : f32
      %mul3A_434 = vector.broadcast %mul3A_433 : f32 to vector<16xf32>
      %mul3A_435 = arith.mulf %broadcast_in_dim3A_432, %mul3A_434 : vector<16xf32>
      %max3A_436 = arith.maximumf %broadcast_in_dim3A_432, %mul3A_435 : vector<16xf32>
      %exp3A_437 = math.exp %max3A_436 : vector<16xf32>
      %swap3A_438 = arith.constant 0 : index
      %swap3A_439 = tpu.vector_load %arg17[%swap3A_438] {strides = array<i32>} : memref<128xf32, #tpu.memory_space<vmem>>, vector<16xf32>,
      %swap3A_440 = vector.shape_cast %swap3A_439 : vector<16xf32> to vector<16xf32>
      %swap3A_441 = vector.shape_cast %exp3A_437 : vector<16xf32> to vector<16xf32>
      tpu.vector_store %arg17[%swap3A_438], %swap3A_441 {strides = array<i32>} : memref<128xf32, #tpu.memory_space<vmem>>, vector<16xf32>,
      %get3A_442 = arith.constant 1 : i32
      %get3A_443 = arith.index_cast %get3A_442 : i32 to index
      %get3A_444 = arith.constant 0 : index
      %get3A_445 = tpu.vector_load %arg9[%get3A_443, %get3A_444] {strides = array<i32>} : memref<2x128xi32, #tpu.memory_space<vmem>>, vector<1x16xi32>,
      %get3A_446 = vector.shape_cast %get3A_445 : vector<1x16xi32> to vector<16xi32>
      %sub3A_447 = vector.broadcast %mul3A_0 : i32 to vector<16xi32>
      %sub3A_448 = arith.subi %get3A_446, %sub3A_447 : vector<16xi32>
      %add3A_449 = arith.constant 0 : i32
      %add3A_450 = arith.addi %mul3A_430, %add3A_449 : i32
      %add3A_451 = vector.broadcast %add3A_450 : i32 to vector<16xi32>
      %add3A_452 = arith.addi %add3A_451, %iota3A : vector<16xi32>
      %ge3A_453 = arith.constant 0 : i32
      %ge3A_454 = vector.broadcast %ge3A_453 : i32 to vector<16xi32>
      %ge3A_455 = arith.cmpi sge, %sub3A_448, %ge3A_454 : vector<16xi32>
      %lt3A_456 = arith.constant 50000 : i32
      %lt3A_457 = vector.broadcast %lt3A_456 : i32 to vector<16xi32>
      %lt3A_458 = arith.cmpi slt, %sub3A_448, %lt3A_457 : vector<16xi32>
      %and3A_459 = arith.andi %ge3A_455, %lt3A_458 : vector<16xi1>
      %lt3A_460 = arith.constant 1600000 : i32
      %lt3A_461 = vector.broadcast %lt3A_460 : i32 to vector<16xi32>
      %lt3A_462 = arith.cmpi slt, %add3A_452, %lt3A_461 : vector<16xi32>
      %and3A_463 = arith.andi %and3A_459, %lt3A_462 : vector<16xi1>
      %jit3A_464 = arith.constant 50000 : i32
      %broadcast_in_dim3A_465 = vector.broadcast %jit3A_464 : i32 to vector<16xi32>
      %select_n3A_466 = arith.select %and3A_463, %sub3A_448, %broadcast_in_dim3A_465 : vector<16xi1>, vector<16xi32>
      %swap3A_467 = arith.constant 0 : index
      %swap3A_468 = tpu.vector_load %arg11[%swap3A_467] {strides = array<i32>} : memref<128xi32, #tpu.memory_space<vmem>>, vector<16xi32>,
      %swap3A_469 = vector.shape_cast %swap3A_468 : vector<16xi32> to vector<16xi32>
      %swap3A_470 = vector.shape_cast %select_n3A_466 : vector<16xi32> to vector<16xi32>
      tpu.vector_store %arg11[%swap3A_467], %swap3A_470 {strides = array<i32>} : memref<128xi32, #tpu.memory_space<vmem>>, vector<16xi32>,
      %broadcast_in_dim3A_471 = arith.constant 0.000000e+00 : f32
      %broadcast_in_dim3A_472 = vector.broadcast %broadcast_in_dim3A_471 : f32 to vector<16xf32>
      %mul3A_473 = arith.constant 2.000000e-01 : f32
      %mul3A_474 = vector.broadcast %mul3A_473 : f32 to vector<16xf32>
      %mul3A_475 = arith.mulf %broadcast_in_dim3A_472, %mul3A_474 : vector<16xf32>
      %max3A_476 = arith.maximumf %broadcast_in_dim3A_472, %mul3A_475 : vector<16xf32>
      %exp3A_477 = math.exp %max3A_476 : vector<16xf32>
      %swap3A_478 = arith.constant 16 : index
      %swap3A_479 = tpu.vector_load %arg17[%swap3A_478] {strides = array<i32>} : memref<128xf32, #tpu.memory_space<vmem>>, vector<16xf32>,
      %swap3A_480 = vector.shape_cast %swap3A_479 : vector<16xf32> to vector<16xf32>
      %swap3A_481 = vector.shape_cast %exp3A_477 : vector<16xf32> to vector<16xf32>
      tpu.vector_store %arg17[%swap3A_478], %swap3A_481 {strides = array<i32>} : memref<128xf32, #tpu.memory_space<vmem>>, vector<16xf32>,
      %get3A_482 = arith.constant 1 : i32
      %get3A_483 = arith.index_cast %get3A_482 : i32 to index
      %get3A_484 = arith.constant 16 : index
      %get3A_485 = tpu.vector_load %arg9[%get3A_483, %get3A_484] {strides = array<i32>} : memref<2x128xi32, #tpu.memory_space<vmem>>, vector<1x16xi32>,
      %get3A_486 = vector.shape_cast %get3A_485 : vector<1x16xi32> to vector<16xi32>
      %sub3A_487 = vector.broadcast %mul3A_0 : i32 to vector<16xi32>
      %sub3A_488 = arith.subi %get3A_486, %sub3A_487 : vector<16xi32>
      %add3A_489 = arith.constant 16 : i32
      %add3A_490 = arith.addi %mul3A_430, %add3A_489 : i32
      %add3A_491 = vector.broadcast %add3A_490 : i32 to vector<16xi32>
      %add3A_492 = arith.addi %add3A_491, %iota3A : vector<16xi32>
      %ge3A_493 = arith.constant 0 : i32
      %ge3A_494 = vector.broadcast %ge3A_493 : i32 to vector<16xi32>
      %ge3A_495 = arith.cmpi sge, %sub3A_488, %ge3A_494 : vector<16xi32>
      %lt3A_496 = arith.constant 50000 : i32
      %lt3A_497 = vector.broadcast %lt3A_496 : i32 to vector<16xi32>
      %lt3A_498 = arith.cmpi slt, %sub3A_488, %lt3A_497 : vector<16xi32>
      %and3A_499 = arith.andi %ge3A_495, %lt3A_498 : vector<16xi1>
      %lt3A_500 = arith.constant 1600000 : i32
      %lt3A_501 = vector.broadcast %lt3A_500 : i32 to vector<16xi32>
      %lt3A_502 = arith.cmpi slt, %add3A_492, %lt3A_501 : vector<16xi32>
      %and3A_503 = arith.andi %and3A_499, %lt3A_502 : vector<16xi1>
      %jit3A_504 = arith.constant 50000 : i32
      %broadcast_in_dim3A_505 = vector.broadcast %jit3A_504 : i32 to vector<16xi32>
      %select_n3A_506 = arith.select %and3A_503, %sub3A_488, %broadcast_in_dim3A_505 : vector<16xi1>, vector<16xi32>
      %swap3A_507 = arith.constant 16 : index
      %swap3A_508 = tpu.vector_load %arg11[%swap3A_507] {strides = array<i32>} : memref<128xi32, #tpu.memory_space<vmem>>, vector<16xi32>,
      %swap3A_509 = vector.shape_cast %swap3A_508 : vector<16xi32> to vector<16xi32>
      %swap3A_510 = vector.shape_cast %select_n3A_506 : vector<16xi32> to vector<16xi32>
      tpu.vector_store %arg11[%swap3A_507], %swap3A_510 {strides = array<i32>} : memref<128xi32, #tpu.memory_space<vmem>>, vector<16xi32>,
      %broadcast_in_dim3A_511 = arith.constant 0.000000e+00 : f32
      %broadcast_in_dim3A_512 = vector.broadcast %broadcast_in_dim3A_511 : f32 to vector<16xf32>
      %mul3A_513 = arith.constant 2.000000e-01 : f32
      %mul3A_514 = vector.broadcast %mul3A_513 : f32 to vector<16xf32>
      %mul3A_515 = arith.mulf %broadcast_in_dim3A_512, %mul3A_514 : vector<16xf32>
      %max3A_516 = arith.maximumf %broadcast_in_dim3A_512, %mul3A_515 : vector<16xf32>
      %exp3A_517 = math.exp %max3A_516 : vector<16xf32>
      %swap3A_518 = arith.constant 32 : index
      %swap3A_519 = tpu.vector_load %arg17[%swap3A_518] {strides = array<i32>} : memref<128xf32, #tpu.memory_space<vmem>>, vector<16xf32>,
      %swap3A_520 = vector.shape_cast %swap3A_519 : vector<16xf32> to vector<16xf32>
      %swap3A_521 = vector.shape_cast %exp3A_517 : vector<16xf32> to vector<16xf32>
      tpu.vector_store %arg17[%swap3A_518], %swap3A_521 {strides = array<i32>} : memref<128xf32, #tpu.memory_space<vmem>>, vector<16xf32>,
      %get3A_522 = arith.constant 1 : i32
      %get3A_523 = arith.index_cast %get3A_522 : i32 to index
      %get3A_524 = arith.constant 32 : index
      %get3A_525 = tpu.vector_load %arg9[%get3A_523, %get3A_524] {strides = array<i32>} : memref<2x128xi32, #tpu.memory_space<vmem>>, vector<1x16xi32>,
      %get3A_526 = vector.shape_cast %get3A_525 : vector<1x16xi32> to vector<16xi32>
      %sub3A_527 = vector.broadcast %mul3A_0 : i32 to vector<16xi32>
      %sub3A_528 = arith.subi %get3A_526, %sub3A_527 : vector<16xi32>
      %add3A_529 = arith.constant 32 : i32
      %add3A_530 = arith.addi %mul3A_430, %add3A_529 : i32
      %add3A_531 = vector.broadcast %add3A_530 : i32 to vector<16xi32>
      %add3A_532 = arith.addi %add3A_531, %iota3A : vector<16xi32>
      %ge3A_533 = arith.constant 0 : i32
      %ge3A_534 = vector.broadcast %ge3A_533 : i32 to vector<16xi32>
      %ge3A_535 = arith.cmpi sge, %sub3A_528, %ge3A_534 : vector<16xi32>
      %lt3A_536 = arith.constant 50000 : i32
      %lt3A_537 = vector.broadcast %lt3A_536 : i32 to vector<16xi32>
      %lt3A_538 = arith.cmpi slt, %sub3A_528, %lt3A_537 : vector<16xi32>
      %and3A_539 = arith.andi %ge3A_535, %lt3A_538 : vector<16xi1>
      %lt3A_540 = arith.constant 1600000 : i32
      %lt3A_541 = vector.broadcast %lt3A_540 : i32 to vector<16xi32>
      %lt3A_542 = arith.cmpi slt, %add3A_532, %lt3A_541 : vector<16xi32>
      %and3A_543 = arith.andi %and3A_539, %lt3A_542 : vector<16xi1>
      %jit3A_544 = arith.constant 50000 : i32
      %broadcast_in_dim3A_545 = vector.broadcast %jit3A_544 : i32 to vector<16xi32>
      %select_n3A_546 = arith.select %and3A_543, %sub3A_528, %broadcast_in_dim3A_545 : vector<16xi1>, vector<16xi32>
      %swap3A_547 = arith.constant 32 : index
      %swap3A_548 = tpu.vector_load %arg11[%swap3A_547] {strides = array<i32>} : memref<128xi32, #tpu.memory_space<vmem>>, vector<16xi32>,
      %swap3A_549 = vector.shape_cast %swap3A_548 : vector<16xi32> to vector<16xi32>
      %swap3A_550 = vector.shape_cast %select_n3A_546 : vector<16xi32> to vector<16xi32>
      tpu.vector_store %arg11[%swap3A_547], %swap3A_550 {strides = array<i32>} : memref<128xi32, #tpu.memory_space<vmem>>, vector<16xi32>,
      %broadcast_in_dim3A_551 = arith.constant 0.000000e+00 : f32
      %broadcast_in_dim3A_552 = vector.broadcast %broadcast_in_dim3A_551 : f32 to vector<16xf32>
      %mul3A_553 = arith.constant 2.000000e-01 : f32
      %mul3A_554 = vector.broadcast %mul3A_553 : f32 to vector<16xf32>
      %mul3A_555 = arith.mulf %broadcast_in_dim3A_552, %mul3A_554 : vector<16xf32>
      %max3A_556 = arith.maximumf %broadcast_in_dim3A_552, %mul3A_555 : vector<16xf32>
      %exp3A_557 = math.exp %max3A_556 : vector<16xf32>
      %swap3A_558 = arith.constant 48 : index
      %swap3A_559 = tpu.vector_load %arg17[%swap3A_558] {strides = array<i32>} : memref<128xf32, #tpu.memory_space<vmem>>, vector<16xf32>,
      %swap3A_560 = vector.shape_cast %swap3A_559 : vector<16xf32> to vector<16xf32>
      %swap3A_561 = vector.shape_cast %exp3A_557 : vector<16xf32> to vector<16xf32>
      tpu.vector_store %arg17[%swap3A_558], %swap3A_561 {strides = array<i32>} : memref<128xf32, #tpu.memory_space<vmem>>, vector<16xf32>,
      %get3A_562 = arith.constant 1 : i32
      %get3A_563 = arith.index_cast %get3A_562 : i32 to index
      %get3A_564 = arith.constant 48 : index
      %get3A_565 = tpu.vector_load %arg9[%get3A_563, %get3A_564] {strides = array<i32>} : memref<2x128xi32, #tpu.memory_space<vmem>>, vector<1x16xi32>,
      %get3A_566 = vector.shape_cast %get3A_565 : vector<1x16xi32> to vector<16xi32>
      %sub3A_567 = vector.broadcast %mul3A_0 : i32 to vector<16xi32>
      %sub3A_568 = arith.subi %get3A_566, %sub3A_567 : vector<16xi32>
      %add3A_569 = arith.constant 48 : i32
      %add3A_570 = arith.addi %mul3A_430, %add3A_569 : i32
      %add3A_571 = vector.broadcast %add3A_570 : i32 to vector<16xi32>
      %add3A_572 = arith.addi %add3A_571, %iota3A : vector<16xi32>
      %ge3A_573 = arith.constant 0 : i32
      %ge3A_574 = vector.broadcast %ge3A_573 : i32 to vector<16xi32>
      %ge3A_575 = arith.cmpi sge, %sub3A_568, %ge3A_574 : vector<16xi32>
      %lt3A_576 = arith.constant 50000 : i32
      %lt3A_577 = vector.broadcast %lt3A_576 : i32 to vector<16xi32>
      %lt3A_578 = arith.cmpi slt, %sub3A_568, %lt3A_577 : vector<16xi32>
      %and3A_579 = arith.andi %ge3A_575, %lt3A_578 : vector<16xi1>
      %lt3A_580 = arith.constant 1600000 : i32
      %lt3A_581 = vector.broadcast %lt3A_580 : i32 to vector<16xi32>
      %lt3A_582 = arith.cmpi slt, %add3A_572, %lt3A_581 : vector<16xi32>
      %and3A_583 = arith.andi %and3A_579, %lt3A_582 : vector<16xi1>
      %jit3A_584 = arith.constant 50000 : i32
      %broadcast_in_dim3A_585 = vector.broadcast %jit3A_584 : i32 to vector<16xi32>
      %select_n3A_586 = arith.select %and3A_583, %sub3A_568, %broadcast_in_dim3A_585 : vector<16xi1>, vector<16xi32>
      %swap3A_587 = arith.constant 48 : index
      %swap3A_588 = tpu.vector_load %arg11[%swap3A_587] {strides = array<i32>} : memref<128xi32, #tpu.memory_space<vmem>>, vector<16xi32>,
      %swap3A_589 = vector.shape_cast %swap3A_588 : vector<16xi32> to vector<16xi32>
      %swap3A_590 = vector.shape_cast %select_n3A_586 : vector<16xi32> to vector<16xi32>
      tpu.vector_store %arg11[%swap3A_587], %swap3A_590 {strides = array<i32>} : memref<128xi32, #tpu.memory_space<vmem>>, vector<16xi32>,
      %broadcast_in_dim3A_591 = arith.constant 0.000000e+00 : f32
      %broadcast_in_dim3A_592 = vector.broadcast %broadcast_in_dim3A_591 : f32 to vector<16xf32>
      %mul3A_593 = arith.constant 2.000000e-01 : f32
      %mul3A_594 = vector.broadcast %mul3A_593 : f32 to vector<16xf32>
      %mul3A_595 = arith.mulf %broadcast_in_dim3A_592, %mul3A_594 : vector<16xf32>
      %max3A_596 = arith.maximumf %broadcast_in_dim3A_592, %mul3A_595 : vector<16xf32>
      %exp3A_597 = math.exp %max3A_596 : vector<16xf32>
      %swap3A_598 = arith.constant 64 : index
      %swap3A_599 = tpu.vector_load %arg17[%swap3A_598] {strides = array<i32>} : memref<128xf32, #tpu.memory_space<vmem>>, vector<16xf32>,
      %swap3A_600 = vector.shape_cast %swap3A_599 : vector<16xf32> to vector<16xf32>
      %swap3A_601 = vector.shape_cast %exp3A_597 : vector<16xf32> to vector<16xf32>
      tpu.vector_store %arg17[%swap3A_598], %swap3A_601 {strides = array<i32>} : memref<128xf32, #tpu.memory_space<vmem>>, vector<16xf32>,
      %get3A_602 = arith.constant 1 : i32
      %get3A_603 = arith.index_cast %get3A_602 : i32 to index
      %get3A_604 = arith.constant 64 : index
      %get3A_605 = tpu.vector_load %arg9[%get3A_603, %get3A_604] {strides = array<i32>} : memref<2x128xi32, #tpu.memory_space<vmem>>, vector<1x16xi32>,
      %get3A_606 = vector.shape_cast %get3A_605 : vector<1x16xi32> to vector<16xi32>
      %sub3A_607 = vector.broadcast %mul3A_0 : i32 to vector<16xi32>
      %sub3A_608 = arith.subi %get3A_606, %sub3A_607 : vector<16xi32>
      %add3A_609 = arith.constant 64 : i32
      %add3A_610 = arith.addi %mul3A_430, %add3A_609 : i32
      %add3A_611 = vector.broadcast %add3A_610 : i32 to vector<16xi32>
      %add3A_612 = arith.addi %add3A_611, %iota3A : vector<16xi32>
      %ge3A_613 = arith.constant 0 : i32
      %ge3A_614 = vector.broadcast %ge3A_613 : i32 to vector<16xi32>
      %ge3A_615 = arith.cmpi sge, %sub3A_608, %ge3A_614 : vector<16xi32>
      %lt3A_616 = arith.constant 50000 : i32
      %lt3A_617 = vector.broadcast %lt3A_616 : i32 to vector<16xi32>
      %lt3A_618 = arith.cmpi slt, %sub3A_608, %lt3A_617 : vector<16xi32>
      %and3A_619 = arith.andi %ge3A_615, %lt3A_618 : vector<16xi1>
      %lt3A_620 = arith.constant 1600000 : i32
      %lt3A_621 = vector.broadcast %lt3A_620 : i32 to vector<16xi32>
      %lt3A_622 = arith.cmpi slt, %add3A_612, %lt3A_621 : vector<16xi32>
      %and3A_623 = arith.andi %and3A_619, %lt3A_622 : vector<16xi1>
      %jit3A_624 = arith.constant 50000 : i32
      %broadcast_in_dim3A_625 = vector.broadcast %jit3A_624 : i32 to vector<16xi32>
      %select_n3A_626 = arith.select %and3A_623, %sub3A_608, %broadcast_in_dim3A_625 : vector<16xi1>, vector<16xi32>
      %swap3A_627 = arith.constant 64 : index
      %swap3A_628 = tpu.vector_load %arg11[%swap3A_627] {strides = array<i32>} : memref<128xi32, #tpu.memory_space<vmem>>, vector<16xi32>,
      %swap3A_629 = vector.shape_cast %swap3A_628 : vector<16xi32> to vector<16xi32>
      %swap3A_630 = vector.shape_cast %select_n3A_626 : vector<16xi32> to vector<16xi32>
      tpu.vector_store %arg11[%swap3A_627], %swap3A_630 {strides = array<i32>} : memref<128xi32, #tpu.memory_space<vmem>>, vector<16xi32>,
      %broadcast_in_dim3A_631 = arith.constant 0.000000e+00 : f32
      %broadcast_in_dim3A_632 = vector.broadcast %broadcast_in_dim3A_631 : f32 to vector<16xf32>
      %mul3A_633 = arith.constant 2.000000e-01 : f32
      %mul3A_634 = vector.broadcast %mul3A_633 : f32 to vector<16xf32>
      %mul3A_635 = arith.mulf %broadcast_in_dim3A_632, %mul3A_634 : vector<16xf32>
      %max3A_636 = arith.maximumf %broadcast_in_dim3A_632, %mul3A_635 : vector<16xf32>
      %exp3A_637 = math.exp %max3A_636 : vector<16xf32>
      %swap3A_638 = arith.constant 80 : index
      %swap3A_639 = tpu.vector_load %arg17[%swap3A_638] {strides = array<i32>} : memref<128xf32, #tpu.memory_space<vmem>>, vector<16xf32>,
      %swap3A_640 = vector.shape_cast %swap3A_639 : vector<16xf32> to vector<16xf32>
      %swap3A_641 = vector.shape_cast %exp3A_637 : vector<16xf32> to vector<16xf32>
      tpu.vector_store %arg17[%swap3A_638], %swap3A_641 {strides = array<i32>} : memref<128xf32, #tpu.memory_space<vmem>>, vector<16xf32>,
      %get3A_642 = arith.constant 1 : i32
      %get3A_643 = arith.index_cast %get3A_642 : i32 to index
      %get3A_644 = arith.constant 80 : index
      %get3A_645 = tpu.vector_load %arg9[%get3A_643, %get3A_644] {strides = array<i32>} : memref<2x128xi32, #tpu.memory_space<vmem>>, vector<1x16xi32>,
      %get3A_646 = vector.shape_cast %get3A_645 : vector<1x16xi32> to vector<16xi32>
      %sub3A_647 = vector.broadcast %mul3A_0 : i32 to vector<16xi32>
      %sub3A_648 = arith.subi %get3A_646, %sub3A_647 : vector<16xi32>
      %add3A_649 = arith.constant 80 : i32
      %add3A_650 = arith.addi %mul3A_430, %add3A_649 : i32
      %add3A_651 = vector.broadcast %add3A_650 : i32 to vector<16xi32>
      %add3A_652 = arith.addi %add3A_651, %iota3A : vector<16xi32>
      %ge3A_653 = arith.constant 0 : i32
      %ge3A_654 = vector.broadcast %ge3A_653 : i32 to vector<16xi32>
      %ge3A_655 = arith.cmpi sge, %sub3A_648, %ge3A_654 : vector<16xi32>
      %lt3A_656 = arith.constant 50000 : i32
      %lt3A_657 = vector.broadcast %lt3A_656 : i32 to vector<16xi32>
      %lt3A_658 = arith.cmpi slt, %sub3A_648, %lt3A_657 : vector<16xi32>
      %and3A_659 = arith.andi %ge3A_655, %lt3A_658 : vector<16xi1>
      %lt3A_660 = arith.constant 1600000 : i32
      %lt3A_661 = vector.broadcast %lt3A_660 : i32 to vector<16xi32>
      %lt3A_662 = arith.cmpi slt, %add3A_652, %lt3A_661 : vector<16xi32>
      %and3A_663 = arith.andi %and3A_659, %lt3A_662 : vector<16xi1>
      %jit3A_664 = arith.constant 50000 : i32
      %broadcast_in_dim3A_665 = vector.broadcast %jit3A_664 : i32 to vector<16xi32>
      %select_n3A_666 = arith.select %and3A_663, %sub3A_648, %broadcast_in_dim3A_665 : vector<16xi1>, vector<16xi32>
      %swap3A_667 = arith.constant 80 : index
      %swap3A_668 = tpu.vector_load %arg11[%swap3A_667] {strides = array<i32>} : memref<128xi32, #tpu.memory_space<vmem>>, vector<16xi32>,
      %swap3A_669 = vector.shape_cast %swap3A_668 : vector<16xi32> to vector<16xi32>
      %swap3A_670 = vector.shape_cast %select_n3A_666 : vector<16xi32> to vector<16xi32>
      tpu.vector_store %arg11[%swap3A_667], %swap3A_670 {strides = array<i32>} : memref<128xi32, #tpu.memory_space<vmem>>, vector<16xi32>,
      %broadcast_in_dim3A_671 = arith.constant 0.000000e+00 : f32
      %broadcast_in_dim3A_672 = vector.broadcast %broadcast_in_dim3A_671 : f32 to vector<16xf32>
      %mul3A_673 = arith.constant 2.000000e-01 : f32
      %mul3A_674 = vector.broadcast %mul3A_673 : f32 to vector<16xf32>
      %mul3A_675 = arith.mulf %broadcast_in_dim3A_672, %mul3A_674 : vector<16xf32>
      %max3A_676 = arith.maximumf %broadcast_in_dim3A_672, %mul3A_675 : vector<16xf32>
      %exp3A_677 = math.exp %max3A_676 : vector<16xf32>
      %swap3A_678 = arith.constant 96 : index
      %swap3A_679 = tpu.vector_load %arg17[%swap3A_678] {strides = array<i32>} : memref<128xf32, #tpu.memory_space<vmem>>, vector<16xf32>,
      %swap3A_680 = vector.shape_cast %swap3A_679 : vector<16xf32> to vector<16xf32>
      %swap3A_681 = vector.shape_cast %exp3A_677 : vector<16xf32> to vector<16xf32>
      tpu.vector_store %arg17[%swap3A_678], %swap3A_681 {strides = array<i32>} : memref<128xf32, #tpu.memory_space<vmem>>, vector<16xf32>,
      %get3A_682 = arith.constant 1 : i32
      %get3A_683 = arith.index_cast %get3A_682 : i32 to index
      %get3A_684 = arith.constant 96 : index
      %get3A_685 = tpu.vector_load %arg9[%get3A_683, %get3A_684] {strides = array<i32>} : memref<2x128xi32, #tpu.memory_space<vmem>>, vector<1x16xi32>,
      %get3A_686 = vector.shape_cast %get3A_685 : vector<1x16xi32> to vector<16xi32>
      %sub3A_687 = vector.broadcast %mul3A_0 : i32 to vector<16xi32>
      %sub3A_688 = arith.subi %get3A_686, %sub3A_687 : vector<16xi32>
      %add3A_689 = arith.constant 96 : i32
      %add3A_690 = arith.addi %mul3A_430, %add3A_689 : i32
      %add3A_691 = vector.broadcast %add3A_690 : i32 to vector<16xi32>
      %add3A_692 = arith.addi %add3A_691, %iota3A : vector<16xi32>
      %ge3A_693 = arith.constant 0 : i32
      %ge3A_694 = vector.broadcast %ge3A_693 : i32 to vector<16xi32>
      %ge3A_695 = arith.cmpi sge, %sub3A_688, %ge3A_694 : vector<16xi32>
      %lt3A_696 = arith.constant 50000 : i32
      %lt3A_697 = vector.broadcast %lt3A_696 : i32 to vector<16xi32>
      %lt3A_698 = arith.cmpi slt, %sub3A_688, %lt3A_697 : vector<16xi32>
      %and3A_699 = arith.andi %ge3A_695, %lt3A_698 : vector<16xi1>
      %lt3A_700 = arith.constant 1600000 : i32
      %lt3A_701 = vector.broadcast %lt3A_700 : i32 to vector<16xi32>
      %lt3A_702 = arith.cmpi slt, %add3A_692, %lt3A_701 : vector<16xi32>
      %and3A_703 = arith.andi %and3A_699, %lt3A_702 : vector<16xi1>
      %jit3A_704 = arith.constant 50000 : i32
      %broadcast_in_dim3A_705 = vector.broadcast %jit3A_704 : i32 to vector<16xi32>
      %select_n3A_706 = arith.select %and3A_703, %sub3A_688, %broadcast_in_dim3A_705 : vector<16xi1>, vector<16xi32>
      %swap3A_707 = arith.constant 96 : index
      %swap3A_708 = tpu.vector_load %arg11[%swap3A_707] {strides = array<i32>} : memref<128xi32, #tpu.memory_space<vmem>>, vector<16xi32>,
      %swap3A_709 = vector.shape_cast %swap3A_708 : vector<16xi32> to vector<16xi32>
      %swap3A_710 = vector.shape_cast %select_n3A_706 : vector<16xi32> to vector<16xi32>
      tpu.vector_store %arg11[%swap3A_707], %swap3A_710 {strides = array<i32>} : memref<128xi32, #tpu.memory_space<vmem>>, vector<16xi32>,
      %broadcast_in_dim3A_711 = arith.constant 0.000000e+00 : f32
      %broadcast_in_dim3A_712 = vector.broadcast %broadcast_in_dim3A_711 : f32 to vector<16xf32>
      %mul3A_713 = arith.constant 2.000000e-01 : f32
      %mul3A_714 = vector.broadcast %mul3A_713 : f32 to vector<16xf32>
      %mul3A_715 = arith.mulf %broadcast_in_dim3A_712, %mul3A_714 : vector<16xf32>
      %max3A_716 = arith.maximumf %broadcast_in_dim3A_712, %mul3A_715 : vector<16xf32>
      %exp3A_717 = math.exp %max3A_716 : vector<16xf32>
      %swap3A_718 = arith.constant 112 : index
      %swap3A_719 = tpu.vector_load %arg17[%swap3A_718] {strides = array<i32>} : memref<128xf32, #tpu.memory_space<vmem>>, vector<16xf32>,
      %swap3A_720 = vector.shape_cast %swap3A_719 : vector<16xf32> to vector<16xf32>
      %swap3A_721 = vector.shape_cast %exp3A_717 : vector<16xf32> to vector<16xf32>
      tpu.vector_store %arg17[%swap3A_718], %swap3A_721 {strides = array<i32>} : memref<128xf32, #tpu.memory_space<vmem>>, vector<16xf32>,
      %get3A_722 = arith.constant 1 : i32
      %get3A_723 = arith.index_cast %get3A_722 : i32 to index
      %get3A_724 = arith.constant 112 : index
      %get3A_725 = tpu.vector_load %arg9[%get3A_723, %get3A_724] {strides = array<i32>} : memref<2x128xi32, #tpu.memory_space<vmem>>, vector<1x16xi32>,
      %get3A_726 = vector.shape_cast %get3A_725 : vector<1x16xi32> to vector<16xi32>
      %sub3A_727 = vector.broadcast %mul3A_0 : i32 to vector<16xi32>
      %sub3A_728 = arith.subi %get3A_726, %sub3A_727 : vector<16xi32>
      %add3A_729 = arith.constant 112 : i32
      %add3A_730 = arith.addi %mul3A_430, %add3A_729 : i32
      %add3A_731 = vector.broadcast %add3A_730 : i32 to vector<16xi32>
      %add3A_732 = arith.addi %add3A_731, %iota3A : vector<16xi32>
      %ge3A_733 = arith.constant 0 : i32
      %ge3A_734 = vector.broadcast %ge3A_733 : i32 to vector<16xi32>
      %ge3A_735 = arith.cmpi sge, %sub3A_728, %ge3A_734 : vector<16xi32>
      %lt3A_736 = arith.constant 50000 : i32
      %lt3A_737 = vector.broadcast %lt3A_736 : i32 to vector<16xi32>
      %lt3A_738 = arith.cmpi slt, %sub3A_728, %lt3A_737 : vector<16xi32>
      %and3A_739 = arith.andi %ge3A_735, %lt3A_738 : vector<16xi1>
      %lt3A_740 = arith.constant 1600000 : i32
      %lt3A_741 = vector.broadcast %lt3A_740 : i32 to vector<16xi32>
      %lt3A_742 = arith.cmpi slt, %add3A_732, %lt3A_741 : vector<16xi32>
      %and3A_743 = arith.andi %and3A_739, %lt3A_742 : vector<16xi1>
      %jit3A_744 = arith.constant 50000 : i32
      %broadcast_in_dim3A_745 = vector.broadcast %jit3A_744 : i32 to vector<16xi32>
      %select_n3A_746 = arith.select %and3A_743, %sub3A_728, %broadcast_in_dim3A_745 : vector<16xi1>, vector<16xi32>
      %swap3A_747 = arith.constant 112 : index
      %swap3A_748 = tpu.vector_load %arg11[%swap3A_747] {strides = array<i32>} : memref<128xi32, #tpu.memory_space<vmem>>, vector<16xi32>,
      %swap3A_749 = vector.shape_cast %swap3A_748 : vector<16xi32> to vector<16xi32>
      %swap3A_750 = vector.shape_cast %select_n3A_746 : vector<16xi32> to vector<16xi32>
      tpu.vector_store %arg11[%swap3A_747], %swap3A_750 {strides = array<i32>} : memref<128xi32, #tpu.memory_space<vmem>>, vector<16xi32>,
      %scan3A_751 = arith.constant 0 : i32
      scf.yield %scan3A_751 : i32
    }
    %scan3A_58 = arith.constant 391 : i32
    %dma_wait3A_59 = arith.constant 0 : i32
    %dma_wait3A_60 = arith.constant 0 : i32
    %dma_wait3A_61 = tpu.memref_slice %arg5[%dma_wait3A_59, %dma_wait3A_60] : memref<2x1601536xi32, #tpu.memory_space<hbm>> -> memref<2x128xi32, #tpu.memory_space<hbm>>
    %dma_wait3A_62 = arith.constant 0 : i32
    %dma_wait3A_63 = arith.constant 0 : i32
    %dma_wait3A_64 = tpu.memref_slice %arg5[%dma_wait3A_62, %dma_wait3A_63] : memref<2x1601536xi32, #tpu.memory_space<hbm>> -> memref<2x128xi32, #tpu.memory_space<hbm>>
    tpu.wait_dma2 semaphore(%arg25 : memref<!tpu.dma_semaphore, #tpu.memory_space<semaphore_mem>>) src(%dma_wait3A_64 : memref<2x128xi32, #tpu.memory_space<hbm>>) dst(%arg9 : memref<2x128xi32, #tpu.memory_space<vmem>>)
    %barrier3A_65 = arith.constant 0 : index
    tpu.barrier barrier_id(%barrier3A_65)
    %mul3A_66 = arith.constant 50176 : i32
    %mul3A_67 = arith.muli %arg0, %mul3A_66 : i32
    %add3A_68 = arith.addi %mul3A_67, %mul3A_16 : i32
    %add3A_69 = arith.constant 0 : i32
    %add3A_70 = arith.addi %mul3A_16, %add3A_69 : i32
    "tpu.region"() ({
      %run_scoped3A = tpu.sem_alloc : memref<!tpu.dma_semaphore, #tpu.memory_space<semaphore_mem>>
      %dma_start3A_101 = arith.constant 0 : i32
      %dma_start3A_102 = tpu.memref_slice %arg22[%add3A_70, %dma_start3A_101] : memref<50176x32xf32, #tpu.memory_space<vmem_shared>> -> memref<392x32xf32, #tpu.memory_space<vmem_shared>>
      %dma_start3A_103 = arith.constant 0 : i32
      %dma_start3A_104 = tpu.memref_slice %arg22[%add3A_70, %dma_start3A_103] : memref<50176x32xf32, #tpu.memory_space<vmem_shared>> -> memref<392x32xf32, #tpu.memory_space<vmem_shared>>
      tpu.enqueue_dma source(%dma_start3A_104 : memref<392x32xf32, #tpu.memory_space<vmem_shared>>) target(%arg20 : memref<392x32xf32, #tpu.memory_space<vmem>>) target_semaphore(%run_scoped3A : memref<!tpu.dma_semaphore, #tpu.memory_space<semaphore_mem>>)
      %dma_wait3A_105 = arith.constant 0 : i32
      %dma_wait3A_106 = tpu.memref_slice %arg22[%add3A_70, %dma_wait3A_105] : memref<50176x32xf32, #tpu.memory_space<vmem_shared>> -> memref<392x32xf32, #tpu.memory_space<vmem_shared>>
      %dma_wait3A_107 = arith.constant 0 : i32
      %dma_wait3A_108 = tpu.memref_slice %arg22[%add3A_70, %dma_wait3A_107] : memref<50176x32xf32, #tpu.memory_space<vmem_shared>> -> memref<392x32xf32, #tpu.memory_space<vmem_shared>>
      tpu.wait_dma2 semaphore(%run_scoped3A : memref<!tpu.dma_semaphore, #tpu.memory_space<semaphore_mem>>) src(%dma_wait3A_108 : memref<392x32xf32, #tpu.memory_space<vmem_shared>>) dst(%arg20 : memref<392x32xf32, #tpu.memory_space<vmem>>)
      tpu.yield
    }) : () -> ()
    %add3A_71 = arith.constant 0 : i32
    %add3A_72 = arith.addi %add3A_68, %add3A_71 : i32
    "tpu.region"() ({
      %run_scoped3A = tpu.sem_alloc : memref<!tpu.dma_semaphore, #tpu.memory_space<semaphore_mem>>
      %dma_start3A_101 = arith.constant 0 : i32
      %dma_start3A_102 = tpu.memref_slice %arg6[%add3A_72, %dma_start3A_101] : memref<100352x32xf32, #tpu.memory_space<hbm>> -> memref<392x32xf32, #tpu.memory_space<hbm>>
      %dma_start3A_103 = arith.constant 0 : i32
      %dma_start3A_104 = tpu.memref_slice %arg6[%add3A_72, %dma_start3A_103] : memref<100352x32xf32, #tpu.memory_space<hbm>> -> memref<392x32xf32, #tpu.memory_space<hbm>>
      tpu.enqueue_dma source(%arg20 : memref<392x32xf32, #tpu.memory_space<vmem>>) target(%dma_start3A_104 : memref<392x32xf32, #tpu.memory_space<hbm>>) target_semaphore(%run_scoped3A : memref<!tpu.dma_semaphore, #tpu.memory_space<semaphore_mem>>)
      %dma_wait3A_105 = arith.constant 0 : i32
      %dma_wait3A_106 = tpu.memref_slice %arg6[%add3A_72, %dma_wait3A_105] : memref<100352x32xf32, #tpu.memory_space<hbm>> -> memref<392x32xf32, #tpu.memory_space<hbm>>
      %dma_wait3A_107 = arith.constant 0 : i32
      %dma_wait3A_108 = tpu.memref_slice %arg6[%add3A_72, %dma_wait3A_107] : memref<100352x32xf32, #tpu.memory_space<hbm>> -> memref<392x32xf32, #tpu.memory_space<hbm>>
      tpu.wait_dma2 semaphore(%run_scoped3A : memref<!tpu.dma_semaphore, #tpu.memory_space<semaphore_mem>>) src(%arg20 : memref<392x32xf32, #tpu.memory_space<vmem>>) dst(%dma_wait3A_108 : memref<392x32xf32, #tpu.memory_space<hbm>>)
      tpu.yield
    }) : () -> ()
    %add3A_73 = arith.constant 392 : i32
    %add3A_74 = arith.addi %mul3A_16, %add3A_73 : i32
    "tpu.region"() ({
      %run_scoped3A = tpu.sem_alloc : memref<!tpu.dma_semaphore, #tpu.memory_space<semaphore_mem>>
      %dma_start3A_101 = arith.constant 0 : i32
      %dma_start3A_102 = tpu.memref_slice %arg22[%add3A_74, %dma_start3A_101] : memref<50176x32xf32, #tpu.memory_space<vmem_shared>> -> memref<392x32xf32, #tpu.memory_space<vmem_shared>>
      %dma_start3A_103 = arith.constant 0 : i32
      %dma_start3A_104 = tpu.memref_slice %arg22[%add3A_74, %dma_start3A_103] : memref<50176x32xf32, #tpu.memory_space<vmem_shared>> -> memref<392x32xf32, #tpu.memory_space<vmem_shared>>
      tpu.enqueue_dma source(%dma_start3A_104 : memref<392x32xf32, #tpu.memory_space<vmem_shared>>) target(%arg20 : memref<392x32xf32, #tpu.memory_space<vmem>>) target_semaphore(%run_scoped3A : memref<!tpu.dma_semaphore, #tpu.memory_space<semaphore_mem>>)
      %dma_wait3A_105 = arith.constant 0 : i32
      %dma_wait3A_106 = tpu.memref_slice %arg22[%add3A_74, %dma_wait3A_105] : memref<50176x32xf32, #tpu.memory_space<vmem_shared>> -> memref<392x32xf32, #tpu.memory_space<vmem_shared>>
      %dma_wait3A_107 = arith.constant 0 : i32
      %dma_wait3A_108 = tpu.memref_slice %arg22[%add3A_74, %dma_wait3A_107] : memref<50176x32xf32, #tpu.memory_space<vmem_shared>> -> memref<392x32xf32, #tpu.memory_space<vmem_shared>>
      tpu.wait_dma2 semaphore(%run_scoped3A : memref<!tpu.dma_semaphore, #tpu.memory_space<semaphore_mem>>) src(%dma_wait3A_108 : memref<392x32xf32, #tpu.memory_space<vmem_shared>>) dst(%arg20 : memref<392x32xf32, #tpu.memory_space<vmem>>)
      tpu.yield
    }) : () -> ()
    %add3A_75 = arith.constant 392 : i32
    %add3A_76 = arith.addi %add3A_68, %add3A_75 : i32
    "tpu.region"() ({
      %run_scoped3A = tpu.sem_alloc : memref<!tpu.dma_semaphore, #tpu.memory_space<semaphore_mem>>
      %dma_start3A_101 = arith.constant 0 : i32
      %dma_start3A_102 = tpu.memref_slice %arg6[%add3A_76, %dma_start3A_101] : memref<100352x32xf32, #tpu.memory_space<hbm>> -> memref<392x32xf32, #tpu.memory_space<hbm>>
      %dma_start3A_103 = arith.constant 0 : i32
      %dma_start3A_104 = tpu.memref_slice %arg6[%add3A_76, %dma_start3A_103] : memref<100352x32xf32, #tpu.memory_space<hbm>> -> memref<392x32xf32, #tpu.memory_space<hbm>>
      tpu.enqueue_dma source(%arg20 : memref<392x32xf32, #tpu.memory_space<vmem>>) target(%dma_start3A_104 : memref<392x32xf32, #tpu.memory_space<hbm>>) target_semaphore(%run_scoped3A : memref<!tpu.dma_semaphore, #tpu.memory_space<semaphore_mem>>)
      %dma_wait3A_105 = arith.constant 0 : i32
      %dma_wait3A_106 = tpu.memref_slice %arg6[%add3A_76, %dma_wait3A_105] : memref<100352x32xf32, #tpu.memory_space<hbm>> -> memref<392x32xf32, #tpu.memory_space<hbm>>
      %dma_wait3A_107 = arith.constant 0 : i32
      %dma_wait3A_108 = tpu.memref_slice %arg6[%add3A_76, %dma_wait3A_107] : memref<100352x32xf32, #tpu.memory_space<hbm>> -> memref<392x32xf32, #tpu.memory_space<hbm>>
      tpu.wait_dma2 semaphore(%run_scoped3A : memref<!tpu.dma_semaphore, #tpu.memory_space<semaphore_mem>>) src(%arg20 : memref<392x32xf32, #tpu.memory_space<vmem>>) dst(%dma_wait3A_108 : memref<392x32xf32, #tpu.memory_space<hbm>>)
      tpu.yield
    }) : () -> ()
    %add3A_77 = arith.constant 784 : i32
    %add3A_78 = arith.addi %mul3A_16, %add3A_77 : i32
    "tpu.region"() ({
      %run_scoped3A = tpu.sem_alloc : memref<!tpu.dma_semaphore, #tpu.memory_space<semaphore_mem>>
      %dma_start3A_101 = arith.constant 0 : i32
      %dma_start3A_102 = tpu.memref_slice %arg22[%add3A_78, %dma_start3A_101] : memref<50176x32xf32, #tpu.memory_space<vmem_shared>> -> memref<392x32xf32, #tpu.memory_space<vmem_shared>>
      %dma_start3A_103 = arith.constant 0 : i32
      %dma_start3A_104 = tpu.memref_slice %arg22[%add3A_78, %dma_start3A_103] : memref<50176x32xf32, #tpu.memory_space<vmem_shared>> -> memref<392x32xf32, #tpu.memory_space<vmem_shared>>
      tpu.enqueue_dma source(%dma_start3A_104 : memref<392x32xf32, #tpu.memory_space<vmem_shared>>) target(%arg20 : memref<392x32xf32, #tpu.memory_space<vmem>>) target_semaphore(%run_scoped3A : memref<!tpu.dma_semaphore, #tpu.memory_space<semaphore_mem>>)
      %dma_wait3A_105 = arith.constant 0 : i32
      %dma_wait3A_106 = tpu.memref_slice %arg22[%add3A_78, %dma_wait3A_105] : memref<50176x32xf32, #tpu.memory_space<vmem_shared>> -> memref<392x32xf32, #tpu.memory_space<vmem_shared>>
      %dma_wait3A_107 = arith.constant 0 : i32
      %dma_wait3A_108 = tpu.memref_slice %arg22[%add3A_78, %dma_wait3A_107] : memref<50176x32xf32, #tpu.memory_space<vmem_shared>> -> memref<392x32xf32, #tpu.memory_space<vmem_shared>>
      tpu.wait_dma2 semaphore(%run_scoped3A : memref<!tpu.dma_semaphore, #tpu.memory_space<semaphore_mem>>) src(%dma_wait3A_108 : memref<392x32xf32, #tpu.memory_space<vmem_shared>>) dst(%arg20 : memref<392x32xf32, #tpu.memory_space<vmem>>)
      tpu.yield
    }) : () -> ()
    %add3A_79 = arith.constant 784 : i32
    %add3A_80 = arith.addi %add3A_68, %add3A_79 : i32
    "tpu.region"() ({
      %run_scoped3A = tpu.sem_alloc : memref<!tpu.dma_semaphore, #tpu.memory_space<semaphore_mem>>
      %dma_start3A_101 = arith.constant 0 : i32
      %dma_start3A_102 = tpu.memref_slice %arg6[%add3A_80, %dma_start3A_101] : memref<100352x32xf32, #tpu.memory_space<hbm>> -> memref<392x32xf32, #tpu.memory_space<hbm>>
      %dma_start3A_103 = arith.constant 0 : i32
      %dma_start3A_104 = tpu.memref_slice %arg6[%add3A_80, %dma_start3A_103] : memref<100352x32xf32, #tpu.memory_space<hbm>> -> memref<392x32xf32, #tpu.memory_space<hbm>>
      tpu.enqueue_dma source(%arg20 : memref<392x32xf32, #tpu.memory_space<vmem>>) target(%dma_start3A_104 : memref<392x32xf32, #tpu.memory_space<hbm>>) target_semaphore(%run_scoped3A : memref<!tpu.dma_semaphore, #tpu.memory_space<semaphore_mem>>)
      %dma_wait3A_105 = arith.constant 0 : i32
      %dma_wait3A_106 = tpu.memref_slice %arg6[%add3A_80, %dma_wait3A_105] : memref<100352x32xf32, #tpu.memory_space<hbm>> -> memref<392x32xf32, #tpu.memory_space<hbm>>
      %dma_wait3A_107 = arith.constant 0 : i32
      %dma_wait3A_108 = tpu.memref_slice %arg6[%add3A_80, %dma_wait3A_107] : memref<100352x32xf32, #tpu.memory_space<hbm>> -> memref<392x32xf32, #tpu.memory_space<hbm>>
      tpu.wait_dma2 semaphore(%run_scoped3A : memref<!tpu.dma_semaphore, #tpu.memory_space<semaphore_mem>>) src(%arg20 : memref<392x32xf32, #tpu.memory_space<vmem>>) dst(%dma_wait3A_108 : memref<392x32xf32, #tpu.memory_space<hbm>>)
      tpu.yield
    }) : () -> ()
    %add3A_81 = arith.constant 1176 : i32
    %add3A_82 = arith.addi %mul3A_16, %add3A_81 : i32
    "tpu.region"() ({
      %run_scoped3A = tpu.sem_alloc : memref<!tpu.dma_semaphore, #tpu.memory_space<semaphore_mem>>
      %dma_start3A_101 = arith.constant 0 : i32
      %dma_start3A_102 = tpu.memref_slice %arg22[%add3A_82, %dma_start3A_101] : memref<50176x32xf32, #tpu.memory_space<vmem_shared>> -> memref<392x32xf32, #tpu.memory_space<vmem_shared>>
      %dma_start3A_103 = arith.constant 0 : i32
      %dma_start3A_104 = tpu.memref_slice %arg22[%add3A_82, %dma_start3A_103] : memref<50176x32xf32, #tpu.memory_space<vmem_shared>> -> memref<392x32xf32, #tpu.memory_space<vmem_shared>>
      tpu.enqueue_dma source(%dma_start3A_104 : memref<392x32xf32, #tpu.memory_space<vmem_shared>>) target(%arg20 : memref<392x32xf32, #tpu.memory_space<vmem>>) target_semaphore(%run_scoped3A : memref<!tpu.dma_semaphore, #tpu.memory_space<semaphore_mem>>)
      %dma_wait3A_105 = arith.constant 0 : i32
      %dma_wait3A_106 = tpu.memref_slice %arg22[%add3A_82, %dma_wait3A_105] : memref<50176x32xf32, #tpu.memory_space<vmem_shared>> -> memref<392x32xf32, #tpu.memory_space<vmem_shared>>
      %dma_wait3A_107 = arith.constant 0 : i32
      %dma_wait3A_108 = tpu.memref_slice %arg22[%add3A_82, %dma_wait3A_107] : memref<50176x32xf32, #tpu.memory_space<vmem_shared>> -> memref<392x32xf32, #tpu.memory_space<vmem_shared>>
      tpu.wait_dma2 semaphore(%run_scoped3A : memref<!tpu.dma_semaphore, #tpu.memory_space<semaphore_mem>>) src(%dma_wait3A_108 : memref<392x32xf32, #tpu.memory_space<vmem_shared>>) dst(%arg20 : memref<392x32xf32, #tpu.memory_space<vmem>>)
      tpu.yield
    }) : () -> ()
    %add3A_83 = arith.constant 1176 : i32
    %add3A_84 = arith.addi %add3A_68, %add3A_83 : i32
    "tpu.region"() ({
      %run_scoped3A = tpu.sem_alloc : memref<!tpu.dma_semaphore, #tpu.memory_space<semaphore_mem>>
      %dma_start3A_101 = arith.constant 0 : i32
      %dma_start3A_102 = tpu.memref_slice %arg6[%add3A_84, %dma_start3A_101] : memref<100352x32xf32, #tpu.memory_space<hbm>> -> memref<392x32xf32, #tpu.memory_space<hbm>>
      %dma_start3A_103 = arith.constant 0 : i32
      %dma_start3A_104 = tpu.memref_slice %arg6[%add3A_84, %dma_start3A_103] : memref<100352x32xf32, #tpu.memory_space<hbm>> -> memref<392x32xf32, #tpu.memory_space<hbm>>
      tpu.enqueue_dma source(%arg20 : memref<392x32xf32, #tpu.memory_space<vmem>>) target(%dma_start3A_104 : memref<392x32xf32, #tpu.memory_space<hbm>>) target_semaphore(%run_scoped3A : memref<!tpu.dma_semaphore, #tpu.memory_space<semaphore_mem>>)
      %dma_wait3A_105 = arith.constant 0 : i32
      %dma_wait3A_106 = tpu.memref_slice %arg6[%add3A_84, %dma_wait3A_105] : memref<100352x32xf32, #tpu.memory_space<hbm>> -> memref<392x32xf32, #tpu.memory_space<hbm>>
      %dma_wait3A_107 = arith.constant 0 : i32
      %dma_wait3A_108 = tpu.memref_slice %arg6[%add3A_84, %dma_wait3A_107] : memref<100352x32xf32, #tpu.memory_space<hbm>> -> memref<392x32xf32, #tpu.memory_space<hbm>>
      tpu.wait_dma2 semaphore(%run_scoped3A : memref<!tpu.dma_semaphore, #tpu.memory_space<semaphore_mem>>) src(%arg20 : memref<392x32xf32, #tpu.memory_space<vmem>>) dst(%dma_wait3A_108 : memref<392x32xf32, #tpu.memory_space<hbm>>)
      tpu.yield
    }) : () -> ()
    %add3A_85 = arith.constant 1568 : i32
    %add3A_86 = arith.addi %mul3A_16, %add3A_85 : i32
    "tpu.region"() ({
      %run_scoped3A = tpu.sem_alloc : memref<!tpu.dma_semaphore, #tpu.memory_space<semaphore_mem>>
      %dma_start3A_101 = arith.constant 0 : i32
      %dma_start3A_102 = tpu.memref_slice %arg22[%add3A_86, %dma_start3A_101] : memref<50176x32xf32, #tpu.memory_space<vmem_shared>> -> memref<392x32xf32, #tpu.memory_space<vmem_shared>>
      %dma_start3A_103 = arith.constant 0 : i32
      %dma_start3A_104 = tpu.memref_slice %arg22[%add3A_86, %dma_start3A_103] : memref<50176x32xf32, #tpu.memory_space<vmem_shared>> -> memref<392x32xf32, #tpu.memory_space<vmem_shared>>
      tpu.enqueue_dma source(%dma_start3A_104 : memref<392x32xf32, #tpu.memory_space<vmem_shared>>) target(%arg20 : memref<392x32xf32, #tpu.memory_space<vmem>>) target_semaphore(%run_scoped3A : memref<!tpu.dma_semaphore, #tpu.memory_space<semaphore_mem>>)
      %dma_wait3A_105 = arith.constant 0 : i32
      %dma_wait3A_106 = tpu.memref_slice %arg22[%add3A_86, %dma_wait3A_105] : memref<50176x32xf32, #tpu.memory_space<vmem_shared>> -> memref<392x32xf32, #tpu.memory_space<vmem_shared>>
      %dma_wait3A_107 = arith.constant 0 : i32
      %dma_wait3A_108 = tpu.memref_slice %arg22[%add3A_86, %dma_wait3A_107] : memref<50176x32xf32, #tpu.memory_space<vmem_shared>> -> memref<392x32xf32, #tpu.memory_space<vmem_shared>>
      tpu.wait_dma2 semaphore(%run_scoped3A : memref<!tpu.dma_semaphore, #tpu.memory_space<semaphore_mem>>) src(%dma_wait3A_108 : memref<392x32xf32, #tpu.memory_space<vmem_shared>>) dst(%arg20 : memref<392x32xf32, #tpu.memory_space<vmem>>)
      tpu.yield
    }) : () -> ()
    %add3A_87 = arith.constant 1568 : i32
    %add3A_88 = arith.addi %add3A_68, %add3A_87 : i32
    "tpu.region"() ({
      %run_scoped3A = tpu.sem_alloc : memref<!tpu.dma_semaphore, #tpu.memory_space<semaphore_mem>>
      %dma_start3A_101 = arith.constant 0 : i32
      %dma_start3A_102 = tpu.memref_slice %arg6[%add3A_88, %dma_start3A_101] : memref<100352x32xf32, #tpu.memory_space<hbm>> -> memref<392x32xf32, #tpu.memory_space<hbm>>
      %dma_start3A_103 = arith.constant 0 : i32
      %dma_start3A_104 = tpu.memref_slice %arg6[%add3A_88, %dma_start3A_103] : memref<100352x32xf32, #tpu.memory_space<hbm>> -> memref<392x32xf32, #tpu.memory_space<hbm>>
      tpu.enqueue_dma source(%arg20 : memref<392x32xf32, #tpu.memory_space<vmem>>) target(%dma_start3A_104 : memref<392x32xf32, #tpu.memory_space<hbm>>) target_semaphore(%run_scoped3A : memref<!tpu.dma_semaphore, #tpu.memory_space<semaphore_mem>>)
      %dma_wait3A_105 = arith.constant 0 : i32
      %dma_wait3A_106 = tpu.memref_slice %arg6[%add3A_88, %dma_wait3A_105] : memref<100352x32xf32, #tpu.memory_space<hbm>> -> memref<392x32xf32, #tpu.memory_space<hbm>>
      %dma_wait3A_107 = arith.constant 0 : i32
      %dma_wait3A_108 = tpu.memref_slice %arg6[%add3A_88, %dma_wait3A_107] : memref<100352x32xf32, #tpu.memory_space<hbm>> -> memref<392x32xf32, #tpu.memory_space<hbm>>
      tpu.wait_dma2 semaphore(%run_scoped3A : memref<!tpu.dma_semaphore, #tpu.memory_space<semaphore_mem>>) src(%arg20 : memref<392x32xf32, #tpu.memory_space<vmem>>) dst(%dma_wait3A_108 : memref<392x32xf32, #tpu.memory_space<hbm>>)
      tpu.yield
    }) : () -> ()
    %add3A_89 = arith.constant 1960 : i32
    %add3A_90 = arith.addi %mul3A_16, %add3A_89 : i32
    "tpu.region"() ({
      %run_scoped3A = tpu.sem_alloc : memref<!tpu.dma_semaphore, #tpu.memory_space<semaphore_mem>>
      %dma_start3A_101 = arith.constant 0 : i32
      %dma_start3A_102 = tpu.memref_slice %arg22[%add3A_90, %dma_start3A_101] : memref<50176x32xf32, #tpu.memory_space<vmem_shared>> -> memref<392x32xf32, #tpu.memory_space<vmem_shared>>
      %dma_start3A_103 = arith.constant 0 : i32
      %dma_start3A_104 = tpu.memref_slice %arg22[%add3A_90, %dma_start3A_103] : memref<50176x32xf32, #tpu.memory_space<vmem_shared>> -> memref<392x32xf32, #tpu.memory_space<vmem_shared>>
      tpu.enqueue_dma source(%dma_start3A_104 : memref<392x32xf32, #tpu.memory_space<vmem_shared>>) target(%arg20 : memref<392x32xf32, #tpu.memory_space<vmem>>) target_semaphore(%run_scoped3A : memref<!tpu.dma_semaphore, #tpu.memory_space<semaphore_mem>>)
      %dma_wait3A_105 = arith.constant 0 : i32
      %dma_wait3A_106 = tpu.memref_slice %arg22[%add3A_90, %dma_wait3A_105] : memref<50176x32xf32, #tpu.memory_space<vmem_shared>> -> memref<392x32xf32, #tpu.memory_space<vmem_shared>>
      %dma_wait3A_107 = arith.constant 0 : i32
      %dma_wait3A_108 = tpu.memref_slice %arg22[%add3A_90, %dma_wait3A_107] : memref<50176x32xf32, #tpu.memory_space<vmem_shared>> -> memref<392x32xf32, #tpu.memory_space<vmem_shared>>
      tpu.wait_dma2 semaphore(%run_scoped3A : memref<!tpu.dma_semaphore, #tpu.memory_space<semaphore_mem>>) src(%dma_wait3A_108 : memref<392x32xf32, #tpu.memory_space<vmem_shared>>) dst(%arg20 : memref<392x32xf32, #tpu.memory_space<vmem>>)
      tpu.yield
    }) : () -> ()
    %add3A_91 = arith.constant 1960 : i32
    %add3A_92 = arith.addi %add3A_68, %add3A_91 : i32
    "tpu.region"() ({
      %run_scoped3A = tpu.sem_alloc : memref<!tpu.dma_semaphore, #tpu.memory_space<semaphore_mem>>
      %dma_start3A_101 = arith.constant 0 : i32
      %dma_start3A_102 = tpu.memref_slice %arg6[%add3A_92, %dma_start3A_101] : memref<100352x32xf32, #tpu.memory_space<hbm>> -> memref<392x32xf32, #tpu.memory_space<hbm>>
      %dma_start3A_103 = arith.constant 0 : i32
      %dma_start3A_104 = tpu.memref_slice %arg6[%add3A_92, %dma_start3A_103] : memref<100352x32xf32, #tpu.memory_space<hbm>> -> memref<392x32xf32, #tpu.memory_space<hbm>>
      tpu.enqueue_dma source(%arg20 : memref<392x32xf32, #tpu.memory_space<vmem>>) target(%dma_start3A_104 : memref<392x32xf32, #tpu.memory_space<hbm>>) target_semaphore(%run_scoped3A : memref<!tpu.dma_semaphore, #tpu.memory_space<semaphore_mem>>)
      %dma_wait3A_105 = arith.constant 0 : i32
      %dma_wait3A_106 = tpu.memref_slice %arg6[%add3A_92, %dma_wait3A_105] : memref<100352x32xf32, #tpu.memory_space<hbm>> -> memref<392x32xf32, #tpu.memory_space<hbm>>
      %dma_wait3A_107 = arith.constant 0 : i32
      %dma_wait3A_108 = tpu.memref_slice %arg6[%add3A_92, %dma_wait3A_107] : memref<100352x32xf32, #tpu.memory_space<hbm>> -> memref<392x32xf32, #tpu.memory_space<hbm>>
      tpu.wait_dma2 semaphore(%run_scoped3A : memref<!tpu.dma_semaphore, #tpu.memory_space<semaphore_mem>>) src(%arg20 : memref<392x32xf32, #tpu.memory_space<vmem>>) dst(%dma_wait3A_108 : memref<392x32xf32, #tpu.memory_space<hbm>>)
      tpu.yield
    }) : () -> ()
    %add3A_93 = arith.constant 2352 : i32
    %add3A_94 = arith.addi %mul3A_16, %add3A_93 : i32
    "tpu.region"() ({
      %run_scoped3A = tpu.sem_alloc : memref<!tpu.dma_semaphore, #tpu.memory_space<semaphore_mem>>
      %dma_start3A_101 = arith.constant 0 : i32
      %dma_start3A_102 = tpu.memref_slice %arg22[%add3A_94, %dma_start3A_101] : memref<50176x32xf32, #tpu.memory_space<vmem_shared>> -> memref<392x32xf32, #tpu.memory_space<vmem_shared>>
      %dma_start3A_103 = arith.constant 0 : i32
      %dma_start3A_104 = tpu.memref_slice %arg22[%add3A_94, %dma_start3A_103] : memref<50176x32xf32, #tpu.memory_space<vmem_shared>> -> memref<392x32xf32, #tpu.memory_space<vmem_shared>>
      tpu.enqueue_dma source(%dma_start3A_104 : memref<392x32xf32, #tpu.memory_space<vmem_shared>>) target(%arg20 : memref<392x32xf32, #tpu.memory_space<vmem>>) target_semaphore(%run_scoped3A : memref<!tpu.dma_semaphore, #tpu.memory_space<semaphore_mem>>)
      %dma_wait3A_105 = arith.constant 0 : i32
      %dma_wait3A_106 = tpu.memref_slice %arg22[%add3A_94, %dma_wait3A_105] : memref<50176x32xf32, #tpu.memory_space<vmem_shared>> -> memref<392x32xf32, #tpu.memory_space<vmem_shared>>
      %dma_wait3A_107 = arith.constant 0 : i32
      %dma_wait3A_108 = tpu.memref_slice %arg22[%add3A_94, %dma_wait3A_107] : memref<50176x32xf32, #tpu.memory_space<vmem_shared>> -> memref<392x32xf32, #tpu.memory_space<vmem_shared>>
      tpu.wait_dma2 semaphore(%run_scoped3A : memref<!tpu.dma_semaphore, #tpu.memory_space<semaphore_mem>>) src(%dma_wait3A_108 : memref<392x32xf32, #tpu.memory_space<vmem_shared>>) dst(%arg20 : memref<392x32xf32, #tpu.memory_space<vmem>>)
      tpu.yield
    }) : () -> ()
    %add3A_95 = arith.constant 2352 : i32
    %add3A_96 = arith.addi %add3A_68, %add3A_95 : i32
    "tpu.region"() ({
      %run_scoped3A = tpu.sem_alloc : memref<!tpu.dma_semaphore, #tpu.memory_space<semaphore_mem>>
      %dma_start3A_101 = arith.constant 0 : i32
      %dma_start3A_102 = tpu.memref_slice %arg6[%add3A_96, %dma_start3A_101] : memref<100352x32xf32, #tpu.memory_space<hbm>> -> memref<392x32xf32, #tpu.memory_space<hbm>>
      %dma_start3A_103 = arith.constant 0 : i32
      %dma_start3A_104 = tpu.memref_slice %arg6[%add3A_96, %dma_start3A_103] : memref<100352x32xf32, #tpu.memory_space<hbm>> -> memref<392x32xf32, #tpu.memory_space<hbm>>
      tpu.enqueue_dma source(%arg20 : memref<392x32xf32, #tpu.memory_space<vmem>>) target(%dma_start3A_104 : memref<392x32xf32, #tpu.memory_space<hbm>>) target_semaphore(%run_scoped3A : memref<!tpu.dma_semaphore, #tpu.memory_space<semaphore_mem>>)
      %dma_wait3A_105 = arith.constant 0 : i32
      %dma_wait3A_106 = tpu.memref_slice %arg6[%add3A_96, %dma_wait3A_105] : memref<100352x32xf32, #tpu.memory_space<hbm>> -> memref<392x32xf32, #tpu.memory_space<hbm>>
      %dma_wait3A_107 = arith.constant 0 : i32
      %dma_wait3A_108 = tpu.memref_slice %arg6[%add3A_96, %dma_wait3A_107] : memref<100352x32xf32, #tpu.memory_space<hbm>> -> memref<392x32xf32, #tpu.memory_space<hbm>>
      tpu.wait_dma2 semaphore(%run_scoped3A : memref<!tpu.dma_semaphore, #tpu.memory_space<semaphore_mem>>) src(%arg20 : memref<392x32xf32, #tpu.memory_space<vmem>>) dst(%dma_wait3A_108 : memref<392x32xf32, #tpu.memory_space<hbm>>)
      tpu.yield
    }) : () -> ()
    %add3A_97 = arith.constant 2744 : i32
    %add3A_98 = arith.addi %mul3A_16, %add3A_97 : i32
    "tpu.region"() ({
      %run_scoped3A = tpu.sem_alloc : memref<!tpu.dma_semaphore, #tpu.memory_space<semaphore_mem>>
      %dma_start3A_101 = arith.constant 0 : i32
      %dma_start3A_102 = tpu.memref_slice %arg22[%add3A_98, %dma_start3A_101] : memref<50176x32xf32, #tpu.memory_space<vmem_shared>> -> memref<392x32xf32, #tpu.memory_space<vmem_shared>>
      %dma_start3A_103 = arith.constant 0 : i32
      %dma_start3A_104 = tpu.memref_slice %arg22[%add3A_98, %dma_start3A_103] : memref<50176x32xf32, #tpu.memory_space<vmem_shared>> -> memref<392x32xf32, #tpu.memory_space<vmem_shared>>
      tpu.enqueue_dma source(%dma_start3A_104 : memref<392x32xf32, #tpu.memory_space<vmem_shared>>) target(%arg20 : memref<392x32xf32, #tpu.memory_space<vmem>>) target_semaphore(%run_scoped3A : memref<!tpu.dma_semaphore, #tpu.memory_space<semaphore_mem>>)
      %dma_wait3A_105 = arith.constant 0 : i32
      %dma_wait3A_106 = tpu.memref_slice %arg22[%add3A_98, %dma_wait3A_105] : memref<50176x32xf32, #tpu.memory_space<vmem_shared>> -> memref<392x32xf32, #tpu.memory_space<vmem_shared>>
      %dma_wait3A_107 = arith.constant 0 : i32
      %dma_wait3A_108 = tpu.memref_slice %arg22[%add3A_98, %dma_wait3A_107] : memref<50176x32xf32, #tpu.memory_space<vmem_shared>> -> memref<392x32xf32, #tpu.memory_space<vmem_shared>>
      tpu.wait_dma2 semaphore(%run_scoped3A : memref<!tpu.dma_semaphore, #tpu.memory_space<semaphore_mem>>) src(%dma_wait3A_108 : memref<392x32xf32, #tpu.memory_space<vmem_shared>>) dst(%arg20 : memref<392x32xf32, #tpu.memory_space<vmem>>)
      tpu.yield
    }) : () -> ()
    %add3A_99 = arith.constant 2744 : i32
    %add3A_100 = arith.addi %add3A_68, %add3A_99 : i32
    "tpu.region"() ({
      %run_scoped3A = tpu.sem_alloc : memref<!tpu.dma_semaphore, #tpu.memory_space<semaphore_mem>>
      %dma_start3A_101 = arith.constant 0 : i32
      %dma_start3A_102 = tpu.memref_slice %arg6[%add3A_100, %dma_start3A_101] : memref<100352x32xf32, #tpu.memory_space<hbm>> -> memref<392x32xf32, #tpu.memory_space<hbm>>
      %dma_start3A_103 = arith.constant 0 : i32
      %dma_start3A_104 = tpu.memref_slice %arg6[%add3A_100, %dma_start3A_103] : memref<100352x32xf32, #tpu.memory_space<hbm>> -> memref<392x32xf32, #tpu.memory_space<hbm>>
      tpu.enqueue_dma source(%arg20 : memref<392x32xf32, #tpu.memory_space<vmem>>) target(%dma_start3A_104 : memref<392x32xf32, #tpu.memory_space<hbm>>) target_semaphore(%run_scoped3A : memref<!tpu.dma_semaphore, #tpu.memory_space<semaphore_mem>>)
      %dma_wait3A_105 = arith.constant 0 : i32
      %dma_wait3A_106 = tpu.memref_slice %arg6[%add3A_100, %dma_wait3A_105] : memref<100352x32xf32, #tpu.memory_space<hbm>> -> memref<392x32xf32, #tpu.memory_space<hbm>>
      %dma_wait3A_107 = arith.constant 0 : i32
      %dma_wait3A_108 = tpu.memref_slice %arg6[%add3A_100, %dma_wait3A_107] : memref<100352x32xf32, #tpu.memory_space<hbm>> -> memref<392x32xf32, #tpu.memory_space<hbm>>
      tpu.wait_dma2 semaphore(%run_scoped3A : memref<!tpu.dma_semaphore, #tpu.memory_space<semaphore_mem>>) src(%arg20 : memref<392x32xf32, #tpu.memory_space<vmem>>) dst(%dma_wait3A_108 : memref<392x32xf32, #tpu.memory_space<hbm>>)
      tpu.yield
    }) : () -> ()
    "tpu.region"() ({
      %run_scoped3A = tpu.sem_alloc : memref<!tpu.dma_semaphore, #tpu.memory_space<semaphore_mem>>
      %dma_start3A_101 = tpu.memref_slice %arg23[%mul3A_16] : memref<50176xf32, #tpu.memory_space<vmem_shared>> -> memref<3136xf32, #tpu.memory_space<vmem_shared>>
      %dma_start3A_102 = tpu.memref_slice %arg23[%mul3A_16] : memref<50176xf32, #tpu.memory_space<vmem_shared>> -> memref<3136xf32, #tpu.memory_space<vmem_shared>>
      tpu.enqueue_dma source(%dma_start3A_102 : memref<3136xf32, #tpu.memory_space<vmem_shared>>) target(%arg21 : memref<3136xf32, #tpu.memory_space<vmem>>) target_semaphore(%run_scoped3A : memref<!tpu.dma_semaphore, #tpu.memory_space<semaphore_mem>>)
      %dma_wait3A_103 = tpu.memref_slice %arg23[%mul3A_16] : memref<50176xf32, #tpu.memory_space<vmem_shared>> -> memref<3136xf32, #tpu.memory_space<vmem_shared>>
      %dma_wait3A_104 = tpu.memref_slice %arg23[%mul3A_16] : memref<50176xf32, #tpu.memory_space<vmem_shared>> -> memref<3136xf32, #tpu.memory_space<vmem_shared>>
      tpu.wait_dma2 semaphore(%run_scoped3A : memref<!tpu.dma_semaphore, #tpu.memory_space<semaphore_mem>>) src(%dma_wait3A_104 : memref<3136xf32, #tpu.memory_space<vmem_shared>>) dst(%arg21 : memref<3136xf32, #tpu.memory_space<vmem>>)
      tpu.yield
    }) : () -> ()
    "tpu.region"() ({
      %run_scoped3A = tpu.sem_alloc : memref<!tpu.dma_semaphore, #tpu.memory_space<semaphore_mem>>
      %dma_start3A_101 = tpu.memref_slice %arg7[%add3A_68] : memref<100352xf32, #tpu.memory_space<hbm>> -> memref<3136xf32, #tpu.memory_space<hbm>>
      %dma_start3A_102 = tpu.memref_slice %arg7[%add3A_68] : memref<100352xf32, #tpu.memory_space<hbm>> -> memref<3136xf32, #tpu.memory_space<hbm>>
      tpu.enqueue_dma source(%arg21 : memref<3136xf32, #tpu.memory_space<vmem>>) target(%dma_start3A_102 : memref<3136xf32, #tpu.memory_space<hbm>>) target_semaphore(%run_scoped3A : memref<!tpu.dma_semaphore, #tpu.memory_space<semaphore_mem>>)
      %dma_wait3A_103 = tpu.memref_slice %arg7[%add3A_68] : memref<100352xf32, #tpu.memory_space<hbm>> -> memref<3136xf32, #tpu.memory_space<hbm>>
      %dma_wait3A_104 = tpu.memref_slice %arg7[%add3A_68] : memref<100352xf32, #tpu.memory_space<hbm>> -> memref<3136xf32, #tpu.memory_space<hbm>>
      tpu.wait_dma2 semaphore(%run_scoped3A : memref<!tpu.dma_semaphore, #tpu.memory_space<semaphore_mem>>) src(%arg21 : memref<3136xf32, #tpu.memory_space<vmem>>) dst(%dma_wait3A_104 : memref<3136xf32, #tpu.memory_space<hbm>>)
      tpu.yield
    }) : () -> ()
    return
  }
}

module attributes {stable_mosaic.version = 14 : i64} {
  func.func @_pre1_body(%arg0: i32, %arg1: memref<2000x10xf32, #tpu.memory_space<vmem>>, %arg2: memref<10x32xf32, #tpu.memory_space<vmem>>, %arg3: memref<1x32xf32, #tpu.memory_space<vmem>>, %arg4: memref<1x32xf32, #tpu.memory_space<vmem>>, %arg5: memref<2000x32xf32, #tpu.memory_space<vmem>>, %arg6: memref<2000x1xf32, #tpu.memory_space<vmem>>, %arg7: memref<2000x1xf32, #tpu.memory_space<vmem>>) attributes {dimension_semantics = [#tpu.dimension_semantics<arbitrary>], iteration_bounds = array<i64: 50>, scalar_prefetch = 0 : i64, scratch_operands = 0 : i64, tpu.core_type = #tpu.core_type<tc>, window_params = [{transform_indices = @transform_0, window_bounds = array<i64: 2000, 10>}, {pipeline_mode = #tpu.pipeline_mode<synchronous>, transform_indices = @transform_1, window_bounds = array<i64: 10, 32>}, {pipeline_mode = #tpu.pipeline_mode<synchronous>, transform_indices = @transform_2, window_bounds = array<i64: 1, 32>}, {pipeline_mode = #tpu.pipeline_mode<synchronous>, transform_indices = @transform_3, window_bounds = array<i64: 1, 32>}, {transform_indices = @transform_4, window_bounds = array<i64: 2000, 32>}, {transform_indices = @transform_5, window_bounds = array<i64: 2000, 1>}, {transform_indices = @transform_6, window_bounds = array<i64: 2000, 1>}]} {
    %get3A = arith.constant 0 : index
    %get3A_0 = arith.constant 0 : index
    %get3A_1 = vector.load %arg1[%get3A, %get3A_0] : memref<2000x10xf32, #tpu.memory_space<vmem>>, vector<2000x10xf32>
    %get3A_2 = arith.constant 0 : index
    %get3A_3 = arith.constant 0 : index
    %get3A_4 = vector.load %arg2[%get3A_2, %get3A_3] : memref<10x32xf32, #tpu.memory_space<vmem>>, vector<10x32xf32>
    %dot_general3A = arith.constant dense<0.000000e+00> : vector<2000x32xf32>
    %dot_general3A_5 = tpu.matmul %get3A_1, %get3A_4, %dot_general3A {dimension_numbers = #tpu.dot_dimension_numbers<[1], [0], [0], [1], [0, 0, 1, 1], [], []>, transpose_lhs_hint = false} : vector<2000x10xf32>, vector<10x32xf32>, vector<2000x32xf32> -> vector<2000x32xf32>
    %swap3A = arith.constant 0 : index
    %swap3A_6 = arith.constant 0 : index
    %swap3A_7 = vector.load %arg5[%swap3A, %swap3A_6] : memref<2000x32xf32, #tpu.memory_space<vmem>>, vector<2000x32xf32>
    tpu.vector_store %arg5[%swap3A, %swap3A_6], %dot_general3A_5 {strides = array<i32>} : memref<2000x32xf32, #tpu.memory_space<vmem>>, vector<2000x32xf32>,
    %get3A_8 = arith.constant 0 : index
    %get3A_9 = arith.constant 0 : index
    %get3A_10 = vector.load %arg3[%get3A_8, %get3A_9] : memref<1x32xf32, #tpu.memory_space<vmem>>, vector<1x32xf32>
    %mul3A = vector.broadcast %get3A_10 : vector<1x32xf32> to vector<2000x32xf32>
    %mul3A_11 = arith.mulf %dot_general3A_5, %mul3A : vector<2000x32xf32>
    %reduce_sum3A = arith.constant dense<0.000000e+00> : vector<2000xf32>
    %reduce_sum3A_12 = vector.multi_reduction <add>, %mul3A_11, %reduce_sum3A [1] : vector<2000x32xf32> to vector<2000xf32>
    %broadcast_in_dim3A = vector.shape_cast %reduce_sum3A_12 : vector<2000xf32> to vector<2000x1xf32>
    %swap3A_13 = arith.constant 0 : index
    %swap3A_14 = arith.constant 0 : index
    %swap3A_15 = vector.load %arg6[%swap3A_13, %swap3A_14] : memref<2000x1xf32, #tpu.memory_space<vmem>>, vector<2000x1xf32>
    tpu.vector_store %arg6[%swap3A_13, %swap3A_14], %broadcast_in_dim3A {strides = array<i32>} : memref<2000x1xf32, #tpu.memory_space<vmem>>, vector<2000x1xf32>,
    %get3A_16 = arith.constant 0 : index
    %get3A_17 = arith.constant 0 : index
    %get3A_18 = vector.load %arg4[%get3A_16, %get3A_17] : memref<1x32xf32, #tpu.memory_space<vmem>>, vector<1x32xf32>
    %mul3A_19 = vector.broadcast %get3A_18 : vector<1x32xf32> to vector<2000x32xf32>
    %mul3A_20 = arith.mulf %dot_general3A_5, %mul3A_19 : vector<2000x32xf32>
    %reduce_sum3A_21 = arith.constant dense<0.000000e+00> : vector<2000xf32>
    %reduce_sum3A_22 = vector.multi_reduction <add>, %mul3A_20, %reduce_sum3A_21 [1] : vector<2000x32xf32> to vector<2000xf32>
    %broadcast_in_dim3A_23 = vector.shape_cast %reduce_sum3A_22 : vector<2000xf32> to vector<2000x1xf32>
    %swap3A_24 = arith.constant 0 : index
    %swap3A_25 = arith.constant 0 : index
    %swap3A_26 = vector.load %arg7[%swap3A_24, %swap3A_25] : memref<2000x1xf32, #tpu.memory_space<vmem>>, vector<2000x1xf32>
    tpu.vector_store %arg7[%swap3A_24, %swap3A_25], %broadcast_in_dim3A_23 {strides = array<i32>} : memref<2000x1xf32, #tpu.memory_space<vmem>>, vector<2000x1xf32>,
    return
  }
  func.func @transform_0(%arg0: i32) -> (i32, i32) {
    %c0_i32 = arith.constant 0 : i32
    %c0_i32_0 = arith.constant 0 : i32
    return %arg0, %c0_i32 : i32, i32
  }
  func.func @transform_1(%arg0: i32) -> (i32, i32) {
    %c0_i32 = arith.constant 0 : i32
    %c0_i32_0 = arith.constant 0 : i32
    %c0_i32_1 = arith.constant 0 : i32
    return %c0_i32, %c0_i32_0 : i32, i32
  }
  func.func @transform_2(%arg0: i32) -> (i32, i32) {
    %c0_i32 = arith.constant 0 : i32
    %c0_i32_0 = arith.constant 0 : i32
    %c0_i32_1 = arith.constant 0 : i32
    return %c0_i32, %c0_i32_0 : i32, i32
  }
  func.func @transform_3(%arg0: i32) -> (i32, i32) {
    %c0_i32 = arith.constant 0 : i32
    %c0_i32_0 = arith.constant 0 : i32
    %c0_i32_1 = arith.constant 0 : i32
    return %c0_i32, %c0_i32_0 : i32, i32
  }
  func.func @transform_4(%arg0: i32) -> (i32, i32) {
    %c0_i32 = arith.constant 0 : i32
    %c0_i32_0 = arith.constant 0 : i32
    return %arg0, %c0_i32 : i32, i32
  }
  func.func @transform_5(%arg0: i32) -> (i32, i32) {
    %c0_i32 = arith.constant 0 : i32
    %c0_i32_0 = arith.constant 0 : i32
    return %arg0, %c0_i32 : i32, i32
  }
  func.func @transform_6(%arg0: i32) -> (i32, i32) {
    %c0_i32 = arith.constant 0 : i32
    %c0_i32_0 = arith.constant 0 : i32
    return %arg0, %c0_i32 : i32, i32
  }
}

module attributes {stable_mosaic.version = 14 : i64} {
  func.func @_post_body(%arg0: i32, %arg1: memref<2000x32xf32, #tpu.memory_space<vmem>>, %arg2: memref<2000x1xf32, #tpu.memory_space<vmem>>, %arg3: memref<2000x32xf32, #tpu.memory_space<vmem>>, %arg4: memref<2000x1xf32, #tpu.memory_space<vmem>>, %arg5: memref<2000x1xf32, #tpu.memory_space<vmem>>, %arg6: memref<1x32xf32, #tpu.memory_space<vmem>>, %arg7: memref<2000x32xf32, #tpu.memory_space<vmem>>, %arg8: memref<1x32xf32, #tpu.memory_space<vmem>>, %arg9: memref<1x32xf32, #tpu.memory_space<vmem>>) attributes {dimension_semantics = [#tpu.dimension_semantics<arbitrary>], iteration_bounds = array<i64: 50>, scalar_prefetch = 0 : i64, scratch_operands = 0 : i64, tpu.core_type = #tpu.core_type<tc>, window_params = [{transform_indices = @transform_0, window_bounds = array<i64: 2000, 32>}, {transform_indices = @transform_1, window_bounds = array<i64: 2000, 1>}, {transform_indices = @transform_2, window_bounds = array<i64: 2000, 32>}, {transform_indices = @transform_3, window_bounds = array<i64: 2000, 1>}, {transform_indices = @transform_4, window_bounds = array<i64: 2000, 1>}, {pipeline_mode = #tpu.pipeline_mode<synchronous>, transform_indices = @transform_5, window_bounds = array<i64: 1, 32>}, {transform_indices = @transform_6, window_bounds = array<i64: 2000, 32>}, {pipeline_mode = #tpu.pipeline_mode<synchronous>, transform_indices = @transform_7, window_bounds = array<i64: 1, 32>}, {pipeline_mode = #tpu.pipeline_mode<synchronous>, transform_indices = @transform_8, window_bounds = array<i64: 1, 32>}]} {
    %get3A = arith.constant 0 : index
    %get3A_0 = arith.constant 0 : index
    %get3A_1 = vector.load %arg4[%get3A, %get3A_0] : memref<2000x1xf32, #tpu.memory_space<vmem>>, vector<2000x1xf32>
    %get3A_2 = arith.constant 0 : index
    %get3A_3 = arith.constant 0 : index
    %get3A_4 = vector.load %arg5[%get3A_2, %get3A_3] : memref<2000x1xf32, #tpu.memory_space<vmem>>, vector<2000x1xf32>
    %add3A = arith.addf %get3A_1, %get3A_4 : vector<2000x1xf32>
    %mul3A = arith.constant 2.000000e-01 : f32
    %mul3A_5 = vector.broadcast %mul3A : f32 to vector<2000x1xf32>
    %mul3A_6 = arith.mulf %add3A, %mul3A_5 : vector<2000x1xf32>
    %max3A = arith.maximumf %add3A, %mul3A_6 : vector<2000x1xf32>
    %exp3A = math.exp %max3A : vector<2000x1xf32>
    %get3A_7 = arith.constant 0 : index
    %get3A_8 = arith.constant 0 : index
    %get3A_9 = vector.load %arg1[%get3A_7, %get3A_8] : memref<2000x32xf32, #tpu.memory_space<vmem>>, vector<2000x32xf32>
    %get3A_10 = arith.constant 0 : index
    %get3A_11 = arith.constant 0 : index
    %get3A_12 = vector.load %arg3[%get3A_10, %get3A_11] : memref<2000x32xf32, #tpu.memory_space<vmem>>, vector<2000x32xf32>
    %mul3A_13 = vector.broadcast %exp3A : vector<2000x1xf32> to vector<2000x32xf32>
    %mul3A_14 = arith.mulf %mul3A_13, %get3A_12 : vector<2000x32xf32>
    %add3A_15 = arith.addf %get3A_9, %mul3A_14 : vector<2000x32xf32>
    %get3A_16 = arith.constant 0 : index
    %get3A_17 = arith.constant 0 : index
    %get3A_18 = vector.load %arg2[%get3A_16, %get3A_17] : memref<2000x1xf32, #tpu.memory_space<vmem>>, vector<2000x1xf32>
    %add3A_19 = arith.addf %get3A_18, %exp3A : vector<2000x1xf32>
    %add3A_20 = arith.constant 1.000000e-16 : f32
    %add3A_21 = vector.broadcast %add3A_20 : f32 to vector<2000x1xf32>
    %add3A_22 = arith.addf %add3A_19, %add3A_21 : vector<2000x1xf32>
    %div3A = vector.broadcast %add3A_22 : vector<2000x1xf32> to vector<2000x32xf32>
    %div3A_23 = arith.divf %add3A_15, %div3A : vector<2000x32xf32>
    %get3A_24 = arith.constant 0 : index
    %get3A_25 = arith.constant 0 : index
    %get3A_26 = vector.load %arg6[%get3A_24, %get3A_25] : memref<1x32xf32, #tpu.memory_space<vmem>>, vector<1x32xf32>
    %add3A_27 = vector.broadcast %get3A_26 : vector<1x32xf32> to vector<2000x32xf32>
    %add3A_28 = arith.addf %div3A_23, %add3A_27 : vector<2000x32xf32>
    %max3A_29 = arith.constant 0.000000e+00 : f32
    %max3A_30 = vector.broadcast %max3A_29 : f32 to vector<2000x32xf32>
    %max3A_31 = arith.maximumf %add3A_28, %max3A_30 : vector<2000x32xf32>
    %swap3A = arith.constant 0 : index
    %swap3A_32 = arith.constant 0 : index
    %swap3A_33 = vector.load %arg7[%swap3A, %swap3A_32] : memref<2000x32xf32, #tpu.memory_space<vmem>>, vector<2000x32xf32>
    tpu.vector_store %arg7[%swap3A, %swap3A_32], %max3A_31 {strides = array<i32>} : memref<2000x32xf32, #tpu.memory_space<vmem>>, vector<2000x32xf32>,
    %eq3A = arith.constant 0 : i32
    %eq3A_34 = arith.cmpi eq, %arg0, %eq3A : i32
    %convert_element_type3A = arith.extui %eq3A_34 : i1 to i32
    %cond3A = arith.constant 0 : i32
    %cond3A_35 = arith.cmpi ne, %convert_element_type3A, %cond3A : i32
    scf.if %cond3A_35 {
      %broadcast_in_dim3A_55 = arith.constant 0.000000e+00 : f32
      %broadcast_in_dim3A_56 = vector.broadcast %broadcast_in_dim3A_55 : f32 to vector<1x32xf32>
      %swap3A_57 = arith.constant 0 : index
      %swap3A_58 = arith.constant 0 : index
      %swap3A_59 = vector.load %arg8[%swap3A_57, %swap3A_58] : memref<1x32xf32, #tpu.memory_space<vmem>>, vector<1x32xf32>
      tpu.vector_store %arg8[%swap3A_57, %swap3A_58], %broadcast_in_dim3A_56 {strides = array<i32>} : memref<1x32xf32, #tpu.memory_space<vmem>>, vector<1x32xf32>,
      %broadcast_in_dim3A_60 = arith.constant 0.000000e+00 : f32
      %broadcast_in_dim3A_61 = vector.broadcast %broadcast_in_dim3A_60 : f32 to vector<1x32xf32>
      %swap3A_62 = arith.constant 0 : index
      %swap3A_63 = arith.constant 0 : index
      %swap3A_64 = vector.load %arg9[%swap3A_62, %swap3A_63] : memref<1x32xf32, #tpu.memory_space<vmem>>, vector<1x32xf32>
      tpu.vector_store %arg9[%swap3A_62, %swap3A_63], %broadcast_in_dim3A_61 {strides = array<i32>} : memref<1x32xf32, #tpu.memory_space<vmem>>, vector<1x32xf32>,
    } else {
    }
    %get3A_36 = arith.constant 0 : index
    %get3A_37 = arith.constant 0 : index
    %get3A_38 = vector.load %arg8[%get3A_36, %get3A_37] : memref<1x32xf32, #tpu.memory_space<vmem>>, vector<1x32xf32>
    %reduce_sum3A = arith.constant dense<0.000000e+00> : vector<32xf32>
    %reduce_sum3A_39 = vector.multi_reduction <add>, %max3A_31, %reduce_sum3A [0] : vector<2000x32xf32> to vector<32xf32>
    %broadcast_in_dim3A = vector.shape_cast %reduce_sum3A_39 : vector<32xf32> to vector<1x32xf32>
    %add3A_40 = arith.addf %get3A_38, %broadcast_in_dim3A : vector<1x32xf32>
    %swap3A_41 = arith.constant 0 : index
    %swap3A_42 = arith.constant 0 : index
    %swap3A_43 = vector.load %arg8[%swap3A_41, %swap3A_42] : memref<1x32xf32, #tpu.memory_space<vmem>>, vector<1x32xf32>
    tpu.vector_store %arg8[%swap3A_41, %swap3A_42], %add3A_40 {strides = array<i32>} : memref<1x32xf32, #tpu.memory_space<vmem>>, vector<1x32xf32>,
    %get3A_44 = arith.constant 0 : index
    %get3A_45 = arith.constant 0 : index
    %get3A_46 = vector.load %arg9[%get3A_44, %get3A_45] : memref<1x32xf32, #tpu.memory_space<vmem>>, vector<1x32xf32>
    %mul3A_47 = arith.mulf %max3A_31, %max3A_31 : vector<2000x32xf32>
    %reduce_sum3A_48 = arith.constant dense<0.000000e+00> : vector<32xf32>
    %reduce_sum3A_49 = vector.multi_reduction <add>, %mul3A_47, %reduce_sum3A_48 [0] : vector<2000x32xf32> to vector<32xf32>
    %broadcast_in_dim3A_50 = vector.shape_cast %reduce_sum3A_49 : vector<32xf32> to vector<1x32xf32>
    %add3A_51 = arith.addf %get3A_46, %broadcast_in_dim3A_50 : vector<1x32xf32>
    %swap3A_52 = arith.constant 0 : index
    %swap3A_53 = arith.constant 0 : index
    %swap3A_54 = vector.load %arg9[%swap3A_52, %swap3A_53] : memref<1x32xf32, #tpu.memory_space<vmem>>, vector<1x32xf32>
    tpu.vector_store %arg9[%swap3A_52, %swap3A_53], %add3A_51 {strides = array<i32>} : memref<1x32xf32, #tpu.memory_space<vmem>>, vector<1x32xf32>,
    return
  }
  func.func @transform_0(%arg0: i32) -> (i32, i32) {
    %c0_i32 = arith.constant 0 : i32
    %c0_i32_0 = arith.constant 0 : i32
    return %arg0, %c0_i32 : i32, i32
  }
  func.func @transform_1(%arg0: i32) -> (i32, i32) {
    %c0_i32 = arith.constant 0 : i32
    %c0_i32_0 = arith.constant 0 : i32
    return %arg0, %c0_i32 : i32, i32
  }
  func.func @transform_2(%arg0: i32) -> (i32, i32) {
    %c0_i32 = arith.constant 0 : i32
    %c0_i32_0 = arith.constant 0 : i32
    return %arg0, %c0_i32 : i32, i32
  }
  func.func @transform_3(%arg0: i32) -> (i32, i32) {
    %c0_i32 = arith.constant 0 : i32
    %c0_i32_0 = arith.constant 0 : i32
    return %arg0, %c0_i32 : i32, i32
  }
  func.func @transform_4(%arg0: i32) -> (i32, i32) {
    %c0_i32 = arith.constant 0 : i32
    %c0_i32_0 = arith.constant 0 : i32
    return %arg0, %c0_i32 : i32, i32
  }
  func.func @transform_5(%arg0: i32) -> (i32, i32) {
    %c0_i32 = arith.constant 0 : i32
    %c0_i32_0 = arith.constant 0 : i32
    %c0_i32_1 = arith.constant 0 : i32
    return %c0_i32, %c0_i32_0 : i32, i32
  }
  func.func @transform_6(%arg0: i32) -> (i32, i32) {
    %c0_i32 = arith.constant 0 : i32
    %c0_i32_0 = arith.constant 0 : i32
    return %arg0, %c0_i32 : i32, i32
  }
  func.func @transform_7(%arg0: i32) -> (i32, i32) {
    %c0_i32 = arith.constant 0 : i32
    %c0_i32_0 = arith.constant 0 : i32
    %c0_i32_1 = arith.constant 0 : i32
    return %c0_i32, %c0_i32_0 : i32, i32
  }
  func.func @transform_8(%arg0: i32) -> (i32, i32) {
    %c0_i32 = arith.constant 0 : i32
    %c0_i32_0 = arith.constant 0 : i32
    %c0_i32_1 = arith.constant 0 : i32
    return %c0_i32, %c0_i32_0 : i32, i32
  }
}

module attributes {stable_mosaic.version = 14 : i64} {
  func.func @_apply_body(%arg0: i32, %arg1: memref<2000x32xf32, #tpu.memory_space<vmem>>, %arg2: memref<1x32xf32, #tpu.memory_space<vmem>>, %arg3: memref<1x32xf32, #tpu.memory_space<vmem>>, %arg4: memref<2000x32xf32, #tpu.memory_space<vmem>>) attributes {dimension_semantics = [#tpu.dimension_semantics<arbitrary>], iteration_bounds = array<i64: 50>, scalar_prefetch = 0 : i64, scratch_operands = 0 : i64, tpu.core_type = #tpu.core_type<tc>, window_params = [{transform_indices = @transform_0, window_bounds = array<i64: 2000, 32>}, {pipeline_mode = #tpu.pipeline_mode<synchronous>, transform_indices = @transform_1, window_bounds = array<i64: 1, 32>}, {pipeline_mode = #tpu.pipeline_mode<synchronous>, transform_indices = @transform_2, window_bounds = array<i64: 1, 32>}, {transform_indices = @transform_3, window_bounds = array<i64: 2000, 32>}]} {
    %get3A = arith.constant 0 : index
    %get3A_0 = arith.constant 0 : index
    %get3A_1 = vector.load %arg1[%get3A, %get3A_0] : memref<2000x32xf32, #tpu.memory_space<vmem>>, vector<2000x32xf32>
    %get3A_2 = arith.constant 0 : index
    %get3A_3 = arith.constant 0 : index
    %get3A_4 = vector.load %arg2[%get3A_2, %get3A_3] : memref<1x32xf32, #tpu.memory_space<vmem>>, vector<1x32xf32>
    %mul3A = vector.broadcast %get3A_4 : vector<1x32xf32> to vector<2000x32xf32>
    %mul3A_5 = arith.mulf %get3A_1, %mul3A : vector<2000x32xf32>
    %get3A_6 = arith.constant 0 : index
    %get3A_7 = arith.constant 0 : index
    %get3A_8 = vector.load %arg3[%get3A_6, %get3A_7] : memref<1x32xf32, #tpu.memory_space<vmem>>, vector<1x32xf32>
    %add3A = vector.broadcast %get3A_8 : vector<1x32xf32> to vector<2000x32xf32>
    %add3A_9 = arith.addf %mul3A_5, %add3A : vector<2000x32xf32>
    %swap3A = arith.constant 0 : index
    %swap3A_10 = arith.constant 0 : index
    %swap3A_11 = vector.load %arg4[%swap3A, %swap3A_10] : memref<2000x32xf32, #tpu.memory_space<vmem>>, vector<2000x32xf32>
    tpu.vector_store %arg4[%swap3A, %swap3A_10], %add3A_9 {strides = array<i32>} : memref<2000x32xf32, #tpu.memory_space<vmem>>, vector<2000x32xf32>,
    return
  }
  func.func @transform_0(%arg0: i32) -> (i32, i32) {
    %c0_i32 = arith.constant 0 : i32
    %c0_i32_0 = arith.constant 0 : i32
    return %arg0, %c0_i32 : i32, i32
  }
  func.func @transform_1(%arg0: i32) -> (i32, i32) {
    %c0_i32 = arith.constant 0 : i32
    %c0_i32_0 = arith.constant 0 : i32
    %c0_i32_1 = arith.constant 0 : i32
    return %c0_i32, %c0_i32_0 : i32, i32
  }
  func.func @transform_2(%arg0: i32) -> (i32, i32) {
    %c0_i32 = arith.constant 0 : i32
    %c0_i32_0 = arith.constant 0 : i32
    %c0_i32_1 = arith.constant 0 : i32
    return %c0_i32, %c0_i32_0 : i32, i32
  }
  func.func @transform_3(%arg0: i32) -> (i32, i32) {
    %c0_i32 = arith.constant 0 : i32
    %c0_i32_0 = arith.constant 0 : i32
    return %arg0, %c0_i32 : i32, i32
  }
}

module attributes {stable_mosaic.version = 14 : i64} {
  func.func @_pre2_body(%arg0: i32, %arg1: memref<2000x32xf32, #tpu.memory_space<vmem>>, %arg2: memref<32x32xf32, #tpu.memory_space<vmem>>, %arg3: memref<1x32xf32, #tpu.memory_space<vmem>>, %arg4: memref<1x32xf32, #tpu.memory_space<vmem>>, %arg5: memref<1x32xf32, #tpu.memory_space<vmem>>, %arg6: memref<1x32xf32, #tpu.memory_space<vmem>>, %arg7: memref<2000x32xf32, #tpu.memory_space<vmem>>, %arg8: memref<2000x1xf32, #tpu.memory_space<vmem>>, %arg9: memref<2000x1xf32, #tpu.memory_space<vmem>>) attributes {dimension_semantics = [#tpu.dimension_semantics<arbitrary>], iteration_bounds = array<i64: 50>, scalar_prefetch = 0 : i64, scratch_operands = 0 : i64, tpu.core_type = #tpu.core_type<tc>, window_params = [{transform_indices = @transform_0, window_bounds = array<i64: 2000, 32>}, {pipeline_mode = #tpu.pipeline_mode<synchronous>, transform_indices = @transform_1, window_bounds = array<i64: 32, 32>}, {pipeline_mode = #tpu.pipeline_mode<synchronous>, transform_indices = @transform_2, window_bounds = array<i64: 1, 32>}, {pipeline_mode = #tpu.pipeline_mode<synchronous>, transform_indices = @transform_3, window_bounds = array<i64: 1, 32>}, {pipeline_mode = #tpu.pipeline_mode<synchronous>, transform_indices = @transform_4, window_bounds = array<i64: 1, 32>}, {pipeline_mode = #tpu.pipeline_mode<synchronous>, transform_indices = @transform_5, window_bounds = array<i64: 1, 32>}, {transform_indices = @transform_6, window_bounds = array<i64: 2000, 32>}, {transform_indices = @transform_7, window_bounds = array<i64: 2000, 1>}, {transform_indices = @transform_8, window_bounds = array<i64: 2000, 1>}]} {
    %get3A = arith.constant 0 : index
    %get3A_0 = arith.constant 0 : index
    %get3A_1 = vector.load %arg1[%get3A, %get3A_0] : memref<2000x32xf32, #tpu.memory_space<vmem>>, vector<2000x32xf32>
    %get3A_2 = arith.constant 0 : index
    %get3A_3 = arith.constant 0 : index
    %get3A_4 = vector.load %arg3[%get3A_2, %get3A_3] : memref<1x32xf32, #tpu.memory_space<vmem>>, vector<1x32xf32>
    %mul3A = vector.broadcast %get3A_4 : vector<1x32xf32> to vector<2000x32xf32>
    %mul3A_5 = arith.mulf %get3A_1, %mul3A : vector<2000x32xf32>
    %get3A_6 = arith.constant 0 : index
    %get3A_7 = arith.constant 0 : index
    %get3A_8 = vector.load %arg4[%get3A_6, %get3A_7] : memref<1x32xf32, #tpu.memory_space<vmem>>, vector<1x32xf32>
    %add3A = vector.broadcast %get3A_8 : vector<1x32xf32> to vector<2000x32xf32>
    %add3A_9 = arith.addf %mul3A_5, %add3A : vector<2000x32xf32>
    %get3A_10 = arith.constant 0 : index
    %get3A_11 = arith.constant 0 : index
    %get3A_12 = vector.load %arg2[%get3A_10, %get3A_11] : memref<32x32xf32, #tpu.memory_space<vmem>>, vector<32x32xf32>
    %dot_general3A = arith.constant dense<0.000000e+00> : vector<2000x32xf32>
    %dot_general3A_13 = tpu.matmul %add3A_9, %get3A_12, %dot_general3A {dimension_numbers = #tpu.dot_dimension_numbers<[1], [0], [0], [1], [0, 0, 1, 1], [], []>, transpose_lhs_hint = false} : vector<2000x32xf32>, vector<32x32xf32>, vector<2000x32xf32> -> vector<2000x32xf32>
    %swap3A = arith.constant 0 : index
    %swap3A_14 = arith.constant 0 : index
    %swap3A_15 = vector.load %arg7[%swap3A, %swap3A_14] : memref<2000x32xf32, #tpu.memory_space<vmem>>, vector<2000x32xf32>
    tpu.vector_store %arg7[%swap3A, %swap3A_14], %dot_general3A_13 {strides = array<i32>} : memref<2000x32xf32, #tpu.memory_space<vmem>>, vector<2000x32xf32>,
    %get3A_16 = arith.constant 0 : index
    %get3A_17 = arith.constant 0 : index
    %get3A_18 = vector.load %arg5[%get3A_16, %get3A_17] : memref<1x32xf32, #tpu.memory_space<vmem>>, vector<1x32xf32>
    %mul3A_19 = vector.broadcast %get3A_18 : vector<1x32xf32> to vector<2000x32xf32>
    %mul3A_20 = arith.mulf %dot_general3A_13, %mul3A_19 : vector<2000x32xf32>
    %reduce_sum3A = arith.constant dense<0.000000e+00> : vector<2000xf32>
    %reduce_sum3A_21 = vector.multi_reduction <add>, %mul3A_20, %reduce_sum3A [1] : vector<2000x32xf32> to vector<2000xf32>
    %broadcast_in_dim3A = vector.shape_cast %reduce_sum3A_21 : vector<2000xf32> to vector<2000x1xf32>
    %swap3A_22 = arith.constant 0 : index
    %swap3A_23 = arith.constant 0 : index
    %swap3A_24 = vector.load %arg8[%swap3A_22, %swap3A_23] : memref<2000x1xf32, #tpu.memory_space<vmem>>, vector<2000x1xf32>
    tpu.vector_store %arg8[%swap3A_22, %swap3A_23], %broadcast_in_dim3A {strides = array<i32>} : memref<2000x1xf32, #tpu.memory_space<vmem>>, vector<2000x1xf32>,
    %get3A_25 = arith.constant 0 : index
    %get3A_26 = arith.constant 0 : index
    %get3A_27 = vector.load %arg6[%get3A_25, %get3A_26] : memref<1x32xf32, #tpu.memory_space<vmem>>, vector<1x32xf32>
    %mul3A_28 = vector.broadcast %get3A_27 : vector<1x32xf32> to vector<2000x32xf32>
    %mul3A_29 = arith.mulf %dot_general3A_13, %mul3A_28 : vector<2000x32xf32>
    %reduce_sum3A_30 = arith.constant dense<0.000000e+00> : vector<2000xf32>
    %reduce_sum3A_31 = vector.multi_reduction <add>, %mul3A_29, %reduce_sum3A_30 [1] : vector<2000x32xf32> to vector<2000xf32>
    %broadcast_in_dim3A_32 = vector.shape_cast %reduce_sum3A_31 : vector<2000xf32> to vector<2000x1xf32>
    %swap3A_33 = arith.constant 0 : index
    %swap3A_34 = arith.constant 0 : index
    %swap3A_35 = vector.load %arg9[%swap3A_33, %swap3A_34] : memref<2000x1xf32, #tpu.memory_space<vmem>>, vector<2000x1xf32>
    tpu.vector_store %arg9[%swap3A_33, %swap3A_34], %broadcast_in_dim3A_32 {strides = array<i32>} : memref<2000x1xf32, #tpu.memory_space<vmem>>, vector<2000x1xf32>,
    return
  }
  func.func @transform_0(%arg0: i32) -> (i32, i32) {
    %c0_i32 = arith.constant 0 : i32
    %c0_i32_0 = arith.constant 0 : i32
    return %arg0, %c0_i32 : i32, i32
  }
  func.func @transform_1(%arg0: i32) -> (i32, i32) {
    %c0_i32 = arith.constant 0 : i32
    %c0_i32_0 = arith.constant 0 : i32
    %c0_i32_1 = arith.constant 0 : i32
    return %c0_i32, %c0_i32_0 : i32, i32
  }
  func.func @transform_2(%arg0: i32) -> (i32, i32) {
    %c0_i32 = arith.constant 0 : i32
    %c0_i32_0 = arith.constant 0 : i32
    %c0_i32_1 = arith.constant 0 : i32
    return %c0_i32, %c0_i32_0 : i32, i32
  }
  func.func @transform_3(%arg0: i32) -> (i32, i32) {
    %c0_i32 = arith.constant 0 : i32
    %c0_i32_0 = arith.constant 0 : i32
    %c0_i32_1 = arith.constant 0 : i32
    return %c0_i32, %c0_i32_0 : i32, i32
  }
  func.func @transform_4(%arg0: i32) -> (i32, i32) {
    %c0_i32 = arith.constant 0 : i32
    %c0_i32_0 = arith.constant 0 : i32
    %c0_i32_1 = arith.constant 0 : i32
    return %c0_i32, %c0_i32_0 : i32, i32
  }
  func.func @transform_5(%arg0: i32) -> (i32, i32) {
    %c0_i32 = arith.constant 0 : i32
    %c0_i32_0 = arith.constant 0 : i32
    %c0_i32_1 = arith.constant 0 : i32
    return %c0_i32, %c0_i32_0 : i32, i32
  }
  func.func @transform_6(%arg0: i32) -> (i32, i32) {
    %c0_i32 = arith.constant 0 : i32
    %c0_i32_0 = arith.constant 0 : i32
    return %arg0, %c0_i32 : i32, i32
  }
  func.func @transform_7(%arg0: i32) -> (i32, i32) {
    %c0_i32 = arith.constant 0 : i32
    %c0_i32_0 = arith.constant 0 : i32
    return %arg0, %c0_i32 : i32, i32
  }
  func.func @transform_8(%arg0: i32) -> (i32, i32) {
    %c0_i32 = arith.constant 0 : i32
    %c0_i32_0 = arith.constant 0 : i32
    return %arg0, %c0_i32 : i32, i32
  }
}

</mosaic_0001>

<sc_bundles>
// kernel: kernel.12.cloned.1.call-start
scs
__scs_entry_jumppad:
0x0: {  	(pc) =	sbr.rel $0x88, $3  }
0x1: {  	(tag) =	ssettag $0x0;
	lr =	simm.s32 $0x1  }
0x2: {  	[smem:$0x3F93] =	sst lr;
	_ =	strace $0xD0000000  }
0x3: {  	_ = 	snop  }
0x4: {  	_ = 	snop  }
0x5: {  	_ = 	snop  }
0x6: {  	_ = 	snop  }
0x7: {  	_ = 	snop  }
__scs_overlays_trampoline_lowered:
0x8: {  	[smem:$0x3FA2] =	sst s0  }
0x9: {  	[smem:$0x3FA3] =	sst s1  }
0xa: {  	[smem:$0x3FA4] =	sst s2  }
0xb: {  	[smem:$0x3FA5] =	sst s3  }
0xc: {  	[smem:$0x3FA6] =	sst s4  }
0xd: {  	[smem:$0x3FA7] =	sst s5  }
0xe: {  	[smem:$0x3FA8] =	sst s6  }
0xf: {  	[smem:$0x3FA9] =	sst s7  }
0x10: {  	[smem:$0x3FAA] =	sst s8  }
0x11: {  	[smem:$0x3FAB] =	sst s9;
	s0 =	simm.s32 @!p0 $0x0  }
0x12: {  	s1 =	sld [smem:$0x3F91];
	s0 =	simm.s32 @p0 $0x1  }
0x13: {  	[smem:$0x3FAC] =	sst s0;
	s0 =	simm.s32 @!p1 $0x0  }
0x14: {  	s2 =	sld [smem:$0x3F90];
	s0 =	simm.s32 @p1 $0x1  }
0x15: {  	[smem:$0x3FAD] =	sst s0;
	s0 =	simm.s32 @!p2 $0x0  }
0x16: {  	s3 =	sld [smem:$0x3FDB];
	s0 =	simm.s32 @p2 $0x1  }
0x17: {  	s4 =	simm.s32 $0x1BF5;
	[smem:$0x3FAF] =	sst s0  }
0x18: {  	s0 =	sld [smem:$0x3F92];
	_ =	swait.ge [sflag:s4], $0x0  }
0x19: {  	s7 =	sld [smem:$0x3F93]  }
0x1a: {  	s8 =	sadd.s32 $0xFFFFE003, lr  }
0x1b: {  	s9 =	sadd.s32 $0xFFFFFEF7, lr;
	s5 =	simm.s32 $0xFFFFFFFF;
	p2 =	slt.u32 s8, $0xFFFFF086  }
0x1c: {  	p1 =	slt.u32 s9, $0xF7A;
	s5 =	simm.s32 @!p2 $0x0  }
0x1d: {  	s5 =	simm.s32 @p1 $0x1;
	p0 =	seq.s32 s7, s2  }
0x1e: {  	s7 =	smul.u32 @!p0 $0xF7A, s2;
	p2 =	seq.s32 @!p0 s5, $0x0  }
0x1f: {  	s9 =	smul.u32 $0xF7A, s1;
	s8 =	simm.s32 @!p0 $0x1BF5;
	p2 =	por !p2, p0  }
0x20: {  	[sflag:s8] =	ssyncset.s32 @!p0 $0xFFFFF086;
	s6 =	sadd.s32 @!p0 s3, s7;
	s7 =	simm.s32 @!p0 $0x108  }
0x21: {  	s3 =	sadd.s32 s3, s9;
	s6 =	sadd.s32 @!p0 $0x88, s6;
	s7 =	simm.s32 @p2 $0x1082  }
0x22: {  	[simem:s7], [sflag:s8] =	dma.local @!p0 [hbm:s6], $0xF7A  }
0x23: {  	s9 =	sor.u32 $0xD0000000, s2;
	s6 =	simm.s32 $0x108;
	_ =	swait.ge @!p0 [sflag:s8], $0x0  }
0x24: {  	s3 =	sadd.s32 $0x88, s3;
	s6 =	simm.s32 @!p1 $0x1082;
	[sflag:s4] =	ssyncset.s32 $0xFFFFF086  }
0x25: {  	[simem:s6], [sflag:s4] =	dma.local [hbm:s3], $0xF7A  }
0x26: {  	[smem:$0x3F93] =	sst s1;
	(tag) =	ssettag s2;
	_ =	strace s9  }
0x27: {  	s1 =	sld [smem:$0x3FA3]  }
0x28: {  	s2 =	sld [smem:$0x3FA4]  }
0x29: {  	s4 =	sld [smem:$0x3FA6]  }
0x2a: {  	p0 =	seq.s32 s5, $0x0;
	s5 =	sld [smem:$0x3FA7]  }
0x2b: {  	s6 =	sld [smem:$0x3FA8]  }
0x2c: {  	s7 =	sld [smem:$0x3FA9]  }
0x2d: {  	s3 =	simm.s32 $0x108;
	s8 =	sld [smem:$0x3FAA]  }
0x2e: {  	s3 =	simm.s32 @!p0 $0x1082;
	s9 =	sld [smem:$0x3FAB]  }
0x2f: {  	lr =	sadd.s32 s0, s3;
	s0 =	sld [smem:$0x3FA2]  }
0x30: {  	s3 =	sld [smem:$0x3FA5]  }
0x31: {  	[smem:$0x3FAE] =	sst s10  }
0x32: {  	s10 =	sld [smem:$0x3FAC];
	_ =	sdelay $0x3  }
0x33: {  	p0 =	seq.s32 s10, $0x1;
	s10 =	sld [smem:$0x3FAE];
	_ =	sdelay $0x3  }
0x34: {  	[smem:$0x3FAE] =	sst s10  }
0x35: {  	s10 =	sld [smem:$0x3FAD];
	_ =	sdelay $0x3  }
0x36: {  	p1 =	seq.s32 s10, $0x1;
	s10 =	sld [smem:$0x3FAE];
	_ =	sdelay $0x3  }
0x37: {  	[smem:$0x3FAE] =	sst s10  }
0x38: {  	s10 =	sld [smem:$0x3FAF]  }
0x39: {  	_ = 	snop;
	(pc) =	sbr.ind lr, $3  }
0x3a: {  	_ = 	snop  }
0x3b: {  	_ = 	snop  }
0x3c: {  	p2 =	seq.s32 s10, $0x1;
	s10 =	sld [smem:$0x3FAE]  }
0x3d: {  	_ =	shalt  }
0x3e: {  	_ =	shalt  }
0x3f: {  	_ =	shalt  }
0x40: {  	_ =	shalt  }
0x41: {  	_ =	shalt  }
0x42: {  	_ =	shalt  }
0x43: {  	_ =	shalt  }
0x44: {  	_ =	shalt  }
0x45: {  	_ =	shalt  }
0x46: {  	_ =	shalt  }
0x47: {  	_ =	shalt  }
0x48: {  	_ =	shalt  }
0x49: {  	_ =	shalt  }
0x4a: {  	_ =	shalt  }
0x4b: {  	_ =	shalt  }
0x4c: {  	_ =	shalt  }
0x4d: {  	_ =	shalt  }
0x4e: {  	_ =	shalt  }
0x4f: {  	_ =	shalt  }
0x50: {  	_ =	shalt  }
0x51: {  	_ =	shalt  }
0x52: {  	_ =	shalt  }
0x53: {  	_ =	shalt  }
0x54: {  	_ =	shalt  }
0x55: {  	_ =	shalt  }
0x56: {  	_ =	shalt  }
0x57: {  	_ =	shalt  }
0x58: {  	_ =	shalt  }
0x59: {  	_ =	shalt  }
0x5a: {  	_ =	shalt  }
0x5b: {  	_ =	shalt  }
0x5c: {  	_ =	shalt  }
0x5d: {  	_ =	shalt  }
0x5e: {  	_ =	shalt  }
0x5f: {  	_ =	shalt  }
0x60: {  	_ =	shalt  }
0x61: {  	_ =	shalt  }
0x62: {  	_ =	shalt  }
0x63: {  	_ =	shalt  }
0x64: {  	_ =	shalt  }
0x65: {  	_ =	shalt  }
0x66: {  	_ =	shalt  }
0x67: {  	_ =	shalt  }
0x68: {  	_ =	shalt  }
0x69: {  	_ =	shalt  }
0x6a: {  	_ =	shalt  }
0x6b: {  	_ =	shalt  }
0x6c: {  	_ =	shalt  }
0x6d: {  	_ =	shalt  }
0x6e: {  	_ =	shalt  }
0x6f: {  	_ =	shalt  }
0x70: {  	_ =	shalt  }
0x71: {  	_ =	shalt  }
0x72: {  	_ =	shalt  }
0x73: {  	_ =	shalt  }
0x74: {  	_ =	shalt  }
0x75: {  	_ =	shalt  }
0x76: {  	_ =	shalt  }
0x77: {  	_ =	shalt  }
0x78: {  	_ =	shalt  }
0x79: {  	_ =	shalt  }
0x7a: {  	_ =	shalt  }
0x7b: {  	_ =	shalt  }
0x7c: {  	_ =	shalt  }
0x7d: {  	_ =	shalt  }
0x7e: {  	_ =	shalt  }
0x7f: {  	_ =	shalt  }
0x80: {  	_ =	shalt  }
0x81: {  	_ =	shalt  }
0x82: {  	_ =	shalt  }
0x83: {  	_ =	shalt  }
0x84: {  	_ =	shalt  }
0x85: {  	_ =	shalt  }
0x86: {  	_ =	shalt  }
0x87: {  	_ =	shalt  }
.Lfunc_end0:
.L_simem_size_0:
called_computation.1_lowered:
.L_overlay_start_0:
0x88: {  	s2 =	sld [smem:$0x3FD9]  }
0x89: {  	s3 =	sld [smem:$0x3FFE];
	_ =	sdelay $0x1  }
0x8a: {  	s1 =	srdreg.scid  }
0x8b: {  	s0 =	sand.u32 $0x1, s1  }
0x8c: {  	s17 =	sshll.u32 s0, $0xA;
	s2 =	sadd.s32 s3, s2  }
0x8d: {  	s2 =	sadd.s32 s2, s17  }
0x8e: {  	[smem:$0x3FBA] =	sst s2  }
0x8f: {  	_ = 	snop  }
0x90: {  	s2 =	sld [smem:$0x3FD0];
	(tm) =	ssettm $0x1  }
0x91: {  	s18 =	sld [smem:$0x3FFB];
	_ =	sdelay $0x3  }
0x92: {  	_ =	strace s18  }
0x93: {  	s3 =	sld [smem:$0x3FFC];
	_ =	sdelay $0x3  }
0x94: {  	_ =	strace s3  }
0x95: {  	s3 =	sld [smem:$0x3FFD];
	_ =	sdelay $0x3  }
0x96: {  	_ =	strace s3  }
0x97: {  	_ =	strace $0x8FFFFFFF  }
0x98: {  	s19 =	sld [smem:$0x3FDB];
	_ =	sdelay $0x1  }
0x99: {  	s4 =	simm.s32 $_scs_section_size  }
0x9a: {  	s5 =	simm.s32 $_size__tile_overlayer_lowered;
	s6 =	simm.s32 $_tile_overlayer_lowered  }
0x9b: {  	s22 =	simm.s32 $0x1BFF;
	s21 =	sshll.u32 s6, $0x1;
	s3 =	sadd.s32 s4, s19  }
0x9c: {  	s7 =	simm.s32 $0x0;
	s20 =	sshll.u32 s5, $0x1;
	s5 =	sadd.s32 s21, s3  }
0x9d: {  	[timem:s7], [sflag:s22] =	dma.local [hbm:s5], s20  }
0x9e: {  	_ =	swait.ge [sflag:s22], s20  }
0x9f: {  	s4 =	ssub.s32 $0x0, s20;
	[sflag:s22] =	ssyncset.done $0x0  }
0xa0: {  	[sflag:s22] =	ssyncadd.s32 s4;
	_ =	sdelay $0x1  }
0xa1: {  	s23 =	simm.s32 $0x1B8B  }
0xa2: {  	_ =	swait.ge [sflag:s23], $0x1  }
0xa3: {  	[sflag:s23] =	ssyncset.done $0x0  }
0xa4: {  	s25 =	simm.s32 $0x1B8E;
	s24 =	sld [smem:$0x3FFE];
	[sflag:s23] =	ssyncadd.s32 $0xFFFFFFFF  }
0xa5: {  	s26 =	simm.s32 $execute0_lowered;
	[smem:$0x3FD2] =	sst s25  }
0xa6: {  	s5 =	sshll.u32 s26, $0x1;
	_ =	strace $0x80000049;
	[dreg:$0x1] =	wrdreg $0xFFFFFFFF  }
0xa7: {  	s28 =	simm.s32 $_size_execute0_lowered;
	s3 =	sadd.s32 s3, s5;
	[dreg:$0x0] =	wrdreg $0x0  }
0xa8: {  	s5 =	sshll.u32 s28, $0x1;
	[dreg:$0x2] =	wrdreg s3  }
0xa9: {  	[dreg:$0x3] =	wrdreg s5  }
0xaa: {  	[dreg:$0x4] =	wrdreg $0xC0  }
0xab: {  	_ =	task [dreg:s7], $0x5FFFF  }
0xac: {  	[dreg:$0x1] =	wrdreg $0xFFFFFFFF  }
0xad: {  	[dreg:$0x0] =	wrdreg $0x60  }
0xae: {  	[dreg:$0x2] =	wrdreg s2  }
0xaf: {  	[dreg:$0x3] =	wrdreg s24  }
0xb0: {  	[dreg:$0x4] =	wrdreg $0x41400  }
0xb1: {  	[dreg:$0x5] =	wrdreg $0x1C9400  }
0xb2: {  	[dreg:$0x6] =	wrdreg $0x9  }
0xb3: {  	_ =	task.clear_ibuf [dreg:s7], $0x7FFFF;
	_ =	strace $0x90000049  }
0xb4: {  	s29 =	simm.s32 $0x9;
	_ =	strace $0x8000004B  }
0xb5: {  	_ =	swait.ge [sflag:s29], $0x1  }
0xb6: {  	[sflag:s29] =	ssyncadd.s32 $0xFFFFFFFF  }
0xb7: {  	_ =	strace $0x9000004B  }
0xb8: {  	_ =	sfence  }
0xb9: {  	s30 =	sld [smem:$0x0];
	_ =	sdelay $0x2  }
0xba: {  	s31 =	sshll.u32 s1, $0xD;
	s1 =	sshrl.u32 s1, $0x2  }
0xbb: {  	s3 =	sand.u32 $0x4000, s31;
	s1 =	sadd.s32 s1, s30  }
0xbc: {  	s0 =	sor.u32 s3, s0;
	s1 =	sshll.u32 s1, $0x11  }
0xbd: {  	s0 =	sor.u32 s1, s0  }
0xbe: {  	s0 =	sadd.s32 $0x8F2B, s0  }
0xbf: {  	[sflag:s0] =	ssyncadd.remote.s32 $0x1  }
0xc0: {  	_ =	sfence.sel $0xFFFF  }
0xc1: {  	[dreg:$0x0] =	wrdreg $0xFFFFFFFF;
	(pc) =	sbr.abs _section_cstart, $3  }
0xc2: {  	[dreg:$0x1] =	wrdreg $0xFFFFFFFF  }
0xc3: {  	_ =	task.clear_ibuf [dreg:s7], $0x2FFFF;
	_ =	strace $0x9FFFFFFF  }
0xc4: {  	(tm) =	ssettm $0x7FFFFFFF  }
0xc5: {  	_ =	shalt  }
tec
execute0_lowered:
.L_overlay_start_1:
0x0: {  	(tag) =	ssettag $0x1  }
0x1: {  	s0 =	rddreg [dreg:$0x0]  }
0x2: {  	s3 =	rddreg [dreg:$0x1]  }
0x3: {  	s1 =	srdreg.scid;
	s4 =	rddreg [dreg:$0x2]  }
0x4: {  	s17 =	stileid.u32;
	s12 =	rddreg [dreg:$0x3]  }
0x5: {  	s2 =	simm.s32 $0x0;
	s31 =	simm.s32 $0x0;
	s11 =	smul.u32 $0xC40, s17  }
0x6: {  	s1 =	sand.u32 $0x1, s1;
	[smem:$0x7FF] =	sst s2;
	s7 =	smul.u32 $0x62000, s17  }
0x7: {  	s13 =	sshll.u32 s17, $0x4;
	s5 =	smul.u32 $0xC400, s1;
	_ =	strace $0x8000004A  }
0x8: {  	s18 =	ssub.s32 $0x2, s1;
	s1 =	smul.u32 $0xC350, s1;
	s0 =	sadd.s32 s0, s13  }
0x9: {  	s13 =	sshll.u32 s17, $0x7;
	s7 =	sshrl.u32 s7, $0x2;
	s19 =	sshrl.u32 s18, $0x1  }
0xa: {  	[dreg:$0x5] =	wrdreg s0;
	s0 =	sadd.s32 $0x100, s0;
	s5 =	sadd.s32 s11, s5  }
0xb: {  	s16 =	ssub.s32 s18, s19;
	s11 =	sadd.s32 s11, s12;
	[dreg:$0x6] =	wrdreg s0  }
0xc: {  	s12 =	simm.s32 $0x3500;
	s0 =	simm.s32 $0x2;
	s6 =	sshll.u32 s5, $0x2  }
0xd: {  	s5 =	sshrl.u32 s5, $0x3;
	s30 =	smax.u32 s16, $0x1;
	s14 =	sadd.s32 s6, s3  }
0xe: {  	s15 =	sadd.s32 s5, s3;
	[dreg:$0x10] =	wrdreg s30;
	s20 =	sadd.s32 $0x6E000, s14  }
0xf: {  	s3 =	sadd.s32 s7, s4;
	s21 =	sadd.s32 $0x6E620, s14;
	[dreg:$0x7] =	wrdreg s20  }
0x10: {  	s4 =	sadd.s32 $0x3100, s3;
	s22 =	sadd.s32 $0x6EC40, s14;
	[dreg:$0x8] =	wrdreg s21  }
0x11: {  	s5 =	sadd.s32 $0x6200, s3;
	s23 =	sadd.s32 $0x6F260, s14;
	[dreg:$0x9] =	wrdreg s22  }
0x12: {  	s6 =	sadd.s32 $0x9300, s3;
	s24 =	sadd.s32 $0x6F880, s14;
	[dreg:$0xa] =	wrdreg s23  }
0x13: {  	s7 =	sadd.s32 $0xC400, s3;
	s25 =	sadd.s32 $0x6FEA0, s14;
	[dreg:$0xb] =	wrdreg s24  }
0x14: {  	s8 =	sadd.s32 $0xF500, s3;
	s26 =	sadd.s32 $0x704C0, s14;
	[dreg:$0xc] =	wrdreg s25  }
0x15: {  	s9 =	sadd.s32 $0x12600, s3;
	s28 =	sadd.s32 $0x70AE0, s14;
	[dreg:$0xd] =	wrdreg s26  }
0x16: {  	s10 =	sadd.s32 $0x15700, s3;
	s29 =	sadd.s32 $0x6AE00, s15;
	[dreg:$0xe] =	wrdreg s28  }
0x17: {  	v1 =	vimm.f32 $0.0e+00;
	v2 =	vimm.f32 $1.000000000e+00;
	v0 =	vmov s1;
	[dreg:$0xf] =	wrdreg s29;
	s25 =	simm.s32 $0x400;
	s26 =	simm.s32 $0x3  }
.LBB2_1:
0x18: {  	s14 =	simm.s32 $0x0  }
.LBB2_2:
0x19: {  	p0 =	sne.s32 s14, $0xC380  }
.Ltmp0:
0x1a: {  	_ = 	snop;
	(pc) =	sbr.rel @p0 .LBB2_2-.Ltmp0, $4  }
0x1b: {  	_ = 	snop  }
0x1c: {  	s15 =	sshra.s32 s14, $0x2  }
0x1d: {  	[tilespmem:s15+$0x400] =	vst v1  }
0x1e: {  	s14 =	sadd.s32 $0x80, s14;
	[tilespmem:s15+$0x410] =	vst v1  }
0x1f: {  	s14 =	simm.s32 $0x40;
	s15 =	simm.s32 $0x0  }
.LBB2_4:
0x20: {  	p0 =	sne.s32 s14, $0x30C0;
	[tilespmem:s15+$0x3500] =	vst v1;
	s15 =	smov.u32 s14;
	s14 =	sadd.s32 $0x40, s14  }
.Ltmp1:
0x21: {  	(pc) =	sbr.rel @p0 .LBB2_4-.Ltmp1, $2  }
0x22: {  	_ =	sdelay $0x2  }
0x23: {  	s15 =	sshra.s32 s15, $0x2  }
0x24: {  	[tilespmem:s15+$0x3500] =	vst v1  }
0x25: {  	[spmem:s3] =	stream.linear.scatter [tilespmem:s25], [sflag:$0x3], $0x3100, $0x38;
	[tilespmem:$0x1D580] =	vst v63  }
0x26: {  	_ =	swait.ge [sflag:s26], $0x3100  }
0x27: {  	[sflag:s26] =	ssyncset.done $0x0  }
0x28: {  	[sflag:s26] =	ssyncadd.s32 $0xFFFFCF00  }
0x29: {  	[spmem:s4] =	stream.linear.scatter [tilespmem:s25], [sflag:$0x3], $0x3100, $0x38;
	[tilespmem:$0x1D580] =	vst v63  }
0x2a: {  	_ =	swait.ge [sflag:s26], $0x3100  }
0x2b: {  	[sflag:s26] =	ssyncset.done $0x0  }
0x2c: {  	[sflag:s26] =	ssyncadd.s32 $0xFFFFCF00  }
0x2d: {  	[spmem:s5] =	stream.linear.scatter [tilespmem:s25], [sflag:$0x3], $0x3100, $0x38;
	[tilespmem:$0x1D580] =	vst v63  }
0x2e: {  	_ =	swait.ge [sflag:s26], $0x3100  }
0x2f: {  	[sflag:s26] =	ssyncset.done $0x0  }
0x30: {  	[sflag:s26] =	ssyncadd.s32 $0xFFFFCF00  }
0x31: {  	[spmem:s6] =	stream.linear.scatter [tilespmem:s25], [sflag:$0x3], $0x3100, $0x38;
	[tilespmem:$0x1D580] =	vst v63  }
0x32: {  	_ =	swait.ge [sflag:s26], $0x3100  }
0x33: {  	[sflag:s26] =	ssyncset.done $0x0  }
0x34: {  	[sflag:s26] =	ssyncadd.s32 $0xFFFFCF00  }
0x35: {  	[spmem:s7] =	stream.linear.scatter [tilespmem:s25], [sflag:$0x3], $0x3100, $0x38;
	[tilespmem:$0x1D580] =	vst v63  }
0x36: {  	_ =	swait.ge [sflag:s26], $0x3100  }
0x37: {  	[sflag:s26] =	ssyncset.done $0x0  }
0x38: {  	[sflag:s26] =	ssyncadd.s32 $0xFFFFCF00  }
0x39: {  	[spmem:s8] =	stream.linear.scatter [tilespmem:s25], [sflag:$0x3], $0x3100, $0x38;
	[tilespmem:$0x1D580] =	vst v63  }
0x3a: {  	_ =	swait.ge [sflag:s26], $0x3100  }
0x3b: {  	[sflag:s26] =	ssyncset.done $0x0  }
0x3c: {  	[sflag:s26] =	ssyncadd.s32 $0xFFFFCF00  }
0x3d: {  	[spmem:s9] =	stream.linear.scatter [tilespmem:s25], [sflag:$0x3], $0x3100, $0x38;
	[tilespmem:$0x1D580] =	vst v63  }
0x3e: {  	_ =	swait.ge [sflag:s26], $0x3100  }
0x3f: {  	[sflag:s26] =	ssyncset.done $0x0  }
0x40: {  	[sflag:s26] =	ssyncadd.s32 $0xFFFFCF00  }
0x41: {  	[spmem:s10] =	stream.linear.scatter [tilespmem:s25], [sflag:$0x3], $0x3100, $0x38;
	[tilespmem:$0x1D580] =	vst v63  }
0x42: {  	_ =	swait.ge [sflag:s26], $0x3100  }
0x43: {  	[sflag:s26] =	ssyncset.done $0x0  }
0x44: {  	[sflag:s26] =	ssyncadd.s32 $0xFFFFCF00  }
0x45: {  	[spmem:s11] =	stream.linear.scatter [tilespmem:s12], [sflag:$0x3], $0xC40, $0x38;
	[tilespmem:$0x1D580] =	vst v63  }
0x46: {  	_ =	swait.ge [sflag:s26], $0xC40  }
0x47: {  	[sflag:s26] =	ssyncset.done $0x0  }
0x48: {  	[sflag:s26] =	ssyncadd.s32 $0xFFFFF3C0  }
0x49: {  	s14 =	simm.s32 $0x0;
	[bflag:$0x0] =	sbarrier.arrive $0xFFFF  }
0x4a: {  	s24 =	simm.s32 $0x80;
	s28 =	simm.s32 $0x187000;
	s1 =	rddreg [dreg:$0x5]  }
0x4b: {  	[tilespmem:s14], [sflag:$0x1] =	stream.strided.gather [hbm4b:s1+s24], $0x100, s28, s24, $0x38;
	[tilespmem:$0x1D580] =	vst v63  }
0x4c: {  	s16 =	simm.s32 $0x100;
	s30 =	simm.s32 $0x1;
	s29 =	rddreg [dreg:$0x6]  }
0x4d: {  	[tilespmem:s16], [sflag:$0x2] =	stream.strided.gather [hbm4b:s29+s24], $0x100, s28, s24, $0x38;
	[tilespmem:$0x1D580] =	vst v63  }
0x4e: {  	_ =	swait.ge [sflag:s30], $0x100  }
0x4f: {  	[sflag:s30] =	ssyncset.done $0x0  }
0x50: {  	[sflag:s30] =	ssyncadd.s32 $0xFFFFFF00  }
0x51: {  	v16 =	vld [tilespmem:$0x80]  }
0x52: {  	v17 =	vld [tilespmem:$0x90]  }
0x53: {  	v15 =	vld [tilespmem:$0xA0]  }
0x54: {  	v14 =	vld [tilespmem:$0xB0]  }
0x55: {  	v13 =	vld [tilespmem:$0xC0]  }
0x56: {  	v12 =	vld [tilespmem:$0xD0]  }
0x57: {  	v11 =	vld [tilespmem:$0xE0]  }
0x58: {  	[tilespmem:$0x3F0] =	vst v2;
	v10 =	vld [tilespmem:$0xF0]  }
0x59: {  	[tilespmem:$0x3E0] =	vst v2;
	v9 =	vld [tilespmem:$0x180]  }
0x5a: {  	[tilespmem:$0x3D0] =	vst v2;
	v8 =	vld [tilespmem:$0x190]  }
0x5b: {  	v7 =	vld [tilespmem:$0x1A0];
	[tilespmem:$0x3C0] =	vst v2  }
0x5c: {  	[tilespmem:$0x3B0] =	vst v2;
	v6 =	vld [tilespmem:$0x1B0]  }
0x5d: {  	[tilespmem:$0x3A0] =	vst v2;
	v5 =	vld [tilespmem:$0x1C0]  }
0x5e: {  	[tilespmem:$0x390] =	vst v2;
	v4 =	vld [tilespmem:$0x1D0]  }
0x5f: {  	[tilespmem:$0x380] =	vst v2;
	v3 =	vld [tilespmem:$0x1E0]  }
0x60: {  	s15 =	simm.s32 $0x1000;
	[tilespmem:$0x370] =	vst v2;
	v18 =	vld [tilespmem:$0x1F0];
	v16 =	vsub.s32 v16, v0;
	v17 =	vsub.s32 v17, v0  }
.LBB2_6:
0x61: {  	p0 =	sne.s32 s15, $0x186000;
	v15 =	vsub.s32 v15, v0;
	v14 =	vsub.s32 v14, v0;
	v13 =	vsub.s32 v13, v0;
	[tilespmem:$0x360] =	vst v2  }
0x62: {  	v12 =	vsub.s32 v12, v0;
	v11 =	vsub.s32 v11, v0;
	v10 =	vsub.s32 v10, v0;
	[tilespmem:$0x350] =	vst v2  }
0x63: {  	v9 =	vsub.s32 v9, v0;
	v8 =	vsub.s32 v8, v0;
	v7 =	vsub.s32 v7, v0;
	[tilespmem:$0x340] =	vst v2  }
0x64: {  	s16 =	sadd.s32 s14, s13;
	v6 =	vsub.s32 v6, v0;
	s14 =	smov.u32 s15;
	v5 =	vsub.s32 v5, v0;
	v4 =	vsub.s32 v4, v0;
	[tilespmem:$0x330] =	vst v2  }
0x65: {  	v16 =	vmin.u32 v16, $0xC350;
	s17 =	sadd.s32 $0x10, s16;
	s18 =	sadd.s32 $0x20, s16;
	s19 =	sadd.s32 $0x870, s16;
	v3 =	vsub.s32 v3, v0;
	[tilespmem:$0x320] =	vst v2;
	v18 =	vsub.s32 v18, v0  }
0x66: {  	v17 =	vmin.u32 v17, $0xC350;
	v15 =	vmin.u32 v15, $0xC350;
	s20 =	sadd.s32 $0x30, s16;
	s29 =	sadd.s32 $0x40, s16;
	p1 =	slt.u32 s19, $0x186A00;
	[tilespmem:$0x310] =	vst v2;
	v18 =	vmin.u32 v18, $0xC350  }
0x67: {  	v14 =	vmin.u32 v14, $0xC350;
	v13 =	vmin.u32 v13, $0xC350;
	s21 =	sadd.s32 $0x60, s16;
	s30 =	sadd.s32 $0x70, s16;
	s19 =	sadd.s32 $0x50, s16;
	[tilespmem:$0x300] =	vst v2;
	v18 =	vpsel !p1, $0xC350, v18  }
0x68: {  	v12 =	vmin.u32 v12, $0xC350;
	v11 =	vmin.u32 v11, $0xC350;
	v10 =	vmin.u32 v10, $0xC350;
	s22 =	sadd.s32 $0x800, s16;
	s23 =	sadd.s32 $0x810, s16;
	s24 =	sadd.s32 $0x820, s16;
	[tilespmem:$0x2F0] =	vst v18  }
0x69: {  	v9 =	vmin.u32 v9, $0xC350;
	v8 =	vmin.u32 v8, $0xC350;
	v7 =	vmin.u32 v7, $0xC350;
	s12 =	sadd.s32 $0x830, s16;
	s28 =	sadd.s32 $0x840, s16;
	s1 =	sadd.s32 $0x850, s16;
	[tilespmem:$0x3F0] =	vst v2  }
0x6a: {  	v6 =	vmin.u32 v6, $0xC350;
	p2 =	slt.u32 s18, $0x186A00;
	v5 =	vmin.u32 v5, $0xC350;
	v4 =	vmin.u32 v4, $0xC350;
	p1 =	slt.u32 s17, $0x186A00;
	s17 =	sadd.s32 $0x860, s16;
	[tilespmem:$0x3E0] =	vst v2  }
0x6b: {  	v15 =	vpsel !p2, $0xC350, v15;
	p2 =	slt.u32 s29, $0x186A00;
	p3 =	slt.u32 s19, $0x186A00;
	v3 =	vmin.u32 v3, $0xC350;
	v17 =	vpsel !p1, $0xC350, v17;
	p1 =	slt.u32 s20, $0x186A00;
	[tilespmem:$0x3D0] =	vst v2  }
0x6c: {  	v13 =	vpsel !p2, $0xC350, v13;
	v12 =	vpsel !p3, $0xC350, v12;
	p2 =	slt.u32 s30, $0x186A00;
	p3 =	slt.u32 s22, $0x186A00;
	v14 =	vpsel !p1, $0xC350, v14;
	p1 =	slt.u32 s21, $0x186A00;
	[tilespmem:$0x210] =	vst v17  }
0x6d: {  	v10 =	vpsel !p2, $0xC350, v10;
	v9 =	vpsel !p3, $0xC350, v9;
	p2 =	slt.u32 s24, $0x186A00;
	p3 =	slt.u32 s12, $0x186A00;
	v11 =	vpsel !p1, $0xC350, v11;
	p1 =	slt.u32 s23, $0x186A00;
	[tilespmem:$0x220] =	vst v15  }
0x6e: {  	v7 =	vpsel !p2, $0xC350, v7;
	v6 =	vpsel !p3, $0xC350, v6;
	p2 =	slt.u32 s1, $0x186A00;
	p3 =	slt.u32 s17, $0x186A00;
	v8 =	vpsel !p1, $0xC350, v8;
	p1 =	slt.u32 s28, $0x186A00;
	[tilespmem:$0x230] =	vst v14  }
0x6f: {  	p4 =	slt.u32 s16, $0x186A00;
	v4 =	vpsel !p2, $0xC350, v4;
	v3 =	vpsel !p3, $0xC350, v3;
	v5 =	vpsel !p1, $0xC350, v5;
	[tilespmem:$0x240] =	vst v13  }
0x70: {  	v13 =	vpsel !p4, $0xC350, v16;
	[tilespmem:$0x250] =	vst v12  }
0x71: {  	v16 =	vld [tilespmem:$0x80];
	[tilespmem:$0x200] =	vst v13  }
0x72: {  	v17 =	vld [tilespmem:$0x90];
	[tilespmem:$0x260] =	vst v11  }
0x73: {  	v15 =	vld [tilespmem:$0xA0];
	[tilespmem:$0x270] =	vst v10  }
0x74: {  	v14 =	vld [tilespmem:$0xB0];
	[tilespmem:$0x280] =	vst v9  }
0x75: {  	v13 =	vld [tilespmem:$0xC0];
	[tilespmem:$0x290] =	vst v8  }
0x76: {  	v12 =	vld [tilespmem:$0xD0];
	[tilespmem:$0x2A0] =	vst v7  }
0x77: {  	v11 =	vld [tilespmem:$0xE0];
	[tilespmem:$0x2B0] =	vst v6  }
0x78: {  	v10 =	vld [tilespmem:$0xF0];
	[tilespmem:$0x2C0] =	vst v5  }
0x79: {  	v9 =	vld [tilespmem:$0x180];
	[tilespmem:$0x2D0] =	vst v4  }
0x7a: {  	v8 =	vld [tilespmem:$0x190];
	[tilespmem:$0x2E0] =	vst v3  }
0x7b: {  	v7 =	vld [tilespmem:$0x1A0];
	[tilespmem:$0x3C0] =	vst v2  }
.Ltmp2:
0x7c: {  	[tilespmem:$0x3B0] =	vst v2;
	v6 =	vld [tilespmem:$0x1B0];
	(pc) =	sbr.rel @p0 .LBB2_6-.Ltmp2, $4  }
0x7d: {  	[tilespmem:$0x3A0] =	vst v2;
	v5 =	vld [tilespmem:$0x1C0]  }
0x7e: {  	[tilespmem:$0x390] =	vst v2;
	v4 =	vld [tilespmem:$0x1D0]  }
0x7f: {  	[tilespmem:$0x380] =	vst v2;
	v3 =	vld [tilespmem:$0x1E0]  }
0x80: {  	s15 =	sadd.s32 $0x1000, s15;
	v16 =	vsub.s32 v16, v0;
	v17 =	vsub.s32 v17, v0;
	[tilespmem:$0x370] =	vst v2;
	v18 =	vld [tilespmem:$0x1F0]  }
0x81: {  	[tilespmem:$0x360] =	vst v2  }
0x82: {  	[tilespmem:$0x350] =	vst v2  }
0x83: {  	[tilespmem:$0x340] =	vst v2  }
0x84: {  	[tilespmem:$0x330] =	vst v2  }
0x85: {  	s14 =	sadd.s32 s14, s13;
	[tilespmem:$0x320] =	vst v2  }
0x86: {  	[tilespmem:$0x310] =	vst v2;
	v62 =	vmin.u32 v16, $0xC350;
	s18 =	sadd.s32 $0x10, s14;
	p2 =	slt.u32 s14, $0x186A00  }
0x87: {  	v15 =	vsub.s32 v15, v0;
	v17 =	vmin.u32 v17, $0xC350;
	[tilespmem:$0x300] =	vst v2;
	s19 =	sadd.s32 $0x20, s14;
	p1 =	slt.u32 s18, $0x186A00;
	v63 =	vpsel !p2, $0xC350, v62  }
0x88: {  	v14 =	vsub.s32 v14, v0;
	v15 =	vmin.u32 v15, $0xC350;
	s20 =	sadd.s32 $0x30, s14;
	p3 =	slt.u32 s19, $0x186A00;
	v17 =	vpsel !p1, $0xC350, v17;
	[tilespmem:$0x200] =	vst v63  }
0x89: {  	v13 =	vsub.s32 v13, v0;
	s21 =	sadd.s32 $0x40, s14;
	v14 =	vmin.u32 v14, $0xC350;
	p4 =	slt.u32 s20, $0x186A00;
	v15 =	vpsel !p3, $0xC350, v15;
	[tilespmem:$0x210] =	vst v17  }
0x8a: {  	v12 =	vsub.s32 v12, v0;
	v13 =	vmin.u32 v13, $0xC350;
	s22 =	sadd.s32 $0x50, s14;
	p5 =	slt.u32 s21, $0x186A00;
	v14 =	vpsel !p4, $0xC350, v14;
	[tilespmem:$0x220] =	vst v15  }
0x8b: {  	v7 =	vsub.s32 v7, v0;
	v12 =	vmin.u32 v12, $0xC350;
	s30 =	sadd.s32 $0x820, s14;
	p6 =	slt.u32 s22, $0x186A00;
	v13 =	vpsel !p5, $0xC350, v13;
	[tilespmem:$0x230] =	vst v14  }
0x8c: {  	v11 =	vsub.s32 v11, v0;
	s23 =	sadd.s32 $0x60, s14;
	v7 =	vmin.u32 v7, $0xC350;
	p2 =	slt.u32 s30, $0x186A00;
	v12 =	vpsel !p6, $0xC350, v12;
	[tilespmem:$0x240] =	vst v13  }
0x8d: {  	v10 =	vsub.s32 v10, v0;
	s24 =	sadd.s32 $0x70, s14;
	v11 =	vmin.u32 v11, $0xC350;
	p3 =	slt.u32 s23, $0x186A00;
	v7 =	vpsel !p2, $0xC350, v7;
	[tilespmem:$0x250] =	vst v12  }
0x8e: {  	v9 =	vsub.s32 v9, v0;
	v10 =	vmin.u32 v10, $0xC350;
	s28 =	sadd.s32 $0x800, s14;
	p4 =	slt.u32 s24, $0x186A00;
	v11 =	vpsel !p3, $0xC350, v11;
	[tilespmem:$0x2A0] =	vst v7  }
0x8f: {  	v8 =	vsub.s32 v8, v0;
	s29 =	sadd.s32 $0x810, s14;
	v9 =	vmin.u32 v9, $0xC350;
	p5 =	slt.u32 s28, $0x186A00;
	v10 =	vpsel !p4, $0xC350, v10;
	[tilespmem:$0x260] =	vst v11  }
0x90: {  	v6 =	vsub.s32 v6, v0;
	v8 =	vmin.u32 v8, $0xC350;
	s12 =	sadd.s32 $0x830, s14;
	p6 =	slt.u32 s29, $0x186A00;
	v9 =	vpsel !p5, $0xC350, v9;
	[tilespmem:$0x270] =	vst v10  }
0x91: {  	v5 =	vsub.s32 v5, v0;
	s15 =	sadd.s32 $0x840, s14;
	v6 =	vmin.u32 v6, $0xC350;
	v8 =	vpsel !p6, $0xC350, v8;
	p3 =	slt.u32 s12, $0x186A00;
	[tilespmem:$0x280] =	vst v9  }
0x92: {  	s16 =	sadd.s32 $0x850, s14;
	v4 =	vsub.s32 v4, v0;
	v5 =	vmin.u32 v5, $0xC350;
	p4 =	slt.u32 s15, $0x186A00;
	[tilespmem:$0x290] =	vst v8;
	v6 =	vpsel !p3, $0xC350, v6  }
0x93: {  	s17 =	sadd.s32 $0x860, s14;
	v3 =	vsub.s32 v3, v0;
	v4 =	vmin.u32 v4, $0xC350;
	p5 =	slt.u32 s16, $0x186A00;
	v5 =	vpsel !p4, $0xC350, v5;
	[tilespmem:$0x2B0] =	vst v6  }
0x94: {  	s1 =	sadd.s32 $0x870, s14;
	v18 =	vsub.s32 v18, v0;
	p6 =	slt.u32 s17, $0x186A00;
	v3 =	vmin.u32 v3, $0xC350;
	v4 =	vpsel !p5, $0xC350, v4;
	[tilespmem:$0x2C0] =	vst v5  }
0x95: {  	p0 =	slt.u32 s1, $0x186A00;
	v18 =	vmin.u32 v18, $0xC350;
	v3 =	vpsel !p6, $0xC350, v3;
	[tilespmem:$0x2D0] =	vst v4  }
0x96: {  	v18 =	vpsel !p0, $0xC350, v18;
	[tilespmem:$0x2E0] =	vst v3  }
0x97: {  	[tilespmem:$0x2F0] =	vst v18  }
0x98: {  	_ =	swait.ge [sflag:s0], $0x100  }
0x99: {  	[sflag:s0] =	ssyncset.done $0x0  }
0x9a: {  	[sflag:s0] =	ssyncadd.s32 $0xFFFFFF00  }
0x9b: {  	[bflag:$0x0] =	sbarrier.arrive $0xFFFF  }
0x9c: {  	[tilespmem:s25], [sflag:$0x3] =	stream.linear.gather [spmem:s3], $0x3100, $0x38;
	[tilespmem:$0x1D580] =	vst v63  }
0x9d: {  	_ =	swait.ge [sflag:s26], $0x3100  }
0x9e: {  	[sflag:s26] =	ssyncset.done $0x0  }
0x9f: {  	s18 =	rddreg [dreg:$0x7];
	[sflag:s26] =	ssyncadd.s32 $0xFFFFCF00  }
0xa0: {  	[hbm4b:s18+s2] =	stream.linear.scatter [tilespmem:s25], [sflag:$0x3], $0x3100, $0x38;
	[tilespmem:$0x1D580] =	vst v63  }
0xa1: {  	_ =	swait.ge [sflag:s26], $0x3100  }
0xa2: {  	[sflag:s26] =	ssyncset.done $0x0  }
0xa3: {  	[sflag:s26] =	ssyncadd.s32 $0xFFFFCF00  }
0xa4: {  	[tilespmem:s25], [sflag:$0x3] =	stream.linear.gather [spmem:s4], $0x3100, $0x38;
	[tilespmem:$0x1D580] =	vst v63  }
0xa5: {  	_ =	swait.ge [sflag:s26], $0x3100  }
0xa6: {  	[sflag:s26] =	ssyncset.done $0x0  }
0xa7: {  	s19 =	rddreg [dreg:$0x8];
	[sflag:s26] =	ssyncadd.s32 $0xFFFFCF00  }
0xa8: {  	[hbm4b:s19+s2] =	stream.linear.scatter [tilespmem:s25], [sflag:$0x3], $0x3100, $0x38;
	[tilespmem:$0x1D580] =	vst v63  }
0xa9: {  	_ =	swait.ge [sflag:s26], $0x3100  }
0xaa: {  	[sflag:s26] =	ssyncset.done $0x0  }
0xab: {  	[sflag:s26] =	ssyncadd.s32 $0xFFFFCF00  }
0xac: {  	[tilespmem:s25], [sflag:$0x3] =	stream.linear.gather [spmem:s5], $0x3100, $0x38;
	[tilespmem:$0x1D580] =	vst v63  }
0xad: {  	_ =	swait.ge [sflag:s26], $0x3100  }
0xae: {  	[sflag:s26] =	ssyncset.done $0x0  }
0xaf: {  	s20 =	rddreg [dreg:$0x9];
	[sflag:s26] =	ssyncadd.s32 $0xFFFFCF00  }
0xb0: {  	[hbm4b:s20+s2] =	stream.linear.scatter [tilespmem:s25], [sflag:$0x3], $0x3100, $0x38;
	[tilespmem:$0x1D580] =	vst v63  }
0xb1: {  	_ =	swait.ge [sflag:s26], $0x3100  }
0xb2: {  	[sflag:s26] =	ssyncset.done $0x0  }
0xb3: {  	[sflag:s26] =	ssyncadd.s32 $0xFFFFCF00  }
0xb4: {  	[tilespmem:s25], [sflag:$0x3] =	stream.linear.gather [spmem:s6], $0x3100, $0x38;
	[tilespmem:$0x1D580] =	vst v63  }
0xb5: {  	_ =	swait.ge [sflag:s26], $0x3100  }
0xb6: {  	[sflag:s26] =	ssyncset.done $0x0  }
0xb7: {  	s21 =	rddreg [dreg:$0xa];
	[sflag:s26] =	ssyncadd.s32 $0xFFFFCF00  }
0xb8: {  	[hbm4b:s21+s2] =	stream.linear.scatter [tilespmem:s25], [sflag:$0x3], $0x3100, $0x38;
	[tilespmem:$0x1D580] =	vst v63  }
0xb9: {  	_ =	swait.ge [sflag:s26], $0x3100  }
0xba: {  	[sflag:s26] =	ssyncset.done $0x0  }
0xbb: {  	[sflag:s26] =	ssyncadd.s32 $0xFFFFCF00  }
0xbc: {  	[tilespmem:s25], [sflag:$0x3] =	stream.linear.gather [spmem:s7], $0x3100, $0x38;
	[tilespmem:$0x1D580] =	vst v63  }
0xbd: {  	_ =	swait.ge [sflag:s26], $0x3100  }
0xbe: {  	[sflag:s26] =	ssyncset.done $0x0  }
0xbf: {  	s22 =	rddreg [dreg:$0xb];
	[sflag:s26] =	ssyncadd.s32 $0xFFFFCF00  }
0xc0: {  	[hbm4b:s22+s2] =	stream.linear.scatter [tilespmem:s25], [sflag:$0x3], $0x3100, $0x38;
	[tilespmem:$0x1D580] =	vst v63  }
0xc1: {  	_ =	swait.ge [sflag:s26], $0x3100  }
0xc2: {  	[sflag:s26] =	ssyncset.done $0x0  }
0xc3: {  	[sflag:s26] =	ssyncadd.s32 $0xFFFFCF00  }
0xc4: {  	[tilespmem:s25], [sflag:$0x3] =	stream.linear.gather [spmem:s8], $0x3100, $0x38;
	[tilespmem:$0x1D580] =	vst v63  }
0xc5: {  	_ =	swait.ge [sflag:s26], $0x3100  }
0xc6: {  	[sflag:s26] =	ssyncset.done $0x0  }
0xc7: {  	s23 =	rddreg [dreg:$0xc];
	[sflag:s26] =	ssyncadd.s32 $0xFFFFCF00  }
0xc8: {  	[hbm4b:s23+s2] =	stream.linear.scatter [tilespmem:s25], [sflag:$0x3], $0x3100, $0x38;
	[tilespmem:$0x1D580] =	vst v63  }
0xc9: {  	_ =	swait.ge [sflag:s26], $0x3100  }
0xca: {  	[sflag:s26] =	ssyncset.done $0x0  }
0xcb: {  	[sflag:s26] =	ssyncadd.s32 $0xFFFFCF00  }
0xcc: {  	[tilespmem:s25], [sflag:$0x3] =	stream.linear.gather [spmem:s9], $0x3100, $0x38;
	[tilespmem:$0x1D580] =	vst v63  }
0xcd: {  	_ =	swait.ge [sflag:s26], $0x3100  }
0xce: {  	[sflag:s26] =	ssyncset.done $0x0  }
0xcf: {  	s24 =	rddreg [dreg:$0xd];
	[sflag:s26] =	ssyncadd.s32 $0xFFFFCF00  }
0xd0: {  	[hbm4b:s24+s2] =	stream.linear.scatter [tilespmem:s25], [sflag:$0x3], $0x3100, $0x38;
	[tilespmem:$0x1D580] =	vst v63  }
0xd1: {  	_ =	swait.ge [sflag:s26], $0x3100  }
0xd2: {  	[sflag:s26] =	ssyncset.done $0x0  }
0xd3: {  	[sflag:s26] =	ssyncadd.s32 $0xFFFFCF00  }
0xd4: {  	[tilespmem:s25], [sflag:$0x3] =	stream.linear.gather [spmem:s10], $0x3100, $0x38;
	[tilespmem:$0x1D580] =	vst v63  }
0xd5: {  	_ =	swait.ge [sflag:s26], $0x3100  }
0xd6: {  	[sflag:s26] =	ssyncset.done $0x0  }
0xd7: {  	s28 =	rddreg [dreg:$0xe];
	[sflag:s26] =	ssyncadd.s32 $0xFFFFCF00  }
0xd8: {  	[hbm4b:s28+s2] =	stream.linear.scatter [tilespmem:s25], [sflag:$0x3], $0x3100, $0x38;
	[tilespmem:$0x1D580] =	vst v63  }
0xd9: {  	_ =	swait.ge [sflag:s26], $0x3100  }
0xda: {  	[sflag:s26] =	ssyncset.done $0x0  }
0xdb: {  	s12 =	simm.s32 $0x3500;
	[sflag:s26] =	ssyncadd.s32 $0xFFFFCF00  }
0xdc: {  	[tilespmem:s12], [sflag:$0x3] =	stream.linear.gather [spmem:s11], $0xC40, $0x38;
	[tilespmem:$0x1D580] =	vst v63  }
0xdd: {  	_ =	swait.ge [sflag:s26], $0xC40  }
0xde: {  	[sflag:s26] =	ssyncset.done $0x0  }
0xdf: {  	s29 =	rddreg [dreg:$0xf];
	[sflag:s26] =	ssyncadd.s32 $0xFFFFF3C0  }
0xe0: {  	[hbm4b:s29+s2] =	stream.linear.scatter [tilespmem:s12], [sflag:$0x3], $0xC40, $0x38;
	[tilespmem:$0x1D580] =	vst v63  }
0xe1: {  	_ =	swait.ge [sflag:s26], $0xC40  }
0xe2: {  	s31 =	sadd.s32 $0x1, s31;
	s30 =	rddreg [dreg:$0x10]  }
0xe3: {  	p0 =	sne.s32 s31, s30  }
.Ltmp3:
0xe4: {  	_ = 	snop;
	(pc) =	sbr.rel @p0 .LBB2_1-.Ltmp3, $3  }
0xe5: {  	_ =	sdelay $0x1  }
0xe6: {  	[sflag:s26] =	ssyncset.done $0x0  }
0xe7: {  	[sflag:s26] =	ssyncadd.s32 $0xFFFFF3C0  }
0xe8: {  	_ =	sfence.sel $0x180000  }
0xe9: {  	[bflag:$0x0] =	sbarrier.arrive $0xFFFF  }
0xea: {  	_ =	strace $0x9000004A  }
0xeb: {  	s0 =	stileid.u32;
	[bflag:$0x2] =	sbarrier.arrive $0xFFFF  }
0xec: {  	p0 =	sne.s32 s0, $0x0;
	s0 =	rddreg [dreg:$0x4]  }
0xed: {  	s0 =	sadd.s32 @!p0 $0x100000, s0  }
0xee: {  	[sflag:s0] =	ssyncadd.tile.s32 @!p0 $0x1;
	_ =	shalt  }
.Lfunc_end2:
_tile_overlayer_lowered:
.L_overlay_start_2:
0xef: {  	(tag) =	ssettag $0x2  }
0xf0: {  	s0 =	rddreg [dreg:$0x0];
	s2 =	stileid.u32  }
0xf1: {  	s1 =	rddreg [dreg:$0x1];
	p0 =	sne.s32 s2, $0x0  }
0xf2: {  	s3 =	rddreg [dreg:$0x2];
	[bflag:$0x3] =	sbarrier.arrive $0xFFFF;
	s2 =	simm.s32 @!p0 $0x1C03  }
0xf3: {  	[timem:s3], [sflag:s2] =	dma.local @!p0 [hbm:s0], s1  }
0xf4: {  	s0 =	simm.s32 @!p0 $0x3  }
0xf5: {  	_ =	swait.ge @!p0 [sflag:s0], s1  }
0xf6: {  	s1 =	ssub.s32 @!p0 $0x0, s1;
	[sflag:s0] =	ssyncset.done @!p0 $0x0  }
0xf7: {  	[sflag:s0] =	ssyncadd.s32 @!p0 s1  }
0xf8: {  	[bflag:$0x3] =	sbarrier.arrive $0xFFFF  }
0xf9: {  	_ =	shalt  }

// kernel: kernel.9.cloned.1.call-start
scs
__scs_entry_jumppad:
0x0: {  	(pc) =	sbr.rel $0x88, $3  }
0x1: {  	(tag) =	ssettag $0x0;
	lr =	simm.s32 $0x1  }
0x2: {  	[smem:$0x3F93] =	sst lr;
	_ =	strace $0xD0000000  }
0x3: {  	_ = 	snop  }
0x4: {  	_ = 	snop  }
0x5: {  	_ = 	snop  }
0x6: {  	_ = 	snop  }
0x7: {  	_ = 	snop  }
__scs_overlays_trampoline_lowered:
0x8: {  	[smem:$0x3FA2] =	sst s0  }
0x9: {  	[smem:$0x3FA3] =	sst s1  }
0xa: {  	[smem:$0x3FA4] =	sst s2  }
0xb: {  	[smem:$0x3FA5] =	sst s3  }
0xc: {  	[smem:$0x3FA6] =	sst s4  }
0xd: {  	[smem:$0x3FA7] =	sst s5  }
0xe: {  	[smem:$0x3FA8] =	sst s6  }
0xf: {  	[smem:$0x3FA9] =	sst s7  }
0x10: {  	[smem:$0x3FAA] =	sst s8  }
0x11: {  	[smem:$0x3FAB] =	sst s9;
	s0 =	simm.s32 @!p0 $0x0  }
0x12: {  	s1 =	sld [smem:$0x3F91];
	s0 =	simm.s32 @p0 $0x1  }
0x13: {  	[smem:$0x3FAC] =	sst s0;
	s0 =	simm.s32 @!p1 $0x0  }
0x14: {  	s2 =	sld [smem:$0x3F90];
	s0 =	simm.s32 @p1 $0x1  }
0x15: {  	[smem:$0x3FAD] =	sst s0;
	s0 =	simm.s32 @!p2 $0x0  }
0x16: {  	s3 =	sld [smem:$0x3FDB];
	s0 =	simm.s32 @p2 $0x1  }
0x17: {  	s4 =	simm.s32 $0x1BF5;
	[smem:$0x3FAF] =	sst s0  }
0x18: {  	s0 =	sld [smem:$0x3F92];
	_ =	swait.ge [sflag:s4], $0x0  }
0x19: {  	s7 =	sld [smem:$0x3F93]  }
0x1a: {  	s8 =	sadd.s32 $0xFFFFE003, lr  }
0x1b: {  	s9 =	sadd.s32 $0xFFFFFEF7, lr;
	s5 =	simm.s32 $0xFFFFFFFF;
	p2 =	slt.u32 s8, $0xFFFFF086  }
0x1c: {  	p1 =	slt.u32 s9, $0xF7A;
	s5 =	simm.s32 @!p2 $0x0  }
0x1d: {  	s5 =	simm.s32 @p1 $0x1;
	p0 =	seq.s32 s7, s2  }
0x1e: {  	s7 =	smul.u32 @!p0 $0xF7A, s2;
	p2 =	seq.s32 @!p0 s5, $0x0  }
0x1f: {  	s9 =	smul.u32 $0xF7A, s1;
	s8 =	simm.s32 @!p0 $0x1BF5;
	p2 =	por !p2, p0  }
0x20: {  	[sflag:s8] =	ssyncset.s32 @!p0 $0xFFFFF086;
	s6 =	sadd.s32 @!p0 s3, s7;
	s7 =	simm.s32 @!p0 $0x108  }
0x21: {  	s3 =	sadd.s32 s3, s9;
	s6 =	sadd.s32 @!p0 $0x88, s6;
	s7 =	simm.s32 @p2 $0x1082  }
0x22: {  	[simem:s7], [sflag:s8] =	dma.local @!p0 [hbm:s6], $0xF7A  }
0x23: {  	s9 =	sor.u32 $0xD0000000, s2;
	s6 =	simm.s32 $0x108;
	_ =	swait.ge @!p0 [sflag:s8], $0x0  }
0x24: {  	s3 =	sadd.s32 $0x88, s3;
	s6 =	simm.s32 @!p1 $0x1082;
	[sflag:s4] =	ssyncset.s32 $0xFFFFF086  }
0x25: {  	[simem:s6], [sflag:s4] =	dma.local [hbm:s3], $0xF7A  }
0x26: {  	[smem:$0x3F93] =	sst s1;
	(tag) =	ssettag s2;
	_ =	strace s9  }
0x27: {  	s1 =	sld [smem:$0x3FA3]  }
0x28: {  	s2 =	sld [smem:$0x3FA4]  }
0x29: {  	s4 =	sld [smem:$0x3FA6]  }
0x2a: {  	p0 =	seq.s32 s5, $0x0;
	s5 =	sld [smem:$0x3FA7]  }
0x2b: {  	s6 =	sld [smem:$0x3FA8]  }
0x2c: {  	s7 =	sld [smem:$0x3FA9]  }
0x2d: {  	s3 =	simm.s32 $0x108;
	s8 =	sld [smem:$0x3FAA]  }
0x2e: {  	s3 =	simm.s32 @!p0 $0x1082;
	s9 =	sld [smem:$0x3FAB]  }
0x2f: {  	lr =	sadd.s32 s0, s3;
	s0 =	sld [smem:$0x3FA2]  }
0x30: {  	s3 =	sld [smem:$0x3FA5]  }
0x31: {  	[smem:$0x3FAE] =	sst s10  }
0x32: {  	s10 =	sld [smem:$0x3FAC];
	_ =	sdelay $0x3  }
0x33: {  	p0 =	seq.s32 s10, $0x1;
	s10 =	sld [smem:$0x3FAE];
	_ =	sdelay $0x3  }
0x34: {  	[smem:$0x3FAE] =	sst s10  }
0x35: {  	s10 =	sld [smem:$0x3FAD];
	_ =	sdelay $0x3  }
0x36: {  	p1 =	seq.s32 s10, $0x1;
	s10 =	sld [smem:$0x3FAE];
	_ =	sdelay $0x3  }
0x37: {  	[smem:$0x3FAE] =	sst s10  }
0x38: {  	s10 =	sld [smem:$0x3FAF]  }
0x39: {  	_ = 	snop;
	(pc) =	sbr.ind lr, $3  }
0x3a: {  	_ = 	snop  }
0x3b: {  	_ = 	snop  }
0x3c: {  	p2 =	seq.s32 s10, $0x1;
	s10 =	sld [smem:$0x3FAE]  }
0x3d: {  	_ =	shalt  }
0x3e: {  	_ =	shalt  }
0x3f: {  	_ =	shalt  }
0x40: {  	_ =	shalt  }
0x41: {  	_ =	shalt  }
0x42: {  	_ =	shalt  }
0x43: {  	_ =	shalt  }
0x44: {  	_ =	shalt  }
0x45: {  	_ =	shalt  }
0x46: {  	_ =	shalt  }
0x47: {  	_ =	shalt  }
0x48: {  	_ =	shalt  }
0x49: {  	_ =	shalt  }
0x4a: {  	_ =	shalt  }
0x4b: {  	_ =	shalt  }
0x4c: {  	_ =	shalt  }
0x4d: {  	_ =	shalt  }
0x4e: {  	_ =	shalt  }
0x4f: {  	_ =	shalt  }
0x50: {  	_ =	shalt  }
0x51: {  	_ =	shalt  }
0x52: {  	_ =	shalt  }
0x53: {  	_ =	shalt  }
0x54: {  	_ =	shalt  }
0x55: {  	_ =	shalt  }
0x56: {  	_ =	shalt  }
0x57: {  	_ =	shalt  }
0x58: {  	_ =	shalt  }
0x59: {  	_ =	shalt  }
0x5a: {  	_ =	shalt  }
0x5b: {  	_ =	shalt  }
0x5c: {  	_ =	shalt  }
0x5d: {  	_ =	shalt  }
0x5e: {  	_ =	shalt  }
0x5f: {  	_ =	shalt  }
0x60: {  	_ =	shalt  }
0x61: {  	_ =	shalt  }
0x62: {  	_ =	shalt  }
0x63: {  	_ =	shalt  }
0x64: {  	_ =	shalt  }
0x65: {  	_ =	shalt  }
0x66: {  	_ =	shalt  }
0x67: {  	_ =	shalt  }
0x68: {  	_ =	shalt  }
0x69: {  	_ =	shalt  }
0x6a: {  	_ =	shalt  }
0x6b: {  	_ =	shalt  }
0x6c: {  	_ =	shalt  }
0x6d: {  	_ =	shalt  }
0x6e: {  	_ =	shalt  }
0x6f: {  	_ =	shalt  }
0x70: {  	_ =	shalt  }
0x71: {  	_ =	shalt  }
0x72: {  	_ =	shalt  }
0x73: {  	_ =	shalt  }
0x74: {  	_ =	shalt  }
0x75: {  	_ =	shalt  }
0x76: {  	_ =	shalt  }
0x77: {  	_ =	shalt  }
0x78: {  	_ =	shalt  }
0x79: {  	_ =	shalt  }
0x7a: {  	_ =	shalt  }
0x7b: {  	_ =	shalt  }
0x7c: {  	_ =	shalt  }
0x7d: {  	_ =	shalt  }
0x7e: {  	_ =	shalt  }
0x7f: {  	_ =	shalt  }
0x80: {  	_ =	shalt  }
0x81: {  	_ =	shalt  }
0x82: {  	_ =	shalt  }
0x83: {  	_ =	shalt  }
0x84: {  	_ =	shalt  }
0x85: {  	_ =	shalt  }
0x86: {  	_ =	shalt  }
0x87: {  	_ =	shalt  }
.Lfunc_end0:
.L_simem_size_0:
called_computation_lowered:
.L_overlay_start_0:
0x88: {  	s2 =	sld [smem:$0x3FD9]  }
0x89: {  	s3 =	sld [smem:$0x3FFE];
	_ =	sdelay $0x1  }
0x8a: {  	s1 =	srdreg.scid  }
0x8b: {  	s0 =	sand.u32 $0x1, s1  }
0x8c: {  	s17 =	sshll.u32 s0, $0xA;
	s2 =	sadd.s32 s3, s2  }
0x8d: {  	s2 =	sadd.s32 s2, s17  }
0x8e: {  	[smem:$0x3FBA] =	sst s2  }
0x8f: {  	_ = 	snop  }
0x90: {  	s2 =	sld [smem:$0x3FD0];
	(tm) =	ssettm $0x1  }
0x91: {  	s18 =	sld [smem:$0x3FFB];
	_ =	sdelay $0x3  }
0x92: {  	_ =	strace s18  }
0x93: {  	s3 =	sld [smem:$0x3FFC];
	_ =	sdelay $0x3  }
0x94: {  	_ =	strace s3  }
0x95: {  	s3 =	sld [smem:$0x3FFD];
	_ =	sdelay $0x3  }
0x96: {  	_ =	strace s3  }
0x97: {  	_ =	strace $0x8FFFFFFF  }
0x98: {  	s19 =	sld [smem:$0x3FDB];
	_ =	sdelay $0x1  }
0x99: {  	s4 =	simm.s32 $_scs_section_size  }
0x9a: {  	s5 =	simm.s32 $_size__tile_overlayer_lowered;
	s6 =	simm.s32 $_tile_overlayer_lowered  }
0x9b: {  	s22 =	simm.s32 $0x1BFF;
	s21 =	sshll.u32 s6, $0x1;
	s3 =	sadd.s32 s4, s19  }
0x9c: {  	s7 =	simm.s32 $0x0;
	s20 =	sshll.u32 s5, $0x1;
	s5 =	sadd.s32 s21, s3  }
0x9d: {  	[timem:s7], [sflag:s22] =	dma.local [hbm:s5], s20  }
0x9e: {  	_ =	swait.ge [sflag:s22], s20  }
0x9f: {  	s4 =	ssub.s32 $0x0, s20;
	[sflag:s22] =	ssyncset.done $0x0  }
0xa0: {  	[sflag:s22] =	ssyncadd.s32 s4;
	_ =	sdelay $0x1  }
0xa1: {  	s23 =	simm.s32 $0x1B8B  }
0xa2: {  	_ =	swait.ge [sflag:s23], $0x1  }
0xa3: {  	[sflag:s23] =	ssyncset.done $0x0  }
0xa4: {  	s25 =	simm.s32 $0x1B8E;
	s24 =	sld [smem:$0x3FFE];
	[sflag:s23] =	ssyncadd.s32 $0xFFFFFFFF  }
0xa5: {  	s26 =	simm.s32 $execute0_lowered;
	[smem:$0x3FD2] =	sst s25  }
0xa6: {  	s5 =	sshll.u32 s26, $0x1;
	_ =	strace $0x80000046;
	[dreg:$0x1] =	wrdreg $0xFFFFFFFF  }
0xa7: {  	s28 =	simm.s32 $_size_execute0_lowered;
	s3 =	sadd.s32 s3, s5;
	[dreg:$0x0] =	wrdreg $0x0  }
0xa8: {  	s5 =	sshll.u32 s28, $0x1;
	[dreg:$0x2] =	wrdreg s3  }
0xa9: {  	[dreg:$0x3] =	wrdreg s5  }
0xaa: {  	[dreg:$0x4] =	wrdreg $0xC0  }
0xab: {  	_ =	task [dreg:s7], $0x5FFFF  }
0xac: {  	[dreg:$0x1] =	wrdreg $0xFFFFFFFF  }
0xad: {  	[dreg:$0x0] =	wrdreg $0x60  }
0xae: {  	[dreg:$0x2] =	wrdreg s2  }
0xaf: {  	[dreg:$0x3] =	wrdreg s24  }
0xb0: {  	[dreg:$0x4] =	wrdreg $0x41400  }
0xb1: {  	[dreg:$0x5] =	wrdreg $0x1C9400  }
0xb2: {  	[dreg:$0x6] =	wrdreg $0x9  }
0xb3: {  	_ =	task.clear_ibuf [dreg:s7], $0x7FFFF;
	_ =	strace $0x90000046  }
0xb4: {  	s29 =	simm.s32 $0x9;
	_ =	strace $0x80000048  }
0xb5: {  	_ =	swait.ge [sflag:s29], $0x1  }
0xb6: {  	[sflag:s29] =	ssyncadd.s32 $0xFFFFFFFF  }
0xb7: {  	_ =	strace $0x90000048  }
0xb8: {  	_ =	sfence  }
0xb9: {  	s30 =	sld [smem:$0x0];
	_ =	sdelay $0x2  }
0xba: {  	s31 =	sshll.u32 s1, $0xD;
	s1 =	sshrl.u32 s1, $0x2  }
0xbb: {  	s3 =	sand.u32 $0x4000, s31;
	s1 =	sadd.s32 s1, s30  }
0xbc: {  	s0 =	sor.u32 s3, s0;
	s1 =	sshll.u32 s1, $0x11  }
0xbd: {  	s0 =	sor.u32 s1, s0  }
0xbe: {  	s0 =	sadd.s32 $0x8F2B, s0  }
0xbf: {  	[sflag:s0] =	ssyncadd.remote.s32 $0x1  }
0xc0: {  	_ =	sfence.sel $0xFFFF  }
0xc1: {  	[dreg:$0x0] =	wrdreg $0xFFFFFFFF;
	(pc) =	sbr.abs _section_cstart, $3  }
0xc2: {  	[dreg:$0x1] =	wrdreg $0xFFFFFFFF  }
0xc3: {  	_ =	task.clear_ibuf [dreg:s7], $0x2FFFF;
	_ =	strace $0x9FFFFFFF  }
0xc4: {  	(tm) =	ssettm $0x7FFFFFFF  }
0xc5: {  	_ =	shalt  }
tec
execute0_lowered:
.L_overlay_start_1:
0x0: {  	(tag) =	ssettag $0x1  }
0x1: {  	s0 =	rddreg [dreg:$0x0]  }
0x2: {  	s3 =	rddreg [dreg:$0x1]  }
0x3: {  	s1 =	srdreg.scid;
	s4 =	rddreg [dreg:$0x2]  }
0x4: {  	s17 =	stileid.u32;
	s12 =	rddreg [dreg:$0x3]  }
0x5: {  	s2 =	simm.s32 $0x0;
	s31 =	simm.s32 $0x0;
	s11 =	smul.u32 $0xC40, s17  }
0x6: {  	s1 =	sand.u32 $0x1, s1;
	[smem:$0x7FF] =	sst s2;
	s7 =	smul.u32 $0x62000, s17  }
0x7: {  	s13 =	sshll.u32 s17, $0x4;
	s5 =	smul.u32 $0xC400, s1;
	_ =	strace $0x80000047  }
0x8: {  	s18 =	ssub.s32 $0x2, s1;
	s1 =	smul.u32 $0xC350, s1;
	s0 =	sadd.s32 s0, s13  }
0x9: {  	s13 =	sshll.u32 s17, $0x7;
	s7 =	sshrl.u32 s7, $0x2;
	s19 =	sshrl.u32 s18, $0x1  }
0xa: {  	[dreg:$0x5] =	wrdreg s0;
	s0 =	sadd.s32 $0x100, s0;
	s5 =	sadd.s32 s11, s5  }
0xb: {  	s16 =	ssub.s32 s18, s19;
	s11 =	sadd.s32 s11, s12;
	[dreg:$0x6] =	wrdreg s0  }
0xc: {  	s12 =	simm.s32 $0x3500;
	s0 =	simm.s32 $0x2;
	s6 =	sshll.u32 s5, $0x2  }
0xd: {  	s5 =	sshrl.u32 s5, $0x3;
	s30 =	smax.u32 s16, $0x1;
	s14 =	sadd.s32 s6, s3  }
0xe: {  	s15 =	sadd.s32 s5, s3;
	[dreg:$0x10] =	wrdreg s30;
	s20 =	sadd.s32 $0x6E000, s14  }
0xf: {  	s3 =	sadd.s32 s7, s4;
	s21 =	sadd.s32 $0x6E620, s14;
	[dreg:$0x7] =	wrdreg s20  }
0x10: {  	s4 =	sadd.s32 $0x3100, s3;
	s22 =	sadd.s32 $0x6EC40, s14;
	[dreg:$0x8] =	wrdreg s21  }
0x11: {  	s5 =	sadd.s32 $0x6200, s3;
	s23 =	sadd.s32 $0x6F260, s14;
	[dreg:$0x9] =	wrdreg s22  }
0x12: {  	s6 =	sadd.s32 $0x9300, s3;
	s24 =	sadd.s32 $0x6F880, s14;
	[dreg:$0xa] =	wrdreg s23  }
0x13: {  	s7 =	sadd.s32 $0xC400, s3;
	s25 =	sadd.s32 $0x6FEA0, s14;
	[dreg:$0xb] =	wrdreg s24  }
0x14: {  	s8 =	sadd.s32 $0xF500, s3;
	s26 =	sadd.s32 $0x704C0, s14;
	[dreg:$0xc] =	wrdreg s25  }
0x15: {  	s9 =	sadd.s32 $0x12600, s3;
	s28 =	sadd.s32 $0x70AE0, s14;
	[dreg:$0xd] =	wrdreg s26  }
0x16: {  	s10 =	sadd.s32 $0x15700, s3;
	s29 =	sadd.s32 $0x6AE00, s15;
	[dreg:$0xe] =	wrdreg s28  }
0x17: {  	v1 =	vimm.f32 $0.0e+00;
	v2 =	vimm.f32 $1.000000000e+00;
	v0 =	vmov s1;
	[dreg:$0xf] =	wrdreg s29;
	s25 =	simm.s32 $0x400;
	s26 =	simm.s32 $0x3  }
.LBB2_1:
0x18: {  	s14 =	simm.s32 $0x0  }
.LBB2_2:
0x19: {  	p0 =	sne.s32 s14, $0xC380  }
.Ltmp0:
0x1a: {  	_ = 	snop;
	(pc) =	sbr.rel @p0 .LBB2_2-.Ltmp0, $4  }
0x1b: {  	_ = 	snop  }
0x1c: {  	s15 =	sshra.s32 s14, $0x2  }
0x1d: {  	[tilespmem:s15+$0x400] =	vst v1  }
0x1e: {  	s14 =	sadd.s32 $0x80, s14;
	[tilespmem:s15+$0x410] =	vst v1  }
0x1f: {  	s14 =	simm.s32 $0x40;
	s15 =	simm.s32 $0x0  }
.LBB2_4:
0x20: {  	p0 =	sne.s32 s14, $0x30C0;
	[tilespmem:s15+$0x3500] =	vst v1;
	s15 =	smov.u32 s14;
	s14 =	sadd.s32 $0x40, s14  }
.Ltmp1:
0x21: {  	(pc) =	sbr.rel @p0 .LBB2_4-.Ltmp1, $2  }
0x22: {  	_ =	sdelay $0x2  }
0x23: {  	s15 =	sshra.s32 s15, $0x2  }
0x24: {  	[tilespmem:s15+$0x3500] =	vst v1  }
0x25: {  	[spmem:s3] =	stream.linear.scatter [tilespmem:s25], [sflag:$0x3], $0x3100, $0x38;
	[tilespmem:$0x1D580] =	vst v63  }
0x26: {  	_ =	swait.ge [sflag:s26], $0x3100  }
0x27: {  	[sflag:s26] =	ssyncset.done $0x0  }
0x28: {  	[sflag:s26] =	ssyncadd.s32 $0xFFFFCF00  }
0x29: {  	[spmem:s4] =	stream.linear.scatter [tilespmem:s25], [sflag:$0x3], $0x3100, $0x38;
	[tilespmem:$0x1D580] =	vst v63  }
0x2a: {  	_ =	swait.ge [sflag:s26], $0x3100  }
0x2b: {  	[sflag:s26] =	ssyncset.done $0x0  }
0x2c: {  	[sflag:s26] =	ssyncadd.s32 $0xFFFFCF00  }
0x2d: {  	[spmem:s5] =	stream.linear.scatter [tilespmem:s25], [sflag:$0x3], $0x3100, $0x38;
	[tilespmem:$0x1D580] =	vst v63  }
0x2e: {  	_ =	swait.ge [sflag:s26], $0x3100  }
0x2f: {  	[sflag:s26] =	ssyncset.done $0x0  }
0x30: {  	[sflag:s26] =	ssyncadd.s32 $0xFFFFCF00  }
0x31: {  	[spmem:s6] =	stream.linear.scatter [tilespmem:s25], [sflag:$0x3], $0x3100, $0x38;
	[tilespmem:$0x1D580] =	vst v63  }
0x32: {  	_ =	swait.ge [sflag:s26], $0x3100  }
0x33: {  	[sflag:s26] =	ssyncset.done $0x0  }
0x34: {  	[sflag:s26] =	ssyncadd.s32 $0xFFFFCF00  }
0x35: {  	[spmem:s7] =	stream.linear.scatter [tilespmem:s25], [sflag:$0x3], $0x3100, $0x38;
	[tilespmem:$0x1D580] =	vst v63  }
0x36: {  	_ =	swait.ge [sflag:s26], $0x3100  }
0x37: {  	[sflag:s26] =	ssyncset.done $0x0  }
0x38: {  	[sflag:s26] =	ssyncadd.s32 $0xFFFFCF00  }
0x39: {  	[spmem:s8] =	stream.linear.scatter [tilespmem:s25], [sflag:$0x3], $0x3100, $0x38;
	[tilespmem:$0x1D580] =	vst v63  }
0x3a: {  	_ =	swait.ge [sflag:s26], $0x3100  }
0x3b: {  	[sflag:s26] =	ssyncset.done $0x0  }
0x3c: {  	[sflag:s26] =	ssyncadd.s32 $0xFFFFCF00  }
0x3d: {  	[spmem:s9] =	stream.linear.scatter [tilespmem:s25], [sflag:$0x3], $0x3100, $0x38;
	[tilespmem:$0x1D580] =	vst v63  }
0x3e: {  	_ =	swait.ge [sflag:s26], $0x3100  }
0x3f: {  	[sflag:s26] =	ssyncset.done $0x0  }
0x40: {  	[sflag:s26] =	ssyncadd.s32 $0xFFFFCF00  }
0x41: {  	[spmem:s10] =	stream.linear.scatter [tilespmem:s25], [sflag:$0x3], $0x3100, $0x38;
	[tilespmem:$0x1D580] =	vst v63  }
0x42: {  	_ =	swait.ge [sflag:s26], $0x3100  }
0x43: {  	[sflag:s26] =	ssyncset.done $0x0  }
0x44: {  	[sflag:s26] =	ssyncadd.s32 $0xFFFFCF00  }
0x45: {  	[spmem:s11] =	stream.linear.scatter [tilespmem:s12], [sflag:$0x3], $0xC40, $0x38;
	[tilespmem:$0x1D580] =	vst v63  }
0x46: {  	_ =	swait.ge [sflag:s26], $0xC40  }
0x47: {  	[sflag:s26] =	ssyncset.done $0x0  }
0x48: {  	[sflag:s26] =	ssyncadd.s32 $0xFFFFF3C0  }
0x49: {  	s14 =	simm.s32 $0x0;
	[bflag:$0x0] =	sbarrier.arrive $0xFFFF  }
0x4a: {  	s24 =	simm.s32 $0x80;
	s28 =	simm.s32 $0x187000;
	s1 =	rddreg [dreg:$0x5]  }
0x4b: {  	[tilespmem:s14], [sflag:$0x1] =	stream.strided.gather [hbm4b:s1+s24], $0x100, s28, s24, $0x38;
	[tilespmem:$0x1D580] =	vst v63  }
0x4c: {  	s16 =	simm.s32 $0x100;
	s30 =	simm.s32 $0x1;
	s29 =	rddreg [dreg:$0x6]  }
0x4d: {  	[tilespmem:s16], [sflag:$0x2] =	stream.strided.gather [hbm4b:s29+s24], $0x100, s28, s24, $0x38;
	[tilespmem:$0x1D580] =	vst v63  }
0x4e: {  	_ =	swait.ge [sflag:s30], $0x100  }
0x4f: {  	[sflag:s30] =	ssyncset.done $0x0  }
0x50: {  	[sflag:s30] =	ssyncadd.s32 $0xFFFFFF00  }
0x51: {  	v16 =	vld [tilespmem:$0x80]  }
0x52: {  	v17 =	vld [tilespmem:$0x90]  }
0x53: {  	v15 =	vld [tilespmem:$0xA0]  }
0x54: {  	v14 =	vld [tilespmem:$0xB0]  }
0x55: {  	v13 =	vld [tilespmem:$0xC0]  }
0x56: {  	v12 =	vld [tilespmem:$0xD0]  }
0x57: {  	v11 =	vld [tilespmem:$0xE0]  }
0x58: {  	[tilespmem:$0x3F0] =	vst v2;
	v10 =	vld [tilespmem:$0xF0]  }
0x59: {  	[tilespmem:$0x3E0] =	vst v2;
	v9 =	vld [tilespmem:$0x180]  }
0x5a: {  	[tilespmem:$0x3D0] =	vst v2;
	v8 =	vld [tilespmem:$0x190]  }
0x5b: {  	v7 =	vld [tilespmem:$0x1A0];
	[tilespmem:$0x3C0] =	vst v2  }
0x5c: {  	[tilespmem:$0x3B0] =	vst v2;
	v6 =	vld [tilespmem:$0x1B0]  }
0x5d: {  	[tilespmem:$0x3A0] =	vst v2;
	v5 =	vld [tilespmem:$0x1C0]  }
0x5e: {  	[tilespmem:$0x390] =	vst v2;
	v4 =	vld [tilespmem:$0x1D0]  }
0x5f: {  	[tilespmem:$0x380] =	vst v2;
	v3 =	vld [tilespmem:$0x1E0]  }
0x60: {  	s15 =	simm.s32 $0x1000;
	[tilespmem:$0x370] =	vst v2;
	v18 =	vld [tilespmem:$0x1F0];
	v16 =	vsub.s32 v16, v0;
	v17 =	vsub.s32 v17, v0  }
.LBB2_6:
0x61: {  	p0 =	sne.s32 s15, $0x186000;
	v15 =	vsub.s32 v15, v0;
	v14 =	vsub.s32 v14, v0;
	v13 =	vsub.s32 v13, v0;
	[tilespmem:$0x360] =	vst v2  }
0x62: {  	v12 =	vsub.s32 v12, v0;
	v11 =	vsub.s32 v11, v0;
	v10 =	vsub.s32 v10, v0;
	[tilespmem:$0x350] =	vst v2  }
0x63: {  	v9 =	vsub.s32 v9, v0;
	v8 =	vsub.s32 v8, v0;
	v7 =	vsub.s32 v7, v0;
	[tilespmem:$0x340] =	vst v2  }
0x64: {  	s16 =	sadd.s32 s14, s13;
	v6 =	vsub.s32 v6, v0;
	s14 =	smov.u32 s15;
	v5 =	vsub.s32 v5, v0;
	v4 =	vsub.s32 v4, v0;
	[tilespmem:$0x330] =	vst v2  }
0x65: {  	v16 =	vmin.u32 v16, $0xC350;
	s17 =	sadd.s32 $0x10, s16;
	s18 =	sadd.s32 $0x20, s16;
	s19 =	sadd.s32 $0x870, s16;
	v3 =	vsub.s32 v3, v0;
	[tilespmem:$0x320] =	vst v2;
	v18 =	vsub.s32 v18, v0  }
0x66: {  	v17 =	vmin.u32 v17, $0xC350;
	v15 =	vmin.u32 v15, $0xC350;
	s20 =	sadd.s32 $0x30, s16;
	s29 =	sadd.s32 $0x40, s16;
	p1 =	slt.u32 s19, $0x186A00;
	[tilespmem:$0x310] =	vst v2;
	v18 =	vmin.u32 v18, $0xC350  }
0x67: {  	v14 =	vmin.u32 v14, $0xC350;
	v13 =	vmin.u32 v13, $0xC350;
	s21 =	sadd.s32 $0x60, s16;
	s30 =	sadd.s32 $0x70, s16;
	s19 =	sadd.s32 $0x50, s16;
	[tilespmem:$0x300] =	vst v2;
	v18 =	vpsel !p1, $0xC350, v18  }
0x68: {  	v12 =	vmin.u32 v12, $0xC350;
	v11 =	vmin.u32 v11, $0xC350;
	v10 =	vmin.u32 v10, $0xC350;
	s22 =	sadd.s32 $0x800, s16;
	s23 =	sadd.s32 $0x810, s16;
	s24 =	sadd.s32 $0x820, s16;
	[tilespmem:$0x2F0] =	vst v18  }
0x69: {  	v9 =	vmin.u32 v9, $0xC350;
	v8 =	vmin.u32 v8, $0xC350;
	v7 =	vmin.u32 v7, $0xC350;
	s12 =	sadd.s32 $0x830, s16;
	s28 =	sadd.s32 $0x840, s16;
	s1 =	sadd.s32 $0x850, s16;
	[tilespmem:$0x3F0] =	vst v2  }
0x6a: {  	v6 =	vmin.u32 v6, $0xC350;
	p2 =	slt.u32 s18, $0x186A00;
	v5 =	vmin.u32 v5, $0xC350;
	v4 =	vmin.u32 v4, $0xC350;
	p1 =	slt.u32 s17, $0x186A00;
	s17 =	sadd.s32 $0x860, s16;
	[tilespmem:$0x3E0] =	vst v2  }
0x6b: {  	v15 =	vpsel !p2, $0xC350, v15;
	p2 =	slt.u32 s29, $0x186A00;
	p3 =	slt.u32 s19, $0x186A00;
	v3 =	vmin.u32 v3, $0xC350;
	v17 =	vpsel !p1, $0xC350, v17;
	p1 =	slt.u32 s20, $0x186A00;
	[tilespmem:$0x3D0] =	vst v2  }
0x6c: {  	v13 =	vpsel !p2, $0xC350, v13;
	v12 =	vpsel !p3, $0xC350, v12;
	p2 =	slt.u32 s30, $0x186A00;
	p3 =	slt.u32 s22, $0x186A00;
	v14 =	vpsel !p1, $0xC350, v14;
	p1 =	slt.u32 s21, $0x186A00;
	[tilespmem:$0x210] =	vst v17  }
0x6d: {  	v10 =	vpsel !p2, $0xC350, v10;
	v9 =	vpsel !p3, $0xC350, v9;
	p2 =	slt.u32 s24, $0x186A00;
	p3 =	slt.u32 s12, $0x186A00;
	v11 =	vpsel !p1, $0xC350, v11;
	p1 =	slt.u32 s23, $0x186A00;
	[tilespmem:$0x220] =	vst v15  }
0x6e: {  	v7 =	vpsel !p2, $0xC350, v7;
	v6 =	vpsel !p3, $0xC350, v6;
	p2 =	slt.u32 s1, $0x186A00;
	p3 =	slt.u32 s17, $0x186A00;
	v8 =	vpsel !p1, $0xC350, v8;
	p1 =	slt.u32 s28, $0x186A00;
	[tilespmem:$0x230] =	vst v14  }
0x6f: {  	p4 =	slt.u32 s16, $0x186A00;
	v4 =	vpsel !p2, $0xC350, v4;
	v3 =	vpsel !p3, $0xC350, v3;
	v5 =	vpsel !p1, $0xC350, v5;
	[tilespmem:$0x240] =	vst v13  }
0x70: {  	v13 =	vpsel !p4, $0xC350, v16;
	[tilespmem:$0x250] =	vst v12  }
0x71: {  	v16 =	vld [tilespmem:$0x80];
	[tilespmem:$0x200] =	vst v13  }
0x72: {  	v17 =	vld [tilespmem:$0x90];
	[tilespmem:$0x260] =	vst v11  }
0x73: {  	v15 =	vld [tilespmem:$0xA0];
	[tilespmem:$0x270] =	vst v10  }
0x74: {  	v14 =	vld [tilespmem:$0xB0];
	[tilespmem:$0x280] =	vst v9  }
0x75: {  	v13 =	vld [tilespmem:$0xC0];
	[tilespmem:$0x290] =	vst v8  }
0x76: {  	v12 =	vld [tilespmem:$0xD0];
	[tilespmem:$0x2A0] =	vst v7  }
0x77: {  	v11 =	vld [tilespmem:$0xE0];
	[tilespmem:$0x2B0] =	vst v6  }
0x78: {  	v10 =	vld [tilespmem:$0xF0];
	[tilespmem:$0x2C0] =	vst v5  }
0x79: {  	v9 =	vld [tilespmem:$0x180];
	[tilespmem:$0x2D0] =	vst v4  }
0x7a: {  	v8 =	vld [tilespmem:$0x190];
	[tilespmem:$0x2E0] =	vst v3  }
0x7b: {  	v7 =	vld [tilespmem:$0x1A0];
	[tilespmem:$0x3C0] =	vst v2  }
.Ltmp2:
0x7c: {  	[tilespmem:$0x3B0] =	vst v2;
	v6 =	vld [tilespmem:$0x1B0];
	(pc) =	sbr.rel @p0 .LBB2_6-.Ltmp2, $4  }
0x7d: {  	[tilespmem:$0x3A0] =	vst v2;
	v5 =	vld [tilespmem:$0x1C0]  }
0x7e: {  	[tilespmem:$0x390] =	vst v2;
	v4 =	vld [tilespmem:$0x1D0]  }
0x7f: {  	[tilespmem:$0x380] =	vst v2;
	v3 =	vld [tilespmem:$0x1E0]  }
0x80: {  	s15 =	sadd.s32 $0x1000, s15;
	v16 =	vsub.s32 v16, v0;
	v17 =	vsub.s32 v17, v0;
	[tilespmem:$0x370] =	vst v2;
	v18 =	vld [tilespmem:$0x1F0]  }
0x81: {  	[tilespmem:$0x360] =	vst v2  }
0x82: {  	[tilespmem:$0x350] =	vst v2  }
0x83: {  	[tilespmem:$0x340] =	vst v2  }
0x84: {  	[tilespmem:$0x330] =	vst v2  }
0x85: {  	s14 =	sadd.s32 s14, s13;
	[tilespmem:$0x320] =	vst v2  }
0x86: {  	[tilespmem:$0x310] =	vst v2;
	v62 =	vmin.u32 v16, $0xC350;
	s18 =	sadd.s32 $0x10, s14;
	p2 =	slt.u32 s14, $0x186A00  }
0x87: {  	v15 =	vsub.s32 v15, v0;
	v17 =	vmin.u32 v17, $0xC350;
	[tilespmem:$0x300] =	vst v2;
	s19 =	sadd.s32 $0x20, s14;
	p1 =	slt.u32 s18, $0x186A00;
	v63 =	vpsel !p2, $0xC350, v62  }
0x88: {  	v14 =	vsub.s32 v14, v0;
	v15 =	vmin.u32 v15, $0xC350;
	s20 =	sadd.s32 $0x30, s14;
	p3 =	slt.u32 s19, $0x186A00;
	v17 =	vpsel !p1, $0xC350, v17;
	[tilespmem:$0x200] =	vst v63  }
0x89: {  	v13 =	vsub.s32 v13, v0;
	s21 =	sadd.s32 $0x40, s14;
	v14 =	vmin.u32 v14, $0xC350;
	p4 =	slt.u32 s20, $0x186A00;
	v15 =	vpsel !p3, $0xC350, v15;
	[tilespmem:$0x210] =	vst v17  }
0x8a: {  	v12 =	vsub.s32 v12, v0;
	v13 =	vmin.u32 v13, $0xC350;
	s22 =	sadd.s32 $0x50, s14;
	p5 =	slt.u32 s21, $0x186A00;
	v14 =	vpsel !p4, $0xC350, v14;
	[tilespmem:$0x220] =	vst v15  }
0x8b: {  	v7 =	vsub.s32 v7, v0;
	v12 =	vmin.u32 v12, $0xC350;
	s30 =	sadd.s32 $0x820, s14;
	p6 =	slt.u32 s22, $0x186A00;
	v13 =	vpsel !p5, $0xC350, v13;
	[tilespmem:$0x230] =	vst v14  }
0x8c: {  	v11 =	vsub.s32 v11, v0;
	s23 =	sadd.s32 $0x60, s14;
	v7 =	vmin.u32 v7, $0xC350;
	p2 =	slt.u32 s30, $0x186A00;
	v12 =	vpsel !p6, $0xC350, v12;
	[tilespmem:$0x240] =	vst v13  }
0x8d: {  	v10 =	vsub.s32 v10, v0;
	s24 =	sadd.s32 $0x70, s14;
	v11 =	vmin.u32 v11, $0xC350;
	p3 =	slt.u32 s23, $0x186A00;
	v7 =	vpsel !p2, $0xC350, v7;
	[tilespmem:$0x250] =	vst v12  }
0x8e: {  	v9 =	vsub.s32 v9, v0;
	v10 =	vmin.u32 v10, $0xC350;
	s28 =	sadd.s32 $0x800, s14;
	p4 =	slt.u32 s24, $0x186A00;
	v11 =	vpsel !p3, $0xC350, v11;
	[tilespmem:$0x2A0] =	vst v7  }
0x8f: {  	v8 =	vsub.s32 v8, v0;
	s29 =	sadd.s32 $0x810, s14;
	v9 =	vmin.u32 v9, $0xC350;
	p5 =	slt.u32 s28, $0x186A00;
	v10 =	vpsel !p4, $0xC350, v10;
	[tilespmem:$0x260] =	vst v11  }
0x90: {  	v6 =	vsub.s32 v6, v0;
	v8 =	vmin.u32 v8, $0xC350;
	s12 =	sadd.s32 $0x830, s14;
	p6 =	slt.u32 s29, $0x186A00;
	v9 =	vpsel !p5, $0xC350, v9;
	[tilespmem:$0x270] =	vst v10  }
0x91: {  	v5 =	vsub.s32 v5, v0;
	s15 =	sadd.s32 $0x840, s14;
	v6 =	vmin.u32 v6, $0xC350;
	v8 =	vpsel !p6, $0xC350, v8;
	p3 =	slt.u32 s12, $0x186A00;
	[tilespmem:$0x280] =	vst v9  }
0x92: {  	s16 =	sadd.s32 $0x850, s14;
	v4 =	vsub.s32 v4, v0;
	v5 =	vmin.u32 v5, $0xC350;
	p4 =	slt.u32 s15, $0x186A00;
	[tilespmem:$0x290] =	vst v8;
	v6 =	vpsel !p3, $0xC350, v6  }
0x93: {  	s17 =	sadd.s32 $0x860, s14;
	v3 =	vsub.s32 v3, v0;
	v4 =	vmin.u32 v4, $0xC350;
	p5 =	slt.u32 s16, $0x186A00;
	v5 =	vpsel !p4, $0xC350, v5;
	[tilespmem:$0x2B0] =	vst v6  }
0x94: {  	s1 =	sadd.s32 $0x870, s14;
	v18 =	vsub.s32 v18, v0;
	p6 =	slt.u32 s17, $0x186A00;
	v3 =	vmin.u32 v3, $0xC350;
	v4 =	vpsel !p5, $0xC350, v4;
	[tilespmem:$0x2C0] =	vst v5  }
0x95: {  	p0 =	slt.u32 s1, $0x186A00;
	v18 =	vmin.u32 v18, $0xC350;
	v3 =	vpsel !p6, $0xC350, v3;
	[tilespmem:$0x2D0] =	vst v4  }
0x96: {  	v18 =	vpsel !p0, $0xC350, v18;
	[tilespmem:$0x2E0] =	vst v3  }
0x97: {  	[tilespmem:$0x2F0] =	vst v18  }
0x98: {  	_ =	swait.ge [sflag:s0], $0x100  }
0x99: {  	[sflag:s0] =	ssyncset.done $0x0  }
0x9a: {  	[sflag:s0] =	ssyncadd.s32 $0xFFFFFF00  }
0x9b: {  	[bflag:$0x0] =	sbarrier.arrive $0xFFFF  }
0x9c: {  	[tilespmem:s25], [sflag:$0x3] =	stream.linear.gather [spmem:s3], $0x3100, $0x38;
	[tilespmem:$0x1D580] =	vst v63  }
0x9d: {  	_ =	swait.ge [sflag:s26], $0x3100  }
0x9e: {  	[sflag:s26] =	ssyncset.done $0x0  }
0x9f: {  	s18 =	rddreg [dreg:$0x7];
	[sflag:s26] =	ssyncadd.s32 $0xFFFFCF00  }
0xa0: {  	[hbm4b:s18+s2] =	stream.linear.scatter [tilespmem:s25], [sflag:$0x3], $0x3100, $0x38;
	[tilespmem:$0x1D580] =	vst v63  }
0xa1: {  	_ =	swait.ge [sflag:s26], $0x3100  }
0xa2: {  	[sflag:s26] =	ssyncset.done $0x0  }
0xa3: {  	[sflag:s26] =	ssyncadd.s32 $0xFFFFCF00  }
0xa4: {  	[tilespmem:s25], [sflag:$0x3] =	stream.linear.gather [spmem:s4], $0x3100, $0x38;
	[tilespmem:$0x1D580] =	vst v63  }
0xa5: {  	_ =	swait.ge [sflag:s26], $0x3100  }
0xa6: {  	[sflag:s26] =	ssyncset.done $0x0  }
0xa7: {  	s19 =	rddreg [dreg:$0x8];
	[sflag:s26] =	ssyncadd.s32 $0xFFFFCF00  }
0xa8: {  	[hbm4b:s19+s2] =	stream.linear.scatter [tilespmem:s25], [sflag:$0x3], $0x3100, $0x38;
	[tilespmem:$0x1D580] =	vst v63  }
0xa9: {  	_ =	swait.ge [sflag:s26], $0x3100  }
0xaa: {  	[sflag:s26] =	ssyncset.done $0x0  }
0xab: {  	[sflag:s26] =	ssyncadd.s32 $0xFFFFCF00  }
0xac: {  	[tilespmem:s25], [sflag:$0x3] =	stream.linear.gather [spmem:s5], $0x3100, $0x38;
	[tilespmem:$0x1D580] =	vst v63  }
0xad: {  	_ =	swait.ge [sflag:s26], $0x3100  }
0xae: {  	[sflag:s26] =	ssyncset.done $0x0  }
0xaf: {  	s20 =	rddreg [dreg:$0x9];
	[sflag:s26] =	ssyncadd.s32 $0xFFFFCF00  }
0xb0: {  	[hbm4b:s20+s2] =	stream.linear.scatter [tilespmem:s25], [sflag:$0x3], $0x3100, $0x38;
	[tilespmem:$0x1D580] =	vst v63  }
0xb1: {  	_ =	swait.ge [sflag:s26], $0x3100  }
0xb2: {  	[sflag:s26] =	ssyncset.done $0x0  }
0xb3: {  	[sflag:s26] =	ssyncadd.s32 $0xFFFFCF00  }
0xb4: {  	[tilespmem:s25], [sflag:$0x3] =	stream.linear.gather [spmem:s6], $0x3100, $0x38;
	[tilespmem:$0x1D580] =	vst v63  }
0xb5: {  	_ =	swait.ge [sflag:s26], $0x3100  }
0xb6: {  	[sflag:s26] =	ssyncset.done $0x0  }
0xb7: {  	s21 =	rddreg [dreg:$0xa];
	[sflag:s26] =	ssyncadd.s32 $0xFFFFCF00  }
0xb8: {  	[hbm4b:s21+s2] =	stream.linear.scatter [tilespmem:s25], [sflag:$0x3], $0x3100, $0x38;
	[tilespmem:$0x1D580] =	vst v63  }
0xb9: {  	_ =	swait.ge [sflag:s26], $0x3100  }
0xba: {  	[sflag:s26] =	ssyncset.done $0x0  }
0xbb: {  	[sflag:s26] =	ssyncadd.s32 $0xFFFFCF00  }
0xbc: {  	[tilespmem:s25], [sflag:$0x3] =	stream.linear.gather [spmem:s7], $0x3100, $0x38;
	[tilespmem:$0x1D580] =	vst v63  }
0xbd: {  	_ =	swait.ge [sflag:s26], $0x3100  }
0xbe: {  	[sflag:s26] =	ssyncset.done $0x0  }
0xbf: {  	s22 =	rddreg [dreg:$0xb];
	[sflag:s26] =	ssyncadd.s32 $0xFFFFCF00  }
0xc0: {  	[hbm4b:s22+s2] =	stream.linear.scatter [tilespmem:s25], [sflag:$0x3], $0x3100, $0x38;
	[tilespmem:$0x1D580] =	vst v63  }
0xc1: {  	_ =	swait.ge [sflag:s26], $0x3100  }
0xc2: {  	[sflag:s26] =	ssyncset.done $0x0  }
0xc3: {  	[sflag:s26] =	ssyncadd.s32 $0xFFFFCF00  }
0xc4: {  	[tilespmem:s25], [sflag:$0x3] =	stream.linear.gather [spmem:s8], $0x3100, $0x38;
	[tilespmem:$0x1D580] =	vst v63  }
0xc5: {  	_ =	swait.ge [sflag:s26], $0x3100  }
0xc6: {  	[sflag:s26] =	ssyncset.done $0x0  }
0xc7: {  	s23 =	rddreg [dreg:$0xc];
	[sflag:s26] =	ssyncadd.s32 $0xFFFFCF00  }
0xc8: {  	[hbm4b:s23+s2] =	stream.linear.scatter [tilespmem:s25], [sflag:$0x3], $0x3100, $0x38;
	[tilespmem:$0x1D580] =	vst v63  }
0xc9: {  	_ =	swait.ge [sflag:s26], $0x3100  }
0xca: {  	[sflag:s26] =	ssyncset.done $0x0  }
0xcb: {  	[sflag:s26] =	ssyncadd.s32 $0xFFFFCF00  }
0xcc: {  	[tilespmem:s25], [sflag:$0x3] =	stream.linear.gather [spmem:s9], $0x3100, $0x38;
	[tilespmem:$0x1D580] =	vst v63  }
0xcd: {  	_ =	swait.ge [sflag:s26], $0x3100  }
0xce: {  	[sflag:s26] =	ssyncset.done $0x0  }
0xcf: {  	s24 =	rddreg [dreg:$0xd];
	[sflag:s26] =	ssyncadd.s32 $0xFFFFCF00  }
0xd0: {  	[hbm4b:s24+s2] =	stream.linear.scatter [tilespmem:s25], [sflag:$0x3], $0x3100, $0x38;
	[tilespmem:$0x1D580] =	vst v63  }
0xd1: {  	_ =	swait.ge [sflag:s26], $0x3100  }
0xd2: {  	[sflag:s26] =	ssyncset.done $0x0  }
0xd3: {  	[sflag:s26] =	ssyncadd.s32 $0xFFFFCF00  }
0xd4: {  	[tilespmem:s25], [sflag:$0x3] =	stream.linear.gather [spmem:s10], $0x3100, $0x38;
	[tilespmem:$0x1D580] =	vst v63  }
0xd5: {  	_ =	swait.ge [sflag:s26], $0x3100  }
0xd6: {  	[sflag:s26] =	ssyncset.done $0x0  }
0xd7: {  	s28 =	rddreg [dreg:$0xe];
	[sflag:s26] =	ssyncadd.s32 $0xFFFFCF00  }
0xd8: {  	[hbm4b:s28+s2] =	stream.linear.scatter [tilespmem:s25], [sflag:$0x3], $0x3100, $0x38;
	[tilespmem:$0x1D580] =	vst v63  }
0xd9: {  	_ =	swait.ge [sflag:s26], $0x3100  }
0xda: {  	[sflag:s26] =	ssyncset.done $0x0  }
0xdb: {  	s12 =	simm.s32 $0x3500;
	[sflag:s26] =	ssyncadd.s32 $0xFFFFCF00  }
0xdc: {  	[tilespmem:s12], [sflag:$0x3] =	stream.linear.gather [spmem:s11], $0xC40, $0x38;
	[tilespmem:$0x1D580] =	vst v63  }
0xdd: {  	_ =	swait.ge [sflag:s26], $0xC40  }
0xde: {  	[sflag:s26] =	ssyncset.done $0x0  }
0xdf: {  	s29 =	rddreg [dreg:$0xf];
	[sflag:s26] =	ssyncadd.s32 $0xFFFFF3C0  }
0xe0: {  	[hbm4b:s29+s2] =	stream.linear.scatter [tilespmem:s12], [sflag:$0x3], $0xC40, $0x38;
	[tilespmem:$0x1D580] =	vst v63  }
0xe1: {  	_ =	swait.ge [sflag:s26], $0xC40  }
0xe2: {  	s31 =	sadd.s32 $0x1, s31;
	s30 =	rddreg [dreg:$0x10]  }
0xe3: {  	p0 =	sne.s32 s31, s30  }
.Ltmp3:
0xe4: {  	_ = 	snop;
	(pc) =	sbr.rel @p0 .LBB2_1-.Ltmp3, $3  }
0xe5: {  	_ =	sdelay $0x1  }
0xe6: {  	[sflag:s26] =	ssyncset.done $0x0  }
0xe7: {  	[sflag:s26] =	ssyncadd.s32 $0xFFFFF3C0  }
0xe8: {  	_ =	sfence.sel $0x180000  }
0xe9: {  	[bflag:$0x0] =	sbarrier.arrive $0xFFFF  }
0xea: {  	_ =	strace $0x90000047  }
0xeb: {  	s0 =	stileid.u32;
	[bflag:$0x2] =	sbarrier.arrive $0xFFFF  }
0xec: {  	p0 =	sne.s32 s0, $0x0;
	s0 =	rddreg [dreg:$0x4]  }
0xed: {  	s0 =	sadd.s32 @!p0 $0x100000, s0  }
0xee: {  	[sflag:s0] =	ssyncadd.tile.s32 @!p0 $0x1;
	_ =	shalt  }
.Lfunc_end2:
_tile_overlayer_lowered:
.L_overlay_start_2:
0xef: {  	(tag) =	ssettag $0x2  }
0xf0: {  	s0 =	rddreg [dreg:$0x0];
	s2 =	stileid.u32  }
0xf1: {  	s1 =	rddreg [dreg:$0x1];
	p0 =	sne.s32 s2, $0x0  }
0xf2: {  	s3 =	rddreg [dreg:$0x2];
	[bflag:$0x3] =	sbarrier.arrive $0xFFFF;
	s2 =	simm.s32 @!p0 $0x1C03  }
0xf3: {  	[timem:s3], [sflag:s2] =	dma.local @!p0 [hbm:s0], s1  }
0xf4: {  	s0 =	simm.s32 @!p0 $0x3  }
0xf5: {  	_ =	swait.ge @!p0 [sflag:s0], s1  }
0xf6: {  	s1 =	ssub.s32 @!p0 $0x0, s1;
	[sflag:s0] =	ssyncset.done @!p0 $0x0  }
0xf7: {  	[sflag:s0] =	ssyncadd.s32 @!p0 s1  }
0xf8: {  	[bflag:$0x3] =	sbarrier.arrive $0xFFFF  }
0xf9: {  	_ =	shalt  }

</sc_bundles>
